<compile_context>
chip_gen: v7x
topology: tpu7x:2x2x1
jax: 0.10.2.dev20260603
libtpu: 0.0.44.dev20260713+nightly
codegen_flags: <defaults>
</compile_context>

<pallas_src>
import jax
import jax.numpy as jnp
from jax import lax
from jax.experimental import pallas as pl
from jax.experimental.pallas import tpu as pltpu
from jax.experimental.pallas import tpu_sc as plsc

NC = 2
NS = 16
L = 16
NW = NC * NS

SC_ROWS = 256
BR = 256
CHUNK = 8

_P0 = 0.00014158017492749142
_P1 = 0.9954266617754249
_P2 = -0.4640707011025748
_P3 = 0.21640858368174304
_P4 = -0.05486231128931281


def _log1p_poly(z):
    p = _P4
    p = p * z + _P3
    p = p * z + _P2
    p = p * z + _P1
    return p * z + _P0


def _sc_body(featT_hbm, mr_hbm, mc_hbm, params_hbm, out_hbm,
             featT_v, ur_v, uc_v, params_v, rows_v, stage_v):
    V = featT_hbm.shape[1]
    rows_per_w = SC_ROWS // NW
    nchunks = rows_per_w // CHUNK
    ncols = V // L

    cid = lax.axis_index("c")
    sid = lax.axis_index("s")
    wid = sid * NC + cid

    pltpu.sync_copy(featT_hbm, featT_v)
    pltpu.sync_copy(params_hbm, params_v)

    def lane_splat(k):
        return plsc.load_gather(params_v, [jnp.full((L,), k, jnp.int32)])

    dwr = [lane_splat(4 + k) - lane_splat(k) for k in range(4)]
    dbr = lane_splat(9) - lane_splat(8)
    dwc = [lane_splat(14 + k) - lane_splat(10 + k) for k in range(4)]
    dbc = lane_splat(19) - lane_splat(18)

    def build_u(dw, u_ref):
        def step(i, carry):
            sl = pl.ds(i * L, L)
            u_ref[sl] = (dw[0] * featT_v[0, sl] + dw[1] * featT_v[1, sl]
                         + dw[2] * featT_v[2, sl] + dw[3] * featT_v[3, sl])
            return carry
        lax.fori_loop(0, ncols, step, 0)

    build_u(dwr, ur_v)
    build_u(dwc, uc_v)

    zero = jnp.zeros((L,), jnp.float32)

    def one_matrix(m_hbm, u_ref, db, slot):
        def chunk_loop(k, carry):
            base = wid * rows_per_w + k * CHUNK
            pltpu.sync_copy(m_hbm.at[pl.ds(base, CHUNK)], rows_v)
            uis = [plsc.load_gather(u_ref,
                                    [jnp.full((L,), base + r, jnp.int32)]) + db
                   for r in range(CHUNK)]

            def col_loop(cc, carry2):
                sl = pl.ds(cc * L, L)
                uj = u_ref[sl]
                out = []
                for r in range(CHUNK):
                    a2, w2 = carry2[r]
                    mv = rows_v[r, sl]
                    d = uis[r] - uj
                    nz = mv != 0
                    arg = jnp.where(nz, -d, d)
                    z = jnp.exp(-jnp.abs(d))
                    nll = jnp.maximum(arg, 0.0) + _log1p_poly(z)
                    w = jnp.where(nz, 1.0, 0.2)
                    out.append((a2 + w * nll, w2 + w))
                return tuple(out)

            return lax.fori_loop(0, ncols, col_loop, carry, unroll=2)

        parts = lax.fori_loop(0, nchunks, chunk_loop,
                              tuple((zero, zero) for _ in range(CHUNK)))
        acc = parts[0][0]
        wacc = parts[0][1]
        for r in range(1, CHUNK):
            acc = acc + parts[r][0]
            wacc = wacc + parts[r][1]
        stage_v[...] = acc
        pltpu.sync_copy(stage_v, out_hbm.at[slot, wid])
        stage_v[...] = wacc
        pltpu.sync_copy(stage_v, out_hbm.at[slot + 1, wid])

    one_matrix(mr_hbm, ur_v, dbr, 0)
    one_matrix(mc_hbm, uc_v, dbc, 2)


def _tc_body(feat_ref, featT_ref, mr_ref, mc_ref, wr_ref, wrT_ref, br_ref,
             wc_ref, wcT_ref, bc_ref, out_ref, acc_ref):
    step = pl.program_id(0)
    nsteps = pl.num_programs(0)

    @pl.when(step == 0)
    def _init():
        acc_ref[0] = 0.0
        acc_ref[1] = 0.0
        acc_ref[2] = 0.0
        acc_ref[3] = 0.0

    feat_blk = feat_ref[...]
    featT = featT_ref[...]

    def one_matrix(m_ref, w_ref, wT_ref, b_ref, slot):
        m = m_ref[...]
        w = w_ref[...]
        wT = wT_ref[...]
        dw_col = w[:, 1:2] - w[:, 0:1]
        dw_row = wT[1:2, :] - wT[0:1, :]
        db = b_ref[1] - b_ref[0]
        u_rows = jnp.sum(feat_blk * dw_row, axis=1, keepdims=True)
        u_cols = jnp.sum(featT * dw_col, axis=0, keepdims=True)
        d = u_rows - u_cols + db
        nz = m != 0
        arg = jnp.where(nz, -d, d)
        nll = jnp.maximum(arg, 0.0) + jnp.log(1.0 + jnp.exp(-jnp.abs(d)))
        wgt = jnp.where(nz, 1.0, 0.2)
        acc_ref[slot] += jnp.sum(wgt * nll)
        acc_ref[slot + 1] += jnp.sum(wgt)

    one_matrix(mr_ref, wr_ref, wrT_ref, br_ref, 0)
    one_matrix(mc_ref, wc_ref, wcT_ref, bc_ref, 2)

    @pl.when(step == nsteps - 1)
    def _fin():
        out_ref[0] = acc_ref[0]
        out_ref[1] = acc_ref[1]
        out_ref[2] = acc_ref[2]
        out_ref[3] = acc_ref[3]


def _finalize_body(sc_ref, tc_ref, out_ref):
    p = sc_ref[...]
    s0 = jnp.sum(p[0]) + tc_ref[0]
    s1 = jnp.sum(p[1]) + tc_ref[1]
    s2 = jnp.sum(p[2]) + tc_ref[2]
    s3 = jnp.sum(p[3]) + tc_ref[3]
    out_ref[0] = s0 / s1 + s2 / s3


def kernel(data, row_matrix, col_matrix, num_vertices, Wr, br, Wc, bc):
    del num_vertices
    V = row_matrix.shape[1]
    feat = data[0, :, :4]
    featT = jnp.transpose(feat)
    mr = row_matrix[0]
    mc = col_matrix[0]
    params = jnp.concatenate(
        [Wr[:, 0], Wr[:, 1], br, Wc[:, 0], Wc[:, 1], bc,
         jnp.zeros((12,), jnp.float32)])

    off = SC_ROWS // BR
    tc_steps = (V - SC_ROWS) // BR
    tc_partials = pl.pallas_call(
        _tc_body,
        grid=(tc_steps,),
        in_specs=[
            pl.BlockSpec((BR, 4), lambda i: (i + off, 0)),
            pl.BlockSpec((4, V), lambda i: (0, 0)),
            pl.BlockSpec((BR, V), lambda i: (i + off, 0)),
            pl.BlockSpec((BR, V), lambda i: (i + off, 0)),
            pl.BlockSpec((4, 2), lambda i: (0, 0)),
            pl.BlockSpec((2, 4), lambda i: (0, 0)),
            pl.BlockSpec(memory_space=pltpu.SMEM),
            pl.BlockSpec((4, 2), lambda i: (0, 0)),
            pl.BlockSpec((2, 4), lambda i: (0, 0)),
            pl.BlockSpec(memory_space=pltpu.SMEM),
        ],
        out_specs=pl.BlockSpec(memory_space=pltpu.SMEM),
        out_shape=jax.ShapeDtypeStruct((4,), jnp.float32),
        scratch_shapes=[pltpu.SMEM((4,), jnp.float32)],
        compiler_params=pltpu.CompilerParams(
            dimension_semantics=("arbitrary",),
        ),
    )(feat, featT, mr, mc, Wr, jnp.transpose(Wr), br, Wc, jnp.transpose(Wc), bc)

    mesh = plsc.VectorSubcoreMesh(core_axis_name="c", subcore_axis_name="s")
    sc_call = pl.kernel(
        _sc_body, mesh=mesh,
        out_type=jax.ShapeDtypeStruct((4, NW, L), jnp.float32),
        scratch_types=[
            pltpu.VMEM((4, V), jnp.float32),
            pltpu.VMEM((V,), jnp.float32),
            pltpu.VMEM((V,), jnp.float32),
            pltpu.VMEM((2 * L,), jnp.float32),
            pltpu.VMEM((CHUNK, V), jnp.int32),
            pltpu.VMEM((L,), jnp.float32),
        ],
        compiler_params=pltpu.CompilerParams(needs_layout_passes=False),
    )
    sc_partials = sc_call(featT, mr, mc, params)

    out = pl.pallas_call(
        _finalize_body,
        in_specs=[
            pl.BlockSpec((4, NW, L), lambda: (0, 0, 0)),
            pl.BlockSpec(memory_space=pltpu.SMEM),
        ],
        out_specs=pl.BlockSpec(memory_space=pltpu.SMEM),
        out_shape=jax.ShapeDtypeStruct((1,), jnp.float32),
    )(sc_partials, tc_partials)
    return out

# --- scband reference (transcript-rebuilt; emitter-appended) ---
"""Pipeline reference for scband-data-parallel-wrapper-55276229099977 (READ-ONLY COPY).

The authoritative reference and input builder live on the scoring server;
editing this copy changes nothing except your own understanding.
"""

import jax, jax.numpy as jnp
import numpy as np


def _weighted_ce(logits, gt, weights):
    logp = jax.nn.log_softmax(logits, axis=-1)
    nll = -jnp.take_along_axis(logp, gt[:, None], axis=1)[:, 0]
    w = weights[gt]
    return jnp.sum(w * nll) / jnp.sum(w)


def _prep(row_matrix, col_matrix):
    V = row_matrix.shape[1]
    ii, jj = jnp.meshgrid(jnp.arange(V), jnp.arange(V), indexing='ij')
    pairs = jnp.stack([ii.ravel(), jj.ravel()], axis=1)
    rflat = row_matrix[0].ravel()
    cflat = col_matrix[0].ravel()
    order_r = jnp.argsort(rflat == 0, stable=True)
    order_c = jnp.argsort(cflat == 0, stable=True)
    n_row = V * V
    n_col = V * V
    perm_r = jax.random.permutation(jax.random.key(1), n_row)
    perm_c = jax.random.permutation(jax.random.key(2), n_col)
    row_gt = (rflat[order_r] != 0).astype(jnp.int32)[perm_r]
    col_gt = (cflat[order_c] != 0).astype(jnp.int32)[perm_c]
    return pairs, order_r, order_c, perm_r, perm_c, row_gt, col_gt


def setup_inputs(seed: int = 0):
    key = jax.random.key(seed)
    k1, k2, k3, k4, k5 = jax.random.split(key, 5)
    B, N, V = 1, 2048, 2048
    data = jax.random.normal(k1, (B, N, 4), dtype=jnp.float32)
    row_matrix = jax.random.randint(k2, (B, V, V), 0, 2, dtype=jnp.int32)
    col_matrix = jax.random.randint(k3, (B, V, V), 0, 2, dtype=jnp.int32)
    num_vertices = jnp.ones((B,), dtype=jnp.int32)
    Wr = jax.random.normal(k4, (4, 2), dtype=jnp.float32) * 0.1
    br = jnp.zeros((2,), dtype=jnp.float32)
    Wc = jax.random.normal(k5, (4, 2), dtype=jnp.float32) * 0.1
    bc = jnp.zeros((2,), dtype=jnp.float32)
    return {"data": data, "row_matrix": row_matrix, "col_matrix": col_matrix,
            "num_vertices": num_vertices, "Wr": Wr, "br": br, "Wc": Wc, "bc": bc}


def reference(data, row_matrix, col_matrix, num_vertices, Wr, br, Wc, bc):
    pairs, order_r, order_c, perm_r, perm_c, row_gt, col_gt = _prep(row_matrix, col_matrix)
    # args.dgcnn == False path: all_features = data[:, :, :4].permute(0, 2, 1)
    all_features = jnp.transpose(data[:, :, :4], (0, 2, 1))  # [B, 4, N]
    feat = all_features[0].T  # [N, 4] (batch_size == 1, matching the squeeze in sampling)
    i_r = pairs[order_r, 0]; j_r = pairs[order_r, 1]
    i_c = pairs[order_c, 0]; j_c = pairs[order_c, 1]
    row_input = (feat[i_r] - feat[j_r])[perm_r]
    col_input = (feat[i_c] - feat[j_c])[perm_c]
    row_output = row_input @ Wr + br
    col_output = col_input @ Wc + bc
    loss_weights = jnp.array([0.2, 1.0], dtype=jnp.float32)
    row_loss = _weighted_ce(row_output, row_gt, loss_weights)
    col_loss = _weighted_ce(col_output, col_gt, loss_weights)
    loss = row_loss + col_loss
    return jnp.expand_dims(loss, 0)

if __name__ == "__main__":
    import jax
    _d = setup_inputs()
    print(jax.jit(kernel)(*tuple(_d.values())))

</pallas_src>

<mosaic_0001>
#map = affine_map<(d0, d1) -> (0, 0)>
#map1 = affine_map<(d0, d1) -> (0)>
#map2 = affine_map<(d0, d1) -> (0, 0, 0)>
module attributes {stable_mosaic.version = 14 : i64} {
  func.func @_sc_body(%arg0: i32, %arg1: i32, %arg2: memref<4x2048xf32, #tpu.memory_space<hbm>>, %arg3: memref<2048x2048xi32, #tpu.memory_space<hbm>>, %arg4: memref<2048x2048xi32, #tpu.memory_space<hbm>>, %arg5: memref<32xf32, #tpu.memory_space<hbm>>, %arg6: memref<4x32x16xf32, #tpu.memory_space<hbm>>, %arg7: memref<4x2048xf32, #tpu.memory_space<vmem>>, %arg8: memref<2048xf32, #tpu.memory_space<vmem>>, %arg9: memref<2048xf32, #tpu.memory_space<vmem>>, %arg10: memref<32xf32, #tpu.memory_space<vmem>>, %arg11: memref<8x2048xi32, #tpu.memory_space<vmem>>, %arg12: memref<16xf32, #tpu.memory_space<vmem>>) attributes {dimension_semantics = [#tpu.dimension_semantics<core_parallel>, #tpu.dimension_semantics<subcore_parallel>], iteration_bounds = array<i64: 2, 16>, scalar_prefetch = 0 : i64, scratch_operands = 6 : i64, tpu.core_type = #tpu.core_type<sc_vector_subcore>, window_params = [{transform_indices = #map}, {transform_indices = #map}, {transform_indices = #map}, {transform_indices = #map1}, {transform_indices = #map2}]} {
    %mul3A = arith.constant 2 : i32
    %mul3A_0 = arith.muli %arg1, %mul3A : i32
    %add3A = arith.addi %mul3A_0, %arg0 : i32
    "tpu.region"() ({
      %run_scoped3A_225 = tpu.sem_alloc : memref<!tpu.dma_semaphore, #tpu.memory_space<semaphore_mem>>
      tpu.enqueue_dma source(%arg2 : memref<4x2048xf32, #tpu.memory_space<hbm>>) target(%arg7 : memref<4x2048xf32, #tpu.memory_space<vmem>>) target_semaphore(%run_scoped3A_225 : memref<!tpu.dma_semaphore, #tpu.memory_space<semaphore_mem>>)
      tpu.wait_dma2 semaphore(%run_scoped3A_225 : memref<!tpu.dma_semaphore, #tpu.memory_space<semaphore_mem>>) src(%arg2 : memref<4x2048xf32, #tpu.memory_space<hbm>>) dst(%arg7 : memref<4x2048xf32, #tpu.memory_space<vmem>>)
      tpu.yield
    }) : () -> ()
    "tpu.region"() ({
      %run_scoped3A_225 = tpu.sem_alloc : memref<!tpu.dma_semaphore, #tpu.memory_space<semaphore_mem>>
      tpu.enqueue_dma source(%arg5 : memref<32xf32, #tpu.memory_space<hbm>>) target(%arg10 : memref<32xf32, #tpu.memory_space<vmem>>) target_semaphore(%run_scoped3A_225 : memref<!tpu.dma_semaphore, #tpu.memory_space<semaphore_mem>>)
      tpu.wait_dma2 semaphore(%run_scoped3A_225 : memref<!tpu.dma_semaphore, #tpu.memory_space<semaphore_mem>>) src(%arg5 : memref<32xf32, #tpu.memory_space<hbm>>) dst(%arg10 : memref<32xf32, #tpu.memory_space<vmem>>)
      tpu.yield
    }) : () -> ()
    %broadcast_in_dim3A = arith.constant 4 : i32
    %broadcast_in_dim3A_1 = vector.broadcast %broadcast_in_dim3A : i32 to vector<16xi32>
    %gather3A = tpu.vector_load_idx %arg10[%broadcast_in_dim3A_1] : memref<32xf32, #tpu.memory_space<vmem>>[vector<16xi32>], vector<16xf32>,
    %broadcast_in_dim3A_2 = arith.constant 0 : i32
    %broadcast_in_dim3A_3 = vector.broadcast %broadcast_in_dim3A_2 : i32 to vector<16xi32>
    %gather3A_4 = tpu.vector_load_idx %arg10[%broadcast_in_dim3A_3] : memref<32xf32, #tpu.memory_space<vmem>>[vector<16xi32>], vector<16xf32>,
    %sub3A = arith.subf %gather3A, %gather3A_4 : vector<16xf32>
    %broadcast_in_dim3A_5 = arith.constant 5 : i32
    %broadcast_in_dim3A_6 = vector.broadcast %broadcast_in_dim3A_5 : i32 to vector<16xi32>
    %gather3A_7 = tpu.vector_load_idx %arg10[%broadcast_in_dim3A_6] : memref<32xf32, #tpu.memory_space<vmem>>[vector<16xi32>], vector<16xf32>,
    %broadcast_in_dim3A_8 = arith.constant 1 : i32
    %broadcast_in_dim3A_9 = vector.broadcast %broadcast_in_dim3A_8 : i32 to vector<16xi32>
    %gather3A_10 = tpu.vector_load_idx %arg10[%broadcast_in_dim3A_9] : memref<32xf32, #tpu.memory_space<vmem>>[vector<16xi32>], vector<16xf32>,
    %sub3A_11 = arith.subf %gather3A_7, %gather3A_10 : vector<16xf32>
    %broadcast_in_dim3A_12 = arith.constant 6 : i32
    %broadcast_in_dim3A_13 = vector.broadcast %broadcast_in_dim3A_12 : i32 to vector<16xi32>
    %gather3A_14 = tpu.vector_load_idx %arg10[%broadcast_in_dim3A_13] : memref<32xf32, #tpu.memory_space<vmem>>[vector<16xi32>], vector<16xf32>,
    %broadcast_in_dim3A_15 = arith.constant 2 : i32
    %broadcast_in_dim3A_16 = vector.broadcast %broadcast_in_dim3A_15 : i32 to vector<16xi32>
    %gather3A_17 = tpu.vector_load_idx %arg10[%broadcast_in_dim3A_16] : memref<32xf32, #tpu.memory_space<vmem>>[vector<16xi32>], vector<16xf32>,
    %sub3A_18 = arith.subf %gather3A_14, %gather3A_17 : vector<16xf32>
    %broadcast_in_dim3A_19 = arith.constant 7 : i32
    %broadcast_in_dim3A_20 = vector.broadcast %broadcast_in_dim3A_19 : i32 to vector<16xi32>
    %gather3A_21 = tpu.vector_load_idx %arg10[%broadcast_in_dim3A_20] : memref<32xf32, #tpu.memory_space<vmem>>[vector<16xi32>], vector<16xf32>,
    %broadcast_in_dim3A_22 = arith.constant 3 : i32
    %broadcast_in_dim3A_23 = vector.broadcast %broadcast_in_dim3A_22 : i32 to vector<16xi32>
    %gather3A_24 = tpu.vector_load_idx %arg10[%broadcast_in_dim3A_23] : memref<32xf32, #tpu.memory_space<vmem>>[vector<16xi32>], vector<16xf32>,
    %sub3A_25 = arith.subf %gather3A_21, %gather3A_24 : vector<16xf32>
    %broadcast_in_dim3A_26 = arith.constant 9 : i32
    %broadcast_in_dim3A_27 = vector.broadcast %broadcast_in_dim3A_26 : i32 to vector<16xi32>
    %gather3A_28 = tpu.vector_load_idx %arg10[%broadcast_in_dim3A_27] : memref<32xf32, #tpu.memory_space<vmem>>[vector<16xi32>], vector<16xf32>,
    %broadcast_in_dim3A_29 = arith.constant 8 : i32
    %broadcast_in_dim3A_30 = vector.broadcast %broadcast_in_dim3A_29 : i32 to vector<16xi32>
    %gather3A_31 = tpu.vector_load_idx %arg10[%broadcast_in_dim3A_30] : memref<32xf32, #tpu.memory_space<vmem>>[vector<16xi32>], vector<16xf32>,
    %sub3A_32 = arith.subf %gather3A_28, %gather3A_31 : vector<16xf32>
    %broadcast_in_dim3A_33 = arith.constant 14 : i32
    %broadcast_in_dim3A_34 = vector.broadcast %broadcast_in_dim3A_33 : i32 to vector<16xi32>
    %gather3A_35 = tpu.vector_load_idx %arg10[%broadcast_in_dim3A_34] : memref<32xf32, #tpu.memory_space<vmem>>[vector<16xi32>], vector<16xf32>,
    %broadcast_in_dim3A_36 = arith.constant 10 : i32
    %broadcast_in_dim3A_37 = vector.broadcast %broadcast_in_dim3A_36 : i32 to vector<16xi32>
    %gather3A_38 = tpu.vector_load_idx %arg10[%broadcast_in_dim3A_37] : memref<32xf32, #tpu.memory_space<vmem>>[vector<16xi32>], vector<16xf32>,
    %sub3A_39 = arith.subf %gather3A_35, %gather3A_38 : vector<16xf32>
    %broadcast_in_dim3A_40 = arith.constant 15 : i32
    %broadcast_in_dim3A_41 = vector.broadcast %broadcast_in_dim3A_40 : i32 to vector<16xi32>
    %gather3A_42 = tpu.vector_load_idx %arg10[%broadcast_in_dim3A_41] : memref<32xf32, #tpu.memory_space<vmem>>[vector<16xi32>], vector<16xf32>,
    %broadcast_in_dim3A_43 = arith.constant 11 : i32
    %broadcast_in_dim3A_44 = vector.broadcast %broadcast_in_dim3A_43 : i32 to vector<16xi32>
    %gather3A_45 = tpu.vector_load_idx %arg10[%broadcast_in_dim3A_44] : memref<32xf32, #tpu.memory_space<vmem>>[vector<16xi32>], vector<16xf32>,
    %sub3A_46 = arith.subf %gather3A_42, %gather3A_45 : vector<16xf32>
    %broadcast_in_dim3A_47 = arith.constant 16 : i32
    %broadcast_in_dim3A_48 = vector.broadcast %broadcast_in_dim3A_47 : i32 to vector<16xi32>
    %gather3A_49 = tpu.vector_load_idx %arg10[%broadcast_in_dim3A_48] : memref<32xf32, #tpu.memory_space<vmem>>[vector<16xi32>], vector<16xf32>,
    %broadcast_in_dim3A_50 = arith.constant 12 : i32
    %broadcast_in_dim3A_51 = vector.broadcast %broadcast_in_dim3A_50 : i32 to vector<16xi32>
    %gather3A_52 = tpu.vector_load_idx %arg10[%broadcast_in_dim3A_51] : memref<32xf32, #tpu.memory_space<vmem>>[vector<16xi32>], vector<16xf32>,
    %sub3A_53 = arith.subf %gather3A_49, %gather3A_52 : vector<16xf32>
    %broadcast_in_dim3A_54 = arith.constant 17 : i32
    %broadcast_in_dim3A_55 = vector.broadcast %broadcast_in_dim3A_54 : i32 to vector<16xi32>
    %gather3A_56 = tpu.vector_load_idx %arg10[%broadcast_in_dim3A_55] : memref<32xf32, #tpu.memory_space<vmem>>[vector<16xi32>], vector<16xf32>,
    %broadcast_in_dim3A_57 = arith.constant 13 : i32
    %broadcast_in_dim3A_58 = vector.broadcast %broadcast_in_dim3A_57 : i32 to vector<16xi32>
    %gather3A_59 = tpu.vector_load_idx %arg10[%broadcast_in_dim3A_58] : memref<32xf32, #tpu.memory_space<vmem>>[vector<16xi32>], vector<16xf32>,
    %sub3A_60 = arith.subf %gather3A_56, %gather3A_59 : vector<16xf32>
    %broadcast_in_dim3A_61 = arith.constant 19 : i32
    %broadcast_in_dim3A_62 = vector.broadcast %broadcast_in_dim3A_61 : i32 to vector<16xi32>
    %gather3A_63 = tpu.vector_load_idx %arg10[%broadcast_in_dim3A_62] : memref<32xf32, #tpu.memory_space<vmem>>[vector<16xi32>], vector<16xf32>,
    %broadcast_in_dim3A_64 = arith.constant 18 : i32
    %broadcast_in_dim3A_65 = vector.broadcast %broadcast_in_dim3A_64 : i32 to vector<16xi32>
    %gather3A_66 = tpu.vector_load_idx %arg10[%broadcast_in_dim3A_65] : memref<32xf32, #tpu.memory_space<vmem>>[vector<16xi32>], vector<16xf32>,
    %sub3A_67 = arith.subf %gather3A_63, %gather3A_66 : vector<16xf32>
    %scan3A = arith.constant 0 : i32
    %scan3A_68 = arith.constant 0 : i32
    %scan3A_69 = arith.constant 128 : i32
    %scan3A_70 = arith.addi %scan3A_68, %scan3A_69 : i32
    %scan3A_71 = arith.constant 1 : i32
    scf.for %scan3A_225 = %scan3A_68 to %scan3A_70 step %scan3A_71  : i32 {
      %mul3A_226 = arith.constant 16 : i32
      %mul3A_227 = arith.muli %scan3A_225, %mul3A_226 : i32
      %get3A = arith.constant 0 : i32
      %get3A_228 = arith.index_cast %get3A : i32 to index
      %get3A_229 = arith.index_cast %mul3A_227 : i32 to index
      %get3A_230 = tpu.vector_load %arg7[%get3A_228, %get3A_229] {strides = array<i32>} : memref<4x2048xf32, #tpu.memory_space<vmem>>, vector<16xf32>,
      %mul3A_231 = arith.mulf %sub3A, %get3A_230 : vector<16xf32>
      %get3A_232 = arith.constant 1 : i32
      %get3A_233 = arith.index_cast %get3A_232 : i32 to index
      %get3A_234 = arith.index_cast %mul3A_227 : i32 to index
      %get3A_235 = tpu.vector_load %arg7[%get3A_233, %get3A_234] {strides = array<i32>} : memref<4x2048xf32, #tpu.memory_space<vmem>>, vector<16xf32>,
      %mul3A_236 = arith.mulf %sub3A_11, %get3A_235 : vector<16xf32>
      %add3A_237 = arith.addf %mul3A_231, %mul3A_236 : vector<16xf32>
      %get3A_238 = arith.constant 2 : i32
      %get3A_239 = arith.index_cast %get3A_238 : i32 to index
      %get3A_240 = arith.index_cast %mul3A_227 : i32 to index
      %get3A_241 = tpu.vector_load %arg7[%get3A_239, %get3A_240] {strides = array<i32>} : memref<4x2048xf32, #tpu.memory_space<vmem>>, vector<16xf32>,
      %mul3A_242 = arith.mulf %sub3A_18, %get3A_241 : vector<16xf32>
      %add3A_243 = arith.addf %add3A_237, %mul3A_242 : vector<16xf32>
      %get3A_244 = arith.constant 3 : i32
      %get3A_245 = arith.index_cast %get3A_244 : i32 to index
      %get3A_246 = arith.index_cast %mul3A_227 : i32 to index
      %get3A_247 = tpu.vector_load %arg7[%get3A_245, %get3A_246] {strides = array<i32>} : memref<4x2048xf32, #tpu.memory_space<vmem>>, vector<16xf32>,
      %mul3A_248 = arith.mulf %sub3A_25, %get3A_247 : vector<16xf32>
      %add3A_249 = arith.addf %add3A_243, %mul3A_248 : vector<16xf32>
      %swap3A_250 = arith.index_cast %mul3A_227 : i32 to index
      %swap3A_251 = tpu.vector_load %arg8[%swap3A_250] {strides = array<i32>} : memref<2048xf32, #tpu.memory_space<vmem>>, vector<16xf32>,
      tpu.vector_store %arg8[%swap3A_250], %add3A_249 {strides = array<i32>} : memref<2048xf32, #tpu.memory_space<vmem>>, vector<16xf32>,
    }
    %scan3A_72 = arith.constant 128 : i32
    %scan3A_73 = arith.constant 0 : i32
    %scan3A_74 = arith.constant 0 : i32
    %scan3A_75 = arith.constant 128 : i32
    %scan3A_76 = arith.addi %scan3A_74, %scan3A_75 : i32
    %scan3A_77 = arith.constant 1 : i32
    scf.for %scan3A_225 = %scan3A_74 to %scan3A_76 step %scan3A_77  : i32 {
      %mul3A_226 = arith.constant 16 : i32
      %mul3A_227 = arith.muli %scan3A_225, %mul3A_226 : i32
      %get3A = arith.constant 0 : i32
      %get3A_228 = arith.index_cast %get3A : i32 to index
      %get3A_229 = arith.index_cast %mul3A_227 : i32 to index
      %get3A_230 = tpu.vector_load %arg7[%get3A_228, %get3A_229] {strides = array<i32>} : memref<4x2048xf32, #tpu.memory_space<vmem>>, vector<16xf32>,
      %mul3A_231 = arith.mulf %sub3A_39, %get3A_230 : vector<16xf32>
      %get3A_232 = arith.constant 1 : i32
      %get3A_233 = arith.index_cast %get3A_232 : i32 to index
      %get3A_234 = arith.index_cast %mul3A_227 : i32 to index
      %get3A_235 = tpu.vector_load %arg7[%get3A_233, %get3A_234] {strides = array<i32>} : memref<4x2048xf32, #tpu.memory_space<vmem>>, vector<16xf32>,
      %mul3A_236 = arith.mulf %sub3A_46, %get3A_235 : vector<16xf32>
      %add3A_237 = arith.addf %mul3A_231, %mul3A_236 : vector<16xf32>
      %get3A_238 = arith.constant 2 : i32
      %get3A_239 = arith.index_cast %get3A_238 : i32 to index
      %get3A_240 = arith.index_cast %mul3A_227 : i32 to index
      %get3A_241 = tpu.vector_load %arg7[%get3A_239, %get3A_240] {strides = array<i32>} : memref<4x2048xf32, #tpu.memory_space<vmem>>, vector<16xf32>,
      %mul3A_242 = arith.mulf %sub3A_53, %get3A_241 : vector<16xf32>
      %add3A_243 = arith.addf %add3A_237, %mul3A_242 : vector<16xf32>
      %get3A_244 = arith.constant 3 : i32
      %get3A_245 = arith.index_cast %get3A_244 : i32 to index
      %get3A_246 = arith.index_cast %mul3A_227 : i32 to index
      %get3A_247 = tpu.vector_load %arg7[%get3A_245, %get3A_246] {strides = array<i32>} : memref<4x2048xf32, #tpu.memory_space<vmem>>, vector<16xf32>,
      %mul3A_248 = arith.mulf %sub3A_60, %get3A_247 : vector<16xf32>
      %add3A_249 = arith.addf %add3A_243, %mul3A_248 : vector<16xf32>
      %swap3A_250 = arith.index_cast %mul3A_227 : i32 to index
      %swap3A_251 = tpu.vector_load %arg9[%swap3A_250] {strides = array<i32>} : memref<2048xf32, #tpu.memory_space<vmem>>, vector<16xf32>,
      tpu.vector_store %arg9[%swap3A_250], %add3A_249 {strides = array<i32>} : memref<2048xf32, #tpu.memory_space<vmem>>, vector<16xf32>,
    }
    %scan3A_78 = arith.constant 128 : i32
    %broadcast_in_dim3A_79 = arith.constant 0.000000e+00 : f32
    %broadcast_in_dim3A_80 = vector.broadcast %broadcast_in_dim3A_79 : f32 to vector<16xf32>
    %scan3A_81 = arith.constant 0 : i32
    %mul3A_82 = arith.constant 8 : i32
    %mul3A_83 = arith.muli %add3A, %mul3A_82 : i32
    %mul3A_84 = arith.constant 8 : i32
    %mul3A_85 = arith.muli %scan3A_81, %mul3A_84 : i32
    %add3A_86 = arith.addi %mul3A_83, %mul3A_85 : i32
    "tpu.region"() ({
      %run_scoped3A_225 = tpu.sem_alloc : memref<!tpu.dma_semaphore, #tpu.memory_space<semaphore_mem>>
      %dma_start3A = arith.constant 0 : i32
      %dma_start3A_226 = tpu.memref_slice %arg3[%add3A_86, %dma_start3A] : memref<2048x2048xi32, #tpu.memory_space<hbm>> -> memref<8x2048xi32, #tpu.memory_space<hbm>>
      %dma_start3A_227 = arith.constant 0 : i32
      %dma_start3A_228 = tpu.memref_slice %arg3[%add3A_86, %dma_start3A_227] : memref<2048x2048xi32, #tpu.memory_space<hbm>> -> memref<8x2048xi32, #tpu.memory_space<hbm>>
      tpu.enqueue_dma source(%dma_start3A_228 : memref<8x2048xi32, #tpu.memory_space<hbm>>) target(%arg11 : memref<8x2048xi32, #tpu.memory_space<vmem>>) target_semaphore(%run_scoped3A_225 : memref<!tpu.dma_semaphore, #tpu.memory_space<semaphore_mem>>)
      %dma_wait3A = arith.constant 0 : i32
      %dma_wait3A_229 = tpu.memref_slice %arg3[%add3A_86, %dma_wait3A] : memref<2048x2048xi32, #tpu.memory_space<hbm>> -> memref<8x2048xi32, #tpu.memory_space<hbm>>
      %dma_wait3A_230 = arith.constant 0 : i32
      %dma_wait3A_231 = tpu.memref_slice %arg3[%add3A_86, %dma_wait3A_230] : memref<2048x2048xi32, #tpu.memory_space<hbm>> -> memref<8x2048xi32, #tpu.memory_space<hbm>>
      tpu.wait_dma2 semaphore(%run_scoped3A_225 : memref<!tpu.dma_semaphore, #tpu.memory_space<semaphore_mem>>) src(%dma_wait3A_231 : memref<8x2048xi32, #tpu.memory_space<hbm>>) dst(%arg11 : memref<8x2048xi32, #tpu.memory_space<vmem>>)
      tpu.yield
    }) : () -> ()
    %add3A_87 = arith.constant 0 : i32
    %add3A_88 = arith.addi %add3A_86, %add3A_87 : i32
    %broadcast_in_dim3A_89 = vector.broadcast %add3A_88 : i32 to vector<16xi32>
    %gather3A_90 = tpu.vector_load_idx %arg8[%broadcast_in_dim3A_89] : memref<2048xf32, #tpu.memory_space<vmem>>[vector<16xi32>], vector<16xf32>,
    %add3A_91 = arith.addf %gather3A_90, %sub3A_32 : vector<16xf32>
    %add3A_92 = arith.constant 1 : i32
    %add3A_93 = arith.addi %add3A_86, %add3A_92 : i32
    %broadcast_in_dim3A_94 = vector.broadcast %add3A_93 : i32 to vector<16xi32>
    %gather3A_95 = tpu.vector_load_idx %arg8[%broadcast_in_dim3A_94] : memref<2048xf32, #tpu.memory_space<vmem>>[vector<16xi32>], vector<16xf32>,
    %add3A_96 = arith.addf %gather3A_95, %sub3A_32 : vector<16xf32>
    %add3A_97 = arith.constant 2 : i32
    %add3A_98 = arith.addi %add3A_86, %add3A_97 : i32
    %broadcast_in_dim3A_99 = vector.broadcast %add3A_98 : i32 to vector<16xi32>
    %gather3A_100 = tpu.vector_load_idx %arg8[%broadcast_in_dim3A_99] : memref<2048xf32, #tpu.memory_space<vmem>>[vector<16xi32>], vector<16xf32>,
    %add3A_101 = arith.addf %gather3A_100, %sub3A_32 : vector<16xf32>
    %add3A_102 = arith.constant 3 : i32
    %add3A_103 = arith.addi %add3A_86, %add3A_102 : i32
    %broadcast_in_dim3A_104 = vector.broadcast %add3A_103 : i32 to vector<16xi32>
    %gather3A_105 = tpu.vector_load_idx %arg8[%broadcast_in_dim3A_104] : memref<2048xf32, #tpu.memory_space<vmem>>[vector<16xi32>], vector<16xf32>,
    %add3A_106 = arith.addf %gather3A_105, %sub3A_32 : vector<16xf32>
    %add3A_107 = arith.constant 4 : i32
    %add3A_108 = arith.addi %add3A_86, %add3A_107 : i32
    %broadcast_in_dim3A_109 = vector.broadcast %add3A_108 : i32 to vector<16xi32>
    %gather3A_110 = tpu.vector_load_idx %arg8[%broadcast_in_dim3A_109] : memref<2048xf32, #tpu.memory_space<vmem>>[vector<16xi32>], vector<16xf32>,
    %add3A_111 = arith.addf %gather3A_110, %sub3A_32 : vector<16xf32>
    %add3A_112 = arith.constant 5 : i32
    %add3A_113 = arith.addi %add3A_86, %add3A_112 : i32
    %broadcast_in_dim3A_114 = vector.broadcast %add3A_113 : i32 to vector<16xi32>
    %gather3A_115 = tpu.vector_load_idx %arg8[%broadcast_in_dim3A_114] : memref<2048xf32, #tpu.memory_space<vmem>>[vector<16xi32>], vector<16xf32>,
    %add3A_116 = arith.addf %gather3A_115, %sub3A_32 : vector<16xf32>
    %add3A_117 = arith.constant 6 : i32
    %add3A_118 = arith.addi %add3A_86, %add3A_117 : i32
    %broadcast_in_dim3A_119 = vector.broadcast %add3A_118 : i32 to vector<16xi32>
    %gather3A_120 = tpu.vector_load_idx %arg8[%broadcast_in_dim3A_119] : memref<2048xf32, #tpu.memory_space<vmem>>[vector<16xi32>], vector<16xf32>,
    %add3A_121 = arith.addf %gather3A_120, %sub3A_32 : vector<16xf32>
    %add3A_122 = arith.constant 7 : i32
    %add3A_123 = arith.addi %add3A_86, %add3A_122 : i32
    %broadcast_in_dim3A_124 = vector.broadcast %add3A_123 : i32 to vector<16xi32>
    %gather3A_125 = tpu.vector_load_idx %arg8[%broadcast_in_dim3A_124] : memref<2048xf32, #tpu.memory_space<vmem>>[vector<16xi32>], vector<16xf32>,
    %add3A_126 = arith.addf %gather3A_125, %sub3A_32 : vector<16xf32>
    %scan3A_127 = arith.constant 0 : i32
    %scan3A_128 = arith.constant 128 : i32
    %scan3A_129 = arith.addi %scan3A_127, %scan3A_128 : i32
    %scan3A_130 = arith.constant 2 : i32
    %scan3A_131:16 = scf.for %scan3A_225 = %scan3A_127 to %scan3A_129 step %scan3A_130 iter_args(%scan3A_226 = %broadcast_in_dim3A_80, %scan3A_227 = %broadcast_in_dim3A_80, %scan3A_228 = %broadcast_in_dim3A_80, %scan3A_229 = %broadcast_in_dim3A_80, %scan3A_230 = %broadcast_in_dim3A_80, %scan3A_231 = %broadcast_in_dim3A_80, %scan3A_232 = %broadcast_in_dim3A_80, %scan3A_233 = %broadcast_in_dim3A_80, %scan3A_234 = %broadcast_in_dim3A_80, %scan3A_235 = %broadcast_in_dim3A_80, %scan3A_236 = %broadcast_in_dim3A_80, %scan3A_237 = %broadcast_in_dim3A_80, %scan3A_238 = %broadcast_in_dim3A_80, %scan3A_239 = %broadcast_in_dim3A_80, %scan3A_240 = %broadcast_in_dim3A_80, %scan3A_241 = %broadcast_in_dim3A_80) -> (vector<16xf32>, vector<16xf32>, vector<16xf32>, vector<16xf32>, vector<16xf32>, vector<16xf32>, vector<16xf32>, vector<16xf32>, vector<16xf32>, vector<16xf32>, vector<16xf32>, vector<16xf32>, vector<16xf32>, vector<16xf32>, vector<16xf32>, vector<16xf32>)  : i32 {
      %mul3A_242 = arith.constant 16 : i32
      %mul3A_243 = arith.muli %scan3A_225, %mul3A_242 : i32
      %get3A = arith.index_cast %mul3A_243 : i32 to index
      %get3A_244 = tpu.vector_load %arg8[%get3A] {strides = array<i32>} : memref<2048xf32, #tpu.memory_space<vmem>>, vector<16xf32>,
      %get3A_245 = arith.constant 0 : i32
      %get3A_246 = arith.index_cast %get3A_245 : i32 to index
      %get3A_247 = arith.index_cast %mul3A_243 : i32 to index
      %get3A_248 = tpu.vector_load %arg11[%get3A_246, %get3A_247] {strides = array<i32>} : memref<8x2048xi32, #tpu.memory_space<vmem>>, vector<16xi32>,
      %sub3A_249 = arith.subf %add3A_91, %get3A_244 : vector<16xf32>
      %ne3A = arith.constant 0 : i32
      %ne3A_250 = vector.broadcast %ne3A : i32 to vector<16xi32>
      %ne3A_251 = arith.cmpi ne, %get3A_248, %ne3A_250 : vector<16xi32>
      %neg3A = arith.constant 0.000000e+00 : f32
      %neg3A_252 = vector.broadcast %neg3A : f32 to vector<16xf32>
      %neg3A_253 = arith.subf %neg3A_252, %sub3A_249 : vector<16xf32>
      %select_n3A = arith.select %ne3A_251, %neg3A_253, %sub3A_249 : vector<16xi1>, vector<16xf32>
      %abs3A = math.absf %sub3A_249 : vector<16xf32>
      %neg3A_254 = arith.constant 0.000000e+00 : f32
      %neg3A_255 = vector.broadcast %neg3A_254 : f32 to vector<16xf32>
      %neg3A_256 = arith.subf %neg3A_255, %abs3A : vector<16xf32>
      %exp3A = math.exp %neg3A_256 : vector<16xf32>
      %max3A = arith.constant 0.000000e+00 : f32
      %max3A_257 = vector.broadcast %max3A : f32 to vector<16xf32>
      %max3A_258 = arith.maximumf %select_n3A, %max3A_257 : vector<16xf32>
      %mul3A_259 = arith.constant -0.054862313 : f32
      %mul3A_260 = vector.broadcast %mul3A_259 : f32 to vector<16xf32>
      %mul3A_261 = arith.mulf %mul3A_260, %exp3A : vector<16xf32>
      %add3A_262 = arith.constant 0.216408581 : f32
      %add3A_263 = vector.broadcast %add3A_262 : f32 to vector<16xf32>
      %add3A_264 = arith.addf %mul3A_261, %add3A_263 : vector<16xf32>
      %mul3A_265 = arith.mulf %add3A_264, %exp3A : vector<16xf32>
      %add3A_266 = arith.constant -0.464070708 : f32
      %add3A_267 = vector.broadcast %add3A_266 : f32 to vector<16xf32>
      %add3A_268 = arith.addf %mul3A_265, %add3A_267 : vector<16xf32>
      %mul3A_269 = arith.mulf %add3A_268, %exp3A : vector<16xf32>
      %add3A_270 = arith.constant 0.995426654 : f32
      %add3A_271 = vector.broadcast %add3A_270 : f32 to vector<16xf32>
      %add3A_272 = arith.addf %mul3A_269, %add3A_271 : vector<16xf32>
      %mul3A_273 = arith.mulf %add3A_272, %exp3A : vector<16xf32>
      %add3A_274 = arith.constant 1.41580182E-4 : f32
      %add3A_275 = vector.broadcast %add3A_274 : f32 to vector<16xf32>
      %add3A_276 = arith.addf %mul3A_273, %add3A_275 : vector<16xf32>
      %add3A_277 = arith.addf %max3A_258, %add3A_276 : vector<16xf32>
      %jit3A = arith.constant 1.000000e+00 : f32
      %jit3A_278 = arith.constant 2.000000e-01 : f32
      %broadcast_in_dim3A_279 = vector.broadcast %jit3A : f32 to vector<16xf32>
      %broadcast_in_dim3A_280 = vector.broadcast %jit3A_278 : f32 to vector<16xf32>
      %select_n3A_281 = arith.select %ne3A_251, %broadcast_in_dim3A_279, %broadcast_in_dim3A_280 : vector<16xi1>, vector<16xf32>
      %mul3A_282 = arith.mulf %select_n3A_281, %add3A_277 : vector<16xf32>
      %add3A_283 = arith.addf %scan3A_226, %mul3A_282 : vector<16xf32>
      %add3A_284 = arith.addf %scan3A_227, %select_n3A_281 : vector<16xf32>
      %get3A_285 = arith.constant 1 : i32
      %get3A_286 = arith.index_cast %get3A_285 : i32 to index
      %get3A_287 = arith.index_cast %mul3A_243 : i32 to index
      %get3A_288 = tpu.vector_load %arg11[%get3A_286, %get3A_287] {strides = array<i32>} : memref<8x2048xi32, #tpu.memory_space<vmem>>, vector<16xi32>,
      %sub3A_289 = arith.subf %add3A_96, %get3A_244 : vector<16xf32>
      %ne3A_290 = arith.constant 0 : i32
      %ne3A_291 = vector.broadcast %ne3A_290 : i32 to vector<16xi32>
      %ne3A_292 = arith.cmpi ne, %get3A_288, %ne3A_291 : vector<16xi32>
      %neg3A_293 = arith.constant 0.000000e+00 : f32
      %neg3A_294 = vector.broadcast %neg3A_293 : f32 to vector<16xf32>
      %neg3A_295 = arith.subf %neg3A_294, %sub3A_289 : vector<16xf32>
      %select_n3A_296 = arith.select %ne3A_292, %neg3A_295, %sub3A_289 : vector<16xi1>, vector<16xf32>
      %abs3A_297 = math.absf %sub3A_289 : vector<16xf32>
      %neg3A_298 = arith.constant 0.000000e+00 : f32
      %neg3A_299 = vector.broadcast %neg3A_298 : f32 to vector<16xf32>
      %neg3A_300 = arith.subf %neg3A_299, %abs3A_297 : vector<16xf32>
      %exp3A_301 = math.exp %neg3A_300 : vector<16xf32>
      %max3A_302 = arith.constant 0.000000e+00 : f32
      %max3A_303 = vector.broadcast %max3A_302 : f32 to vector<16xf32>
      %max3A_304 = arith.maximumf %select_n3A_296, %max3A_303 : vector<16xf32>
      %mul3A_305 = arith.constant -0.054862313 : f32
      %mul3A_306 = vector.broadcast %mul3A_305 : f32 to vector<16xf32>
      %mul3A_307 = arith.mulf %mul3A_306, %exp3A_301 : vector<16xf32>
      %add3A_308 = arith.constant 0.216408581 : f32
      %add3A_309 = vector.broadcast %add3A_308 : f32 to vector<16xf32>
      %add3A_310 = arith.addf %mul3A_307, %add3A_309 : vector<16xf32>
      %mul3A_311 = arith.mulf %add3A_310, %exp3A_301 : vector<16xf32>
      %add3A_312 = arith.constant -0.464070708 : f32
      %add3A_313 = vector.broadcast %add3A_312 : f32 to vector<16xf32>
      %add3A_314 = arith.addf %mul3A_311, %add3A_313 : vector<16xf32>
      %mul3A_315 = arith.mulf %add3A_314, %exp3A_301 : vector<16xf32>
      %add3A_316 = arith.constant 0.995426654 : f32
      %add3A_317 = vector.broadcast %add3A_316 : f32 to vector<16xf32>
      %add3A_318 = arith.addf %mul3A_315, %add3A_317 : vector<16xf32>
      %mul3A_319 = arith.mulf %add3A_318, %exp3A_301 : vector<16xf32>
      %add3A_320 = arith.constant 1.41580182E-4 : f32
      %add3A_321 = vector.broadcast %add3A_320 : f32 to vector<16xf32>
      %add3A_322 = arith.addf %mul3A_319, %add3A_321 : vector<16xf32>
      %add3A_323 = arith.addf %max3A_304, %add3A_322 : vector<16xf32>
      %jit3A_324 = arith.constant 1.000000e+00 : f32
      %jit3A_325 = arith.constant 2.000000e-01 : f32
      %broadcast_in_dim3A_326 = vector.broadcast %jit3A_324 : f32 to vector<16xf32>
      %broadcast_in_dim3A_327 = vector.broadcast %jit3A_325 : f32 to vector<16xf32>
      %select_n3A_328 = arith.select %ne3A_292, %broadcast_in_dim3A_326, %broadcast_in_dim3A_327 : vector<16xi1>, vector<16xf32>
      %mul3A_329 = arith.mulf %select_n3A_328, %add3A_323 : vector<16xf32>
      %add3A_330 = arith.addf %scan3A_228, %mul3A_329 : vector<16xf32>
      %add3A_331 = arith.addf %scan3A_229, %select_n3A_328 : vector<16xf32>
      %get3A_332 = arith.constant 2 : i32
      %get3A_333 = arith.index_cast %get3A_332 : i32 to index
      %get3A_334 = arith.index_cast %mul3A_243 : i32 to index
      %get3A_335 = tpu.vector_load %arg11[%get3A_333, %get3A_334] {strides = array<i32>} : memref<8x2048xi32, #tpu.memory_space<vmem>>, vector<16xi32>,
      %sub3A_336 = arith.subf %add3A_101, %get3A_244 : vector<16xf32>
      %ne3A_337 = arith.constant 0 : i32
      %ne3A_338 = vector.broadcast %ne3A_337 : i32 to vector<16xi32>
      %ne3A_339 = arith.cmpi ne, %get3A_335, %ne3A_338 : vector<16xi32>
      %neg3A_340 = arith.constant 0.000000e+00 : f32
      %neg3A_341 = vector.broadcast %neg3A_340 : f32 to vector<16xf32>
      %neg3A_342 = arith.subf %neg3A_341, %sub3A_336 : vector<16xf32>
      %select_n3A_343 = arith.select %ne3A_339, %neg3A_342, %sub3A_336 : vector<16xi1>, vector<16xf32>
      %abs3A_344 = math.absf %sub3A_336 : vector<16xf32>
      %neg3A_345 = arith.constant 0.000000e+00 : f32
      %neg3A_346 = vector.broadcast %neg3A_345 : f32 to vector<16xf32>
      %neg3A_347 = arith.subf %neg3A_346, %abs3A_344 : vector<16xf32>
      %exp3A_348 = math.exp %neg3A_347 : vector<16xf32>
      %max3A_349 = arith.constant 0.000000e+00 : f32
      %max3A_350 = vector.broadcast %max3A_349 : f32 to vector<16xf32>
      %max3A_351 = arith.maximumf %select_n3A_343, %max3A_350 : vector<16xf32>
      %mul3A_352 = arith.constant -0.054862313 : f32
      %mul3A_353 = vector.broadcast %mul3A_352 : f32 to vector<16xf32>
      %mul3A_354 = arith.mulf %mul3A_353, %exp3A_348 : vector<16xf32>
      %add3A_355 = arith.constant 0.216408581 : f32
      %add3A_356 = vector.broadcast %add3A_355 : f32 to vector<16xf32>
      %add3A_357 = arith.addf %mul3A_354, %add3A_356 : vector<16xf32>
      %mul3A_358 = arith.mulf %add3A_357, %exp3A_348 : vector<16xf32>
      %add3A_359 = arith.constant -0.464070708 : f32
      %add3A_360 = vector.broadcast %add3A_359 : f32 to vector<16xf32>
      %add3A_361 = arith.addf %mul3A_358, %add3A_360 : vector<16xf32>
      %mul3A_362 = arith.mulf %add3A_361, %exp3A_348 : vector<16xf32>
      %add3A_363 = arith.constant 0.995426654 : f32
      %add3A_364 = vector.broadcast %add3A_363 : f32 to vector<16xf32>
      %add3A_365 = arith.addf %mul3A_362, %add3A_364 : vector<16xf32>
      %mul3A_366 = arith.mulf %add3A_365, %exp3A_348 : vector<16xf32>
      %add3A_367 = arith.constant 1.41580182E-4 : f32
      %add3A_368 = vector.broadcast %add3A_367 : f32 to vector<16xf32>
      %add3A_369 = arith.addf %mul3A_366, %add3A_368 : vector<16xf32>
      %add3A_370 = arith.addf %max3A_351, %add3A_369 : vector<16xf32>
      %jit3A_371 = arith.constant 1.000000e+00 : f32
      %jit3A_372 = arith.constant 2.000000e-01 : f32
      %broadcast_in_dim3A_373 = vector.broadcast %jit3A_371 : f32 to vector<16xf32>
      %broadcast_in_dim3A_374 = vector.broadcast %jit3A_372 : f32 to vector<16xf32>
      %select_n3A_375 = arith.select %ne3A_339, %broadcast_in_dim3A_373, %broadcast_in_dim3A_374 : vector<16xi1>, vector<16xf32>
      %mul3A_376 = arith.mulf %select_n3A_375, %add3A_370 : vector<16xf32>
      %add3A_377 = arith.addf %scan3A_230, %mul3A_376 : vector<16xf32>
      %add3A_378 = arith.addf %scan3A_231, %select_n3A_375 : vector<16xf32>
      %get3A_379 = arith.constant 3 : i32
      %get3A_380 = arith.index_cast %get3A_379 : i32 to index
      %get3A_381 = arith.index_cast %mul3A_243 : i32 to index
      %get3A_382 = tpu.vector_load %arg11[%get3A_380, %get3A_381] {strides = array<i32>} : memref<8x2048xi32, #tpu.memory_space<vmem>>, vector<16xi32>,
      %sub3A_383 = arith.subf %add3A_106, %get3A_244 : vector<16xf32>
      %ne3A_384 = arith.constant 0 : i32
      %ne3A_385 = vector.broadcast %ne3A_384 : i32 to vector<16xi32>
      %ne3A_386 = arith.cmpi ne, %get3A_382, %ne3A_385 : vector<16xi32>
      %neg3A_387 = arith.constant 0.000000e+00 : f32
      %neg3A_388 = vector.broadcast %neg3A_387 : f32 to vector<16xf32>
      %neg3A_389 = arith.subf %neg3A_388, %sub3A_383 : vector<16xf32>
      %select_n3A_390 = arith.select %ne3A_386, %neg3A_389, %sub3A_383 : vector<16xi1>, vector<16xf32>
      %abs3A_391 = math.absf %sub3A_383 : vector<16xf32>
      %neg3A_392 = arith.constant 0.000000e+00 : f32
      %neg3A_393 = vector.broadcast %neg3A_392 : f32 to vector<16xf32>
      %neg3A_394 = arith.subf %neg3A_393, %abs3A_391 : vector<16xf32>
      %exp3A_395 = math.exp %neg3A_394 : vector<16xf32>
      %max3A_396 = arith.constant 0.000000e+00 : f32
      %max3A_397 = vector.broadcast %max3A_396 : f32 to vector<16xf32>
      %max3A_398 = arith.maximumf %select_n3A_390, %max3A_397 : vector<16xf32>
      %mul3A_399 = arith.constant -0.054862313 : f32
      %mul3A_400 = vector.broadcast %mul3A_399 : f32 to vector<16xf32>
      %mul3A_401 = arith.mulf %mul3A_400, %exp3A_395 : vector<16xf32>
      %add3A_402 = arith.constant 0.216408581 : f32
      %add3A_403 = vector.broadcast %add3A_402 : f32 to vector<16xf32>
      %add3A_404 = arith.addf %mul3A_401, %add3A_403 : vector<16xf32>
      %mul3A_405 = arith.mulf %add3A_404, %exp3A_395 : vector<16xf32>
      %add3A_406 = arith.constant -0.464070708 : f32
      %add3A_407 = vector.broadcast %add3A_406 : f32 to vector<16xf32>
      %add3A_408 = arith.addf %mul3A_405, %add3A_407 : vector<16xf32>
      %mul3A_409 = arith.mulf %add3A_408, %exp3A_395 : vector<16xf32>
      %add3A_410 = arith.constant 0.995426654 : f32
      %add3A_411 = vector.broadcast %add3A_410 : f32 to vector<16xf32>
      %add3A_412 = arith.addf %mul3A_409, %add3A_411 : vector<16xf32>
      %mul3A_413 = arith.mulf %add3A_412, %exp3A_395 : vector<16xf32>
      %add3A_414 = arith.constant 1.41580182E-4 : f32
      %add3A_415 = vector.broadcast %add3A_414 : f32 to vector<16xf32>
      %add3A_416 = arith.addf %mul3A_413, %add3A_415 : vector<16xf32>
      %add3A_417 = arith.addf %max3A_398, %add3A_416 : vector<16xf32>
      %jit3A_418 = arith.constant 1.000000e+00 : f32
      %jit3A_419 = arith.constant 2.000000e-01 : f32
      %broadcast_in_dim3A_420 = vector.broadcast %jit3A_418 : f32 to vector<16xf32>
      %broadcast_in_dim3A_421 = vector.broadcast %jit3A_419 : f32 to vector<16xf32>
      %select_n3A_422 = arith.select %ne3A_386, %broadcast_in_dim3A_420, %broadcast_in_dim3A_421 : vector<16xi1>, vector<16xf32>
      %mul3A_423 = arith.mulf %select_n3A_422, %add3A_417 : vector<16xf32>
      %add3A_424 = arith.addf %scan3A_232, %mul3A_423 : vector<16xf32>
      %add3A_425 = arith.addf %scan3A_233, %select_n3A_422 : vector<16xf32>
      %get3A_426 = arith.constant 4 : i32
      %get3A_427 = arith.index_cast %get3A_426 : i32 to index
      %get3A_428 = arith.index_cast %mul3A_243 : i32 to index
      %get3A_429 = tpu.vector_load %arg11[%get3A_427, %get3A_428] {strides = array<i32>} : memref<8x2048xi32, #tpu.memory_space<vmem>>, vector<16xi32>,
      %sub3A_430 = arith.subf %add3A_111, %get3A_244 : vector<16xf32>
      %ne3A_431 = arith.constant 0 : i32
      %ne3A_432 = vector.broadcast %ne3A_431 : i32 to vector<16xi32>
      %ne3A_433 = arith.cmpi ne, %get3A_429, %ne3A_432 : vector<16xi32>
      %neg3A_434 = arith.constant 0.000000e+00 : f32
      %neg3A_435 = vector.broadcast %neg3A_434 : f32 to vector<16xf32>
      %neg3A_436 = arith.subf %neg3A_435, %sub3A_430 : vector<16xf32>
      %select_n3A_437 = arith.select %ne3A_433, %neg3A_436, %sub3A_430 : vector<16xi1>, vector<16xf32>
      %abs3A_438 = math.absf %sub3A_430 : vector<16xf32>
      %neg3A_439 = arith.constant 0.000000e+00 : f32
      %neg3A_440 = vector.broadcast %neg3A_439 : f32 to vector<16xf32>
      %neg3A_441 = arith.subf %neg3A_440, %abs3A_438 : vector<16xf32>
      %exp3A_442 = math.exp %neg3A_441 : vector<16xf32>
      %max3A_443 = arith.constant 0.000000e+00 : f32
      %max3A_444 = vector.broadcast %max3A_443 : f32 to vector<16xf32>
      %max3A_445 = arith.maximumf %select_n3A_437, %max3A_444 : vector<16xf32>
      %mul3A_446 = arith.constant -0.054862313 : f32
      %mul3A_447 = vector.broadcast %mul3A_446 : f32 to vector<16xf32>
      %mul3A_448 = arith.mulf %mul3A_447, %exp3A_442 : vector<16xf32>
      %add3A_449 = arith.constant 0.216408581 : f32
      %add3A_450 = vector.broadcast %add3A_449 : f32 to vector<16xf32>
      %add3A_451 = arith.addf %mul3A_448, %add3A_450 : vector<16xf32>
      %mul3A_452 = arith.mulf %add3A_451, %exp3A_442 : vector<16xf32>
      %add3A_453 = arith.constant -0.464070708 : f32
      %add3A_454 = vector.broadcast %add3A_453 : f32 to vector<16xf32>
      %add3A_455 = arith.addf %mul3A_452, %add3A_454 : vector<16xf32>
      %mul3A_456 = arith.mulf %add3A_455, %exp3A_442 : vector<16xf32>
      %add3A_457 = arith.constant 0.995426654 : f32
      %add3A_458 = vector.broadcast %add3A_457 : f32 to vector<16xf32>
      %add3A_459 = arith.addf %mul3A_456, %add3A_458 : vector<16xf32>
      %mul3A_460 = arith.mulf %add3A_459, %exp3A_442 : vector<16xf32>
      %add3A_461 = arith.constant 1.41580182E-4 : f32
      %add3A_462 = vector.broadcast %add3A_461 : f32 to vector<16xf32>
      %add3A_463 = arith.addf %mul3A_460, %add3A_462 : vector<16xf32>
      %add3A_464 = arith.addf %max3A_445, %add3A_463 : vector<16xf32>
      %jit3A_465 = arith.constant 1.000000e+00 : f32
      %jit3A_466 = arith.constant 2.000000e-01 : f32
      %broadcast_in_dim3A_467 = vector.broadcast %jit3A_465 : f32 to vector<16xf32>
      %broadcast_in_dim3A_468 = vector.broadcast %jit3A_466 : f32 to vector<16xf32>
      %select_n3A_469 = arith.select %ne3A_433, %broadcast_in_dim3A_467, %broadcast_in_dim3A_468 : vector<16xi1>, vector<16xf32>
      %mul3A_470 = arith.mulf %select_n3A_469, %add3A_464 : vector<16xf32>
      %add3A_471 = arith.addf %scan3A_234, %mul3A_470 : vector<16xf32>
      %add3A_472 = arith.addf %scan3A_235, %select_n3A_469 : vector<16xf32>
      %get3A_473 = arith.constant 5 : i32
      %get3A_474 = arith.index_cast %get3A_473 : i32 to index
      %get3A_475 = arith.index_cast %mul3A_243 : i32 to index
      %get3A_476 = tpu.vector_load %arg11[%get3A_474, %get3A_475] {strides = array<i32>} : memref<8x2048xi32, #tpu.memory_space<vmem>>, vector<16xi32>,
      %sub3A_477 = arith.subf %add3A_116, %get3A_244 : vector<16xf32>
      %ne3A_478 = arith.constant 0 : i32
      %ne3A_479 = vector.broadcast %ne3A_478 : i32 to vector<16xi32>
      %ne3A_480 = arith.cmpi ne, %get3A_476, %ne3A_479 : vector<16xi32>
      %neg3A_481 = arith.constant 0.000000e+00 : f32
      %neg3A_482 = vector.broadcast %neg3A_481 : f32 to vector<16xf32>
      %neg3A_483 = arith.subf %neg3A_482, %sub3A_477 : vector<16xf32>
      %select_n3A_484 = arith.select %ne3A_480, %neg3A_483, %sub3A_477 : vector<16xi1>, vector<16xf32>
      %abs3A_485 = math.absf %sub3A_477 : vector<16xf32>
      %neg3A_486 = arith.constant 0.000000e+00 : f32
      %neg3A_487 = vector.broadcast %neg3A_486 : f32 to vector<16xf32>
      %neg3A_488 = arith.subf %neg3A_487, %abs3A_485 : vector<16xf32>
      %exp3A_489 = math.exp %neg3A_488 : vector<16xf32>
      %max3A_490 = arith.constant 0.000000e+00 : f32
      %max3A_491 = vector.broadcast %max3A_490 : f32 to vector<16xf32>
      %max3A_492 = arith.maximumf %select_n3A_484, %max3A_491 : vector<16xf32>
      %mul3A_493 = arith.constant -0.054862313 : f32
      %mul3A_494 = vector.broadcast %mul3A_493 : f32 to vector<16xf32>
      %mul3A_495 = arith.mulf %mul3A_494, %exp3A_489 : vector<16xf32>
      %add3A_496 = arith.constant 0.216408581 : f32
      %add3A_497 = vector.broadcast %add3A_496 : f32 to vector<16xf32>
      %add3A_498 = arith.addf %mul3A_495, %add3A_497 : vector<16xf32>
      %mul3A_499 = arith.mulf %add3A_498, %exp3A_489 : vector<16xf32>
      %add3A_500 = arith.constant -0.464070708 : f32
      %add3A_501 = vector.broadcast %add3A_500 : f32 to vector<16xf32>
      %add3A_502 = arith.addf %mul3A_499, %add3A_501 : vector<16xf32>
      %mul3A_503 = arith.mulf %add3A_502, %exp3A_489 : vector<16xf32>
      %add3A_504 = arith.constant 0.995426654 : f32
      %add3A_505 = vector.broadcast %add3A_504 : f32 to vector<16xf32>
      %add3A_506 = arith.addf %mul3A_503, %add3A_505 : vector<16xf32>
      %mul3A_507 = arith.mulf %add3A_506, %exp3A_489 : vector<16xf32>
      %add3A_508 = arith.constant 1.41580182E-4 : f32
      %add3A_509 = vector.broadcast %add3A_508 : f32 to vector<16xf32>
      %add3A_510 = arith.addf %mul3A_507, %add3A_509 : vector<16xf32>
      %add3A_511 = arith.addf %max3A_492, %add3A_510 : vector<16xf32>
      %jit3A_512 = arith.constant 1.000000e+00 : f32
      %jit3A_513 = arith.constant 2.000000e-01 : f32
      %broadcast_in_dim3A_514 = vector.broadcast %jit3A_512 : f32 to vector<16xf32>
      %broadcast_in_dim3A_515 = vector.broadcast %jit3A_513 : f32 to vector<16xf32>
      %select_n3A_516 = arith.select %ne3A_480, %broadcast_in_dim3A_514, %broadcast_in_dim3A_515 : vector<16xi1>, vector<16xf32>
      %mul3A_517 = arith.mulf %select_n3A_516, %add3A_511 : vector<16xf32>
      %add3A_518 = arith.addf %scan3A_236, %mul3A_517 : vector<16xf32>
      %add3A_519 = arith.addf %scan3A_237, %select_n3A_516 : vector<16xf32>
      %get3A_520 = arith.constant 6 : i32
      %get3A_521 = arith.index_cast %get3A_520 : i32 to index
      %get3A_522 = arith.index_cast %mul3A_243 : i32 to index
      %get3A_523 = tpu.vector_load %arg11[%get3A_521, %get3A_522] {strides = array<i32>} : memref<8x2048xi32, #tpu.memory_space<vmem>>, vector<16xi32>,
      %sub3A_524 = arith.subf %add3A_121, %get3A_244 : vector<16xf32>
      %ne3A_525 = arith.constant 0 : i32
      %ne3A_526 = vector.broadcast %ne3A_525 : i32 to vector<16xi32>
      %ne3A_527 = arith.cmpi ne, %get3A_523, %ne3A_526 : vector<16xi32>
      %neg3A_528 = arith.constant 0.000000e+00 : f32
      %neg3A_529 = vector.broadcast %neg3A_528 : f32 to vector<16xf32>
      %neg3A_530 = arith.subf %neg3A_529, %sub3A_524 : vector<16xf32>
      %select_n3A_531 = arith.select %ne3A_527, %neg3A_530, %sub3A_524 : vector<16xi1>, vector<16xf32>
      %abs3A_532 = math.absf %sub3A_524 : vector<16xf32>
      %neg3A_533 = arith.constant 0.000000e+00 : f32
      %neg3A_534 = vector.broadcast %neg3A_533 : f32 to vector<16xf32>
      %neg3A_535 = arith.subf %neg3A_534, %abs3A_532 : vector<16xf32>
      %exp3A_536 = math.exp %neg3A_535 : vector<16xf32>
      %max3A_537 = arith.constant 0.000000e+00 : f32
      %max3A_538 = vector.broadcast %max3A_537 : f32 to vector<16xf32>
      %max3A_539 = arith.maximumf %select_n3A_531, %max3A_538 : vector<16xf32>
      %mul3A_540 = arith.constant -0.054862313 : f32
      %mul3A_541 = vector.broadcast %mul3A_540 : f32 to vector<16xf32>
      %mul3A_542 = arith.mulf %mul3A_541, %exp3A_536 : vector<16xf32>
      %add3A_543 = arith.constant 0.216408581 : f32
      %add3A_544 = vector.broadcast %add3A_543 : f32 to vector<16xf32>
      %add3A_545 = arith.addf %mul3A_542, %add3A_544 : vector<16xf32>
      %mul3A_546 = arith.mulf %add3A_545, %exp3A_536 : vector<16xf32>
      %add3A_547 = arith.constant -0.464070708 : f32
      %add3A_548 = vector.broadcast %add3A_547 : f32 to vector<16xf32>
      %add3A_549 = arith.addf %mul3A_546, %add3A_548 : vector<16xf32>
      %mul3A_550 = arith.mulf %add3A_549, %exp3A_536 : vector<16xf32>
      %add3A_551 = arith.constant 0.995426654 : f32
      %add3A_552 = vector.broadcast %add3A_551 : f32 to vector<16xf32>
      %add3A_553 = arith.addf %mul3A_550, %add3A_552 : vector<16xf32>
      %mul3A_554 = arith.mulf %add3A_553, %exp3A_536 : vector<16xf32>
      %add3A_555 = arith.constant 1.41580182E-4 : f32
      %add3A_556 = vector.broadcast %add3A_555 : f32 to vector<16xf32>
      %add3A_557 = arith.addf %mul3A_554, %add3A_556 : vector<16xf32>
      %add3A_558 = arith.addf %max3A_539, %add3A_557 : vector<16xf32>
      %jit3A_559 = arith.constant 1.000000e+00 : f32
      %jit3A_560 = arith.constant 2.000000e-01 : f32
      %broadcast_in_dim3A_561 = vector.broadcast %jit3A_559 : f32 to vector<16xf32>
      %broadcast_in_dim3A_562 = vector.broadcast %jit3A_560 : f32 to vector<16xf32>
      %select_n3A_563 = arith.select %ne3A_527, %broadcast_in_dim3A_561, %broadcast_in_dim3A_562 : vector<16xi1>, vector<16xf32>
      %mul3A_564 = arith.mulf %select_n3A_563, %add3A_558 : vector<16xf32>
      %add3A_565 = arith.addf %scan3A_238, %mul3A_564 : vector<16xf32>
      %add3A_566 = arith.addf %scan3A_239, %select_n3A_563 : vector<16xf32>
      %get3A_567 = arith.constant 7 : i32
      %get3A_568 = arith.index_cast %get3A_567 : i32 to index
      %get3A_569 = arith.index_cast %mul3A_243 : i32 to index
      %get3A_570 = tpu.vector_load %arg11[%get3A_568, %get3A_569] {strides = array<i32>} : memref<8x2048xi32, #tpu.memory_space<vmem>>, vector<16xi32>,
      %sub3A_571 = arith.subf %add3A_126, %get3A_244 : vector<16xf32>
      %ne3A_572 = arith.constant 0 : i32
      %ne3A_573 = vector.broadcast %ne3A_572 : i32 to vector<16xi32>
      %ne3A_574 = arith.cmpi ne, %get3A_570, %ne3A_573 : vector<16xi32>
      %neg3A_575 = arith.constant 0.000000e+00 : f32
      %neg3A_576 = vector.broadcast %neg3A_575 : f32 to vector<16xf32>
      %neg3A_577 = arith.subf %neg3A_576, %sub3A_571 : vector<16xf32>
      %select_n3A_578 = arith.select %ne3A_574, %neg3A_577, %sub3A_571 : vector<16xi1>, vector<16xf32>
      %abs3A_579 = math.absf %sub3A_571 : vector<16xf32>
      %neg3A_580 = arith.constant 0.000000e+00 : f32
      %neg3A_581 = vector.broadcast %neg3A_580 : f32 to vector<16xf32>
      %neg3A_582 = arith.subf %neg3A_581, %abs3A_579 : vector<16xf32>
      %exp3A_583 = math.exp %neg3A_582 : vector<16xf32>
      %max3A_584 = arith.constant 0.000000e+00 : f32
      %max3A_585 = vector.broadcast %max3A_584 : f32 to vector<16xf32>
      %max3A_586 = arith.maximumf %select_n3A_578, %max3A_585 : vector<16xf32>
      %mul3A_587 = arith.constant -0.054862313 : f32
      %mul3A_588 = vector.broadcast %mul3A_587 : f32 to vector<16xf32>
      %mul3A_589 = arith.mulf %mul3A_588, %exp3A_583 : vector<16xf32>
      %add3A_590 = arith.constant 0.216408581 : f32
      %add3A_591 = vector.broadcast %add3A_590 : f32 to vector<16xf32>
      %add3A_592 = arith.addf %mul3A_589, %add3A_591 : vector<16xf32>
      %mul3A_593 = arith.mulf %add3A_592, %exp3A_583 : vector<16xf32>
      %add3A_594 = arith.constant -0.464070708 : f32
      %add3A_595 = vector.broadcast %add3A_594 : f32 to vector<16xf32>
      %add3A_596 = arith.addf %mul3A_593, %add3A_595 : vector<16xf32>
      %mul3A_597 = arith.mulf %add3A_596, %exp3A_583 : vector<16xf32>
      %add3A_598 = arith.constant 0.995426654 : f32
      %add3A_599 = vector.broadcast %add3A_598 : f32 to vector<16xf32>
      %add3A_600 = arith.addf %mul3A_597, %add3A_599 : vector<16xf32>
      %mul3A_601 = arith.mulf %add3A_600, %exp3A_583 : vector<16xf32>
      %add3A_602 = arith.constant 1.41580182E-4 : f32
      %add3A_603 = vector.broadcast %add3A_602 : f32 to vector<16xf32>
      %add3A_604 = arith.addf %mul3A_601, %add3A_603 : vector<16xf32>
      %add3A_605 = arith.addf %max3A_586, %add3A_604 : vector<16xf32>
      %jit3A_606 = arith.constant 1.000000e+00 : f32
      %jit3A_607 = arith.constant 2.000000e-01 : f32
      %broadcast_in_dim3A_608 = vector.broadcast %jit3A_606 : f32 to vector<16xf32>
      %broadcast_in_dim3A_609 = vector.broadcast %jit3A_607 : f32 to vector<16xf32>
      %select_n3A_610 = arith.select %ne3A_574, %broadcast_in_dim3A_608, %broadcast_in_dim3A_609 : vector<16xi1>, vector<16xf32>
      %mul3A_611 = arith.mulf %select_n3A_610, %add3A_605 : vector<16xf32>
      %add3A_612 = arith.addf %scan3A_240, %mul3A_611 : vector<16xf32>
      %add3A_613 = arith.addf %scan3A_241, %select_n3A_610 : vector<16xf32>
      %scan3A_614 = arith.constant 1 : i32
      %scan3A_615 = arith.addi %scan3A_225, %scan3A_614 : i32
      %mul3A_616 = arith.constant 16 : i32
      %mul3A_617 = arith.muli %scan3A_615, %mul3A_616 : i32
      %get3A_618 = arith.index_cast %mul3A_617 : i32 to index
      %get3A_619 = tpu.vector_load %arg8[%get3A_618] {strides = array<i32>} : memref<2048xf32, #tpu.memory_space<vmem>>, vector<16xf32>,
      %get3A_620 = arith.constant 0 : i32
      %get3A_621 = arith.index_cast %get3A_620 : i32 to index
      %get3A_622 = arith.index_cast %mul3A_617 : i32 to index
      %get3A_623 = tpu.vector_load %arg11[%get3A_621, %get3A_622] {strides = array<i32>} : memref<8x2048xi32, #tpu.memory_space<vmem>>, vector<16xi32>,
      %sub3A_624 = arith.subf %add3A_91, %get3A_619 : vector<16xf32>
      %ne3A_625 = arith.constant 0 : i32
      %ne3A_626 = vector.broadcast %ne3A_625 : i32 to vector<16xi32>
      %ne3A_627 = arith.cmpi ne, %get3A_623, %ne3A_626 : vector<16xi32>
      %neg3A_628 = arith.constant 0.000000e+00 : f32
      %neg3A_629 = vector.broadcast %neg3A_628 : f32 to vector<16xf32>
      %neg3A_630 = arith.subf %neg3A_629, %sub3A_624 : vector<16xf32>
      %select_n3A_631 = arith.select %ne3A_627, %neg3A_630, %sub3A_624 : vector<16xi1>, vector<16xf32>
      %abs3A_632 = math.absf %sub3A_624 : vector<16xf32>
      %neg3A_633 = arith.constant 0.000000e+00 : f32
      %neg3A_634 = vector.broadcast %neg3A_633 : f32 to vector<16xf32>
      %neg3A_635 = arith.subf %neg3A_634, %abs3A_632 : vector<16xf32>
      %exp3A_636 = math.exp %neg3A_635 : vector<16xf32>
      %max3A_637 = arith.constant 0.000000e+00 : f32
      %max3A_638 = vector.broadcast %max3A_637 : f32 to vector<16xf32>
      %max3A_639 = arith.maximumf %select_n3A_631, %max3A_638 : vector<16xf32>
      %mul3A_640 = arith.constant -0.054862313 : f32
      %mul3A_641 = vector.broadcast %mul3A_640 : f32 to vector<16xf32>
      %mul3A_642 = arith.mulf %mul3A_641, %exp3A_636 : vector<16xf32>
      %add3A_643 = arith.constant 0.216408581 : f32
      %add3A_644 = vector.broadcast %add3A_643 : f32 to vector<16xf32>
      %add3A_645 = arith.addf %mul3A_642, %add3A_644 : vector<16xf32>
      %mul3A_646 = arith.mulf %add3A_645, %exp3A_636 : vector<16xf32>
      %add3A_647 = arith.constant -0.464070708 : f32
      %add3A_648 = vector.broadcast %add3A_647 : f32 to vector<16xf32>
      %add3A_649 = arith.addf %mul3A_646, %add3A_648 : vector<16xf32>
      %mul3A_650 = arith.mulf %add3A_649, %exp3A_636 : vector<16xf32>
      %add3A_651 = arith.constant 0.995426654 : f32
      %add3A_652 = vector.broadcast %add3A_651 : f32 to vector<16xf32>
      %add3A_653 = arith.addf %mul3A_650, %add3A_652 : vector<16xf32>
      %mul3A_654 = arith.mulf %add3A_653, %exp3A_636 : vector<16xf32>
      %add3A_655 = arith.constant 1.41580182E-4 : f32
      %add3A_656 = vector.broadcast %add3A_655 : f32 to vector<16xf32>
      %add3A_657 = arith.addf %mul3A_654, %add3A_656 : vector<16xf32>
      %add3A_658 = arith.addf %max3A_639, %add3A_657 : vector<16xf32>
      %jit3A_659 = arith.constant 1.000000e+00 : f32
      %jit3A_660 = arith.constant 2.000000e-01 : f32
      %broadcast_in_dim3A_661 = vector.broadcast %jit3A_659 : f32 to vector<16xf32>
      %broadcast_in_dim3A_662 = vector.broadcast %jit3A_660 : f32 to vector<16xf32>
      %select_n3A_663 = arith.select %ne3A_627, %broadcast_in_dim3A_661, %broadcast_in_dim3A_662 : vector<16xi1>, vector<16xf32>
      %mul3A_664 = arith.mulf %select_n3A_663, %add3A_658 : vector<16xf32>
      %add3A_665 = arith.addf %add3A_283, %mul3A_664 : vector<16xf32>
      %add3A_666 = arith.addf %add3A_284, %select_n3A_663 : vector<16xf32>
      %get3A_667 = arith.constant 1 : i32
      %get3A_668 = arith.index_cast %get3A_667 : i32 to index
      %get3A_669 = arith.index_cast %mul3A_617 : i32 to index
      %get3A_670 = tpu.vector_load %arg11[%get3A_668, %get3A_669] {strides = array<i32>} : memref<8x2048xi32, #tpu.memory_space<vmem>>, vector<16xi32>,
      %sub3A_671 = arith.subf %add3A_96, %get3A_619 : vector<16xf32>
      %ne3A_672 = arith.constant 0 : i32
      %ne3A_673 = vector.broadcast %ne3A_672 : i32 to vector<16xi32>
      %ne3A_674 = arith.cmpi ne, %get3A_670, %ne3A_673 : vector<16xi32>
      %neg3A_675 = arith.constant 0.000000e+00 : f32
      %neg3A_676 = vector.broadcast %neg3A_675 : f32 to vector<16xf32>
      %neg3A_677 = arith.subf %neg3A_676, %sub3A_671 : vector<16xf32>
      %select_n3A_678 = arith.select %ne3A_674, %neg3A_677, %sub3A_671 : vector<16xi1>, vector<16xf32>
      %abs3A_679 = math.absf %sub3A_671 : vector<16xf32>
      %neg3A_680 = arith.constant 0.000000e+00 : f32
      %neg3A_681 = vector.broadcast %neg3A_680 : f32 to vector<16xf32>
      %neg3A_682 = arith.subf %neg3A_681, %abs3A_679 : vector<16xf32>
      %exp3A_683 = math.exp %neg3A_682 : vector<16xf32>
      %max3A_684 = arith.constant 0.000000e+00 : f32
      %max3A_685 = vector.broadcast %max3A_684 : f32 to vector<16xf32>
      %max3A_686 = arith.maximumf %select_n3A_678, %max3A_685 : vector<16xf32>
      %mul3A_687 = arith.constant -0.054862313 : f32
      %mul3A_688 = vector.broadcast %mul3A_687 : f32 to vector<16xf32>
      %mul3A_689 = arith.mulf %mul3A_688, %exp3A_683 : vector<16xf32>
      %add3A_690 = arith.constant 0.216408581 : f32
      %add3A_691 = vector.broadcast %add3A_690 : f32 to vector<16xf32>
      %add3A_692 = arith.addf %mul3A_689, %add3A_691 : vector<16xf32>
      %mul3A_693 = arith.mulf %add3A_692, %exp3A_683 : vector<16xf32>
      %add3A_694 = arith.constant -0.464070708 : f32
      %add3A_695 = vector.broadcast %add3A_694 : f32 to vector<16xf32>
      %add3A_696 = arith.addf %mul3A_693, %add3A_695 : vector<16xf32>
      %mul3A_697 = arith.mulf %add3A_696, %exp3A_683 : vector<16xf32>
      %add3A_698 = arith.constant 0.995426654 : f32
      %add3A_699 = vector.broadcast %add3A_698 : f32 to vector<16xf32>
      %add3A_700 = arith.addf %mul3A_697, %add3A_699 : vector<16xf32>
      %mul3A_701 = arith.mulf %add3A_700, %exp3A_683 : vector<16xf32>
      %add3A_702 = arith.constant 1.41580182E-4 : f32
      %add3A_703 = vector.broadcast %add3A_702 : f32 to vector<16xf32>
      %add3A_704 = arith.addf %mul3A_701, %add3A_703 : vector<16xf32>
      %add3A_705 = arith.addf %max3A_686, %add3A_704 : vector<16xf32>
      %jit3A_706 = arith.constant 1.000000e+00 : f32
      %jit3A_707 = arith.constant 2.000000e-01 : f32
      %broadcast_in_dim3A_708 = vector.broadcast %jit3A_706 : f32 to vector<16xf32>
      %broadcast_in_dim3A_709 = vector.broadcast %jit3A_707 : f32 to vector<16xf32>
      %select_n3A_710 = arith.select %ne3A_674, %broadcast_in_dim3A_708, %broadcast_in_dim3A_709 : vector<16xi1>, vector<16xf32>
      %mul3A_711 = arith.mulf %select_n3A_710, %add3A_705 : vector<16xf32>
      %add3A_712 = arith.addf %add3A_330, %mul3A_711 : vector<16xf32>
      %add3A_713 = arith.addf %add3A_331, %select_n3A_710 : vector<16xf32>
      %get3A_714 = arith.constant 2 : i32
      %get3A_715 = arith.index_cast %get3A_714 : i32 to index
      %get3A_716 = arith.index_cast %mul3A_617 : i32 to index
      %get3A_717 = tpu.vector_load %arg11[%get3A_715, %get3A_716] {strides = array<i32>} : memref<8x2048xi32, #tpu.memory_space<vmem>>, vector<16xi32>,
      %sub3A_718 = arith.subf %add3A_101, %get3A_619 : vector<16xf32>
      %ne3A_719 = arith.constant 0 : i32
      %ne3A_720 = vector.broadcast %ne3A_719 : i32 to vector<16xi32>
      %ne3A_721 = arith.cmpi ne, %get3A_717, %ne3A_720 : vector<16xi32>
      %neg3A_722 = arith.constant 0.000000e+00 : f32
      %neg3A_723 = vector.broadcast %neg3A_722 : f32 to vector<16xf32>
      %neg3A_724 = arith.subf %neg3A_723, %sub3A_718 : vector<16xf32>
      %select_n3A_725 = arith.select %ne3A_721, %neg3A_724, %sub3A_718 : vector<16xi1>, vector<16xf32>
      %abs3A_726 = math.absf %sub3A_718 : vector<16xf32>
      %neg3A_727 = arith.constant 0.000000e+00 : f32
      %neg3A_728 = vector.broadcast %neg3A_727 : f32 to vector<16xf32>
      %neg3A_729 = arith.subf %neg3A_728, %abs3A_726 : vector<16xf32>
      %exp3A_730 = math.exp %neg3A_729 : vector<16xf32>
      %max3A_731 = arith.constant 0.000000e+00 : f32
      %max3A_732 = vector.broadcast %max3A_731 : f32 to vector<16xf32>
      %max3A_733 = arith.maximumf %select_n3A_725, %max3A_732 : vector<16xf32>
      %mul3A_734 = arith.constant -0.054862313 : f32
      %mul3A_735 = vector.broadcast %mul3A_734 : f32 to vector<16xf32>
      %mul3A_736 = arith.mulf %mul3A_735, %exp3A_730 : vector<16xf32>
      %add3A_737 = arith.constant 0.216408581 : f32
      %add3A_738 = vector.broadcast %add3A_737 : f32 to vector<16xf32>
      %add3A_739 = arith.addf %mul3A_736, %add3A_738 : vector<16xf32>
      %mul3A_740 = arith.mulf %add3A_739, %exp3A_730 : vector<16xf32>
      %add3A_741 = arith.constant -0.464070708 : f32
      %add3A_742 = vector.broadcast %add3A_741 : f32 to vector<16xf32>
      %add3A_743 = arith.addf %mul3A_740, %add3A_742 : vector<16xf32>
      %mul3A_744 = arith.mulf %add3A_743, %exp3A_730 : vector<16xf32>
      %add3A_745 = arith.constant 0.995426654 : f32
      %add3A_746 = vector.broadcast %add3A_745 : f32 to vector<16xf32>
      %add3A_747 = arith.addf %mul3A_744, %add3A_746 : vector<16xf32>
      %mul3A_748 = arith.mulf %add3A_747, %exp3A_730 : vector<16xf32>
      %add3A_749 = arith.constant 1.41580182E-4 : f32
      %add3A_750 = vector.broadcast %add3A_749 : f32 to vector<16xf32>
      %add3A_751 = arith.addf %mul3A_748, %add3A_750 : vector<16xf32>
      %add3A_752 = arith.addf %max3A_733, %add3A_751 : vector<16xf32>
      %jit3A_753 = arith.constant 1.000000e+00 : f32
      %jit3A_754 = arith.constant 2.000000e-01 : f32
      %broadcast_in_dim3A_755 = vector.broadcast %jit3A_753 : f32 to vector<16xf32>
      %broadcast_in_dim3A_756 = vector.broadcast %jit3A_754 : f32 to vector<16xf32>
      %select_n3A_757 = arith.select %ne3A_721, %broadcast_in_dim3A_755, %broadcast_in_dim3A_756 : vector<16xi1>, vector<16xf32>
      %mul3A_758 = arith.mulf %select_n3A_757, %add3A_752 : vector<16xf32>
      %add3A_759 = arith.addf %add3A_377, %mul3A_758 : vector<16xf32>
      %add3A_760 = arith.addf %add3A_378, %select_n3A_757 : vector<16xf32>
      %get3A_761 = arith.constant 3 : i32
      %get3A_762 = arith.index_cast %get3A_761 : i32 to index
      %get3A_763 = arith.index_cast %mul3A_617 : i32 to index
      %get3A_764 = tpu.vector_load %arg11[%get3A_762, %get3A_763] {strides = array<i32>} : memref<8x2048xi32, #tpu.memory_space<vmem>>, vector<16xi32>,
      %sub3A_765 = arith.subf %add3A_106, %get3A_619 : vector<16xf32>
      %ne3A_766 = arith.constant 0 : i32
      %ne3A_767 = vector.broadcast %ne3A_766 : i32 to vector<16xi32>
      %ne3A_768 = arith.cmpi ne, %get3A_764, %ne3A_767 : vector<16xi32>
      %neg3A_769 = arith.constant 0.000000e+00 : f32
      %neg3A_770 = vector.broadcast %neg3A_769 : f32 to vector<16xf32>
      %neg3A_771 = arith.subf %neg3A_770, %sub3A_765 : vector<16xf32>
      %select_n3A_772 = arith.select %ne3A_768, %neg3A_771, %sub3A_765 : vector<16xi1>, vector<16xf32>
      %abs3A_773 = math.absf %sub3A_765 : vector<16xf32>
      %neg3A_774 = arith.constant 0.000000e+00 : f32
      %neg3A_775 = vector.broadcast %neg3A_774 : f32 to vector<16xf32>
      %neg3A_776 = arith.subf %neg3A_775, %abs3A_773 : vector<16xf32>
      %exp3A_777 = math.exp %neg3A_776 : vector<16xf32>
      %max3A_778 = arith.constant 0.000000e+00 : f32
      %max3A_779 = vector.broadcast %max3A_778 : f32 to vector<16xf32>
      %max3A_780 = arith.maximumf %select_n3A_772, %max3A_779 : vector<16xf32>
      %mul3A_781 = arith.constant -0.054862313 : f32
      %mul3A_782 = vector.broadcast %mul3A_781 : f32 to vector<16xf32>
      %mul3A_783 = arith.mulf %mul3A_782, %exp3A_777 : vector<16xf32>
      %add3A_784 = arith.constant 0.216408581 : f32
      %add3A_785 = vector.broadcast %add3A_784 : f32 to vector<16xf32>
      %add3A_786 = arith.addf %mul3A_783, %add3A_785 : vector<16xf32>
      %mul3A_787 = arith.mulf %add3A_786, %exp3A_777 : vector<16xf32>
      %add3A_788 = arith.constant -0.464070708 : f32
      %add3A_789 = vector.broadcast %add3A_788 : f32 to vector<16xf32>
      %add3A_790 = arith.addf %mul3A_787, %add3A_789 : vector<16xf32>
      %mul3A_791 = arith.mulf %add3A_790, %exp3A_777 : vector<16xf32>
      %add3A_792 = arith.constant 0.995426654 : f32
      %add3A_793 = vector.broadcast %add3A_792 : f32 to vector<16xf32>
      %add3A_794 = arith.addf %mul3A_791, %add3A_793 : vector<16xf32>
      %mul3A_795 = arith.mulf %add3A_794, %exp3A_777 : vector<16xf32>
      %add3A_796 = arith.constant 1.41580182E-4 : f32
      %add3A_797 = vector.broadcast %add3A_796 : f32 to vector<16xf32>
      %add3A_798 = arith.addf %mul3A_795, %add3A_797 : vector<16xf32>
      %add3A_799 = arith.addf %max3A_780, %add3A_798 : vector<16xf32>
      %jit3A_800 = arith.constant 1.000000e+00 : f32
      %jit3A_801 = arith.constant 2.000000e-01 : f32
      %broadcast_in_dim3A_802 = vector.broadcast %jit3A_800 : f32 to vector<16xf32>
      %broadcast_in_dim3A_803 = vector.broadcast %jit3A_801 : f32 to vector<16xf32>
      %select_n3A_804 = arith.select %ne3A_768, %broadcast_in_dim3A_802, %broadcast_in_dim3A_803 : vector<16xi1>, vector<16xf32>
      %mul3A_805 = arith.mulf %select_n3A_804, %add3A_799 : vector<16xf32>
      %add3A_806 = arith.addf %add3A_424, %mul3A_805 : vector<16xf32>
      %add3A_807 = arith.addf %add3A_425, %select_n3A_804 : vector<16xf32>
      %get3A_808 = arith.constant 4 : i32
      %get3A_809 = arith.index_cast %get3A_808 : i32 to index
      %get3A_810 = arith.index_cast %mul3A_617 : i32 to index
      %get3A_811 = tpu.vector_load %arg11[%get3A_809, %get3A_810] {strides = array<i32>} : memref<8x2048xi32, #tpu.memory_space<vmem>>, vector<16xi32>,
      %sub3A_812 = arith.subf %add3A_111, %get3A_619 : vector<16xf32>
      %ne3A_813 = arith.constant 0 : i32
      %ne3A_814 = vector.broadcast %ne3A_813 : i32 to vector<16xi32>
      %ne3A_815 = arith.cmpi ne, %get3A_811, %ne3A_814 : vector<16xi32>
      %neg3A_816 = arith.constant 0.000000e+00 : f32
      %neg3A_817 = vector.broadcast %neg3A_816 : f32 to vector<16xf32>
      %neg3A_818 = arith.subf %neg3A_817, %sub3A_812 : vector<16xf32>
      %select_n3A_819 = arith.select %ne3A_815, %neg3A_818, %sub3A_812 : vector<16xi1>, vector<16xf32>
      %abs3A_820 = math.absf %sub3A_812 : vector<16xf32>
      %neg3A_821 = arith.constant 0.000000e+00 : f32
      %neg3A_822 = vector.broadcast %neg3A_821 : f32 to vector<16xf32>
      %neg3A_823 = arith.subf %neg3A_822, %abs3A_820 : vector<16xf32>
      %exp3A_824 = math.exp %neg3A_823 : vector<16xf32>
      %max3A_825 = arith.constant 0.000000e+00 : f32
      %max3A_826 = vector.broadcast %max3A_825 : f32 to vector<16xf32>
      %max3A_827 = arith.maximumf %select_n3A_819, %max3A_826 : vector<16xf32>
      %mul3A_828 = arith.constant -0.054862313 : f32
      %mul3A_829 = vector.broadcast %mul3A_828 : f32 to vector<16xf32>
      %mul3A_830 = arith.mulf %mul3A_829, %exp3A_824 : vector<16xf32>
      %add3A_831 = arith.constant 0.216408581 : f32
      %add3A_832 = vector.broadcast %add3A_831 : f32 to vector<16xf32>
      %add3A_833 = arith.addf %mul3A_830, %add3A_832 : vector<16xf32>
      %mul3A_834 = arith.mulf %add3A_833, %exp3A_824 : vector<16xf32>
      %add3A_835 = arith.constant -0.464070708 : f32
      %add3A_836 = vector.broadcast %add3A_835 : f32 to vector<16xf32>
      %add3A_837 = arith.addf %mul3A_834, %add3A_836 : vector<16xf32>
      %mul3A_838 = arith.mulf %add3A_837, %exp3A_824 : vector<16xf32>
      %add3A_839 = arith.constant 0.995426654 : f32
      %add3A_840 = vector.broadcast %add3A_839 : f32 to vector<16xf32>
      %add3A_841 = arith.addf %mul3A_838, %add3A_840 : vector<16xf32>
      %mul3A_842 = arith.mulf %add3A_841, %exp3A_824 : vector<16xf32>
      %add3A_843 = arith.constant 1.41580182E-4 : f32
      %add3A_844 = vector.broadcast %add3A_843 : f32 to vector<16xf32>
      %add3A_845 = arith.addf %mul3A_842, %add3A_844 : vector<16xf32>
      %add3A_846 = arith.addf %max3A_827, %add3A_845 : vector<16xf32>
      %jit3A_847 = arith.constant 1.000000e+00 : f32
      %jit3A_848 = arith.constant 2.000000e-01 : f32
      %broadcast_in_dim3A_849 = vector.broadcast %jit3A_847 : f32 to vector<16xf32>
      %broadcast_in_dim3A_850 = vector.broadcast %jit3A_848 : f32 to vector<16xf32>
      %select_n3A_851 = arith.select %ne3A_815, %broadcast_in_dim3A_849, %broadcast_in_dim3A_850 : vector<16xi1>, vector<16xf32>
      %mul3A_852 = arith.mulf %select_n3A_851, %add3A_846 : vector<16xf32>
      %add3A_853 = arith.addf %add3A_471, %mul3A_852 : vector<16xf32>
      %add3A_854 = arith.addf %add3A_472, %select_n3A_851 : vector<16xf32>
      %get3A_855 = arith.constant 5 : i32
      %get3A_856 = arith.index_cast %get3A_855 : i32 to index
      %get3A_857 = arith.index_cast %mul3A_617 : i32 to index
      %get3A_858 = tpu.vector_load %arg11[%get3A_856, %get3A_857] {strides = array<i32>} : memref<8x2048xi32, #tpu.memory_space<vmem>>, vector<16xi32>,
      %sub3A_859 = arith.subf %add3A_116, %get3A_619 : vector<16xf32>
      %ne3A_860 = arith.constant 0 : i32
      %ne3A_861 = vector.broadcast %ne3A_860 : i32 to vector<16xi32>
      %ne3A_862 = arith.cmpi ne, %get3A_858, %ne3A_861 : vector<16xi32>
      %neg3A_863 = arith.constant 0.000000e+00 : f32
      %neg3A_864 = vector.broadcast %neg3A_863 : f32 to vector<16xf32>
      %neg3A_865 = arith.subf %neg3A_864, %sub3A_859 : vector<16xf32>
      %select_n3A_866 = arith.select %ne3A_862, %neg3A_865, %sub3A_859 : vector<16xi1>, vector<16xf32>
      %abs3A_867 = math.absf %sub3A_859 : vector<16xf32>
      %neg3A_868 = arith.constant 0.000000e+00 : f32
      %neg3A_869 = vector.broadcast %neg3A_868 : f32 to vector<16xf32>
      %neg3A_870 = arith.subf %neg3A_869, %abs3A_867 : vector<16xf32>
      %exp3A_871 = math.exp %neg3A_870 : vector<16xf32>
      %max3A_872 = arith.constant 0.000000e+00 : f32
      %max3A_873 = vector.broadcast %max3A_872 : f32 to vector<16xf32>
      %max3A_874 = arith.maximumf %select_n3A_866, %max3A_873 : vector<16xf32>
      %mul3A_875 = arith.constant -0.054862313 : f32
      %mul3A_876 = vector.broadcast %mul3A_875 : f32 to vector<16xf32>
      %mul3A_877 = arith.mulf %mul3A_876, %exp3A_871 : vector<16xf32>
      %add3A_878 = arith.constant 0.216408581 : f32
      %add3A_879 = vector.broadcast %add3A_878 : f32 to vector<16xf32>
      %add3A_880 = arith.addf %mul3A_877, %add3A_879 : vector<16xf32>
      %mul3A_881 = arith.mulf %add3A_880, %exp3A_871 : vector<16xf32>
      %add3A_882 = arith.constant -0.464070708 : f32
      %add3A_883 = vector.broadcast %add3A_882 : f32 to vector<16xf32>
      %add3A_884 = arith.addf %mul3A_881, %add3A_883 : vector<16xf32>
      %mul3A_885 = arith.mulf %add3A_884, %exp3A_871 : vector<16xf32>
      %add3A_886 = arith.constant 0.995426654 : f32
      %add3A_887 = vector.broadcast %add3A_886 : f32 to vector<16xf32>
      %add3A_888 = arith.addf %mul3A_885, %add3A_887 : vector<16xf32>
      %mul3A_889 = arith.mulf %add3A_888, %exp3A_871 : vector<16xf32>
      %add3A_890 = arith.constant 1.41580182E-4 : f32
      %add3A_891 = vector.broadcast %add3A_890 : f32 to vector<16xf32>
      %add3A_892 = arith.addf %mul3A_889, %add3A_891 : vector<16xf32>
      %add3A_893 = arith.addf %max3A_874, %add3A_892 : vector<16xf32>
      %jit3A_894 = arith.constant 1.000000e+00 : f32
      %jit3A_895 = arith.constant 2.000000e-01 : f32
      %broadcast_in_dim3A_896 = vector.broadcast %jit3A_894 : f32 to vector<16xf32>
      %broadcast_in_dim3A_897 = vector.broadcast %jit3A_895 : f32 to vector<16xf32>
      %select_n3A_898 = arith.select %ne3A_862, %broadcast_in_dim3A_896, %broadcast_in_dim3A_897 : vector<16xi1>, vector<16xf32>
      %mul3A_899 = arith.mulf %select_n3A_898, %add3A_893 : vector<16xf32>
      %add3A_900 = arith.addf %add3A_518, %mul3A_899 : vector<16xf32>
      %add3A_901 = arith.addf %add3A_519, %select_n3A_898 : vector<16xf32>
      %get3A_902 = arith.constant 6 : i32
      %get3A_903 = arith.index_cast %get3A_902 : i32 to index
      %get3A_904 = arith.index_cast %mul3A_617 : i32 to index
      %get3A_905 = tpu.vector_load %arg11[%get3A_903, %get3A_904] {strides = array<i32>} : memref<8x2048xi32, #tpu.memory_space<vmem>>, vector<16xi32>,
      %sub3A_906 = arith.subf %add3A_121, %get3A_619 : vector<16xf32>
      %ne3A_907 = arith.constant 0 : i32
      %ne3A_908 = vector.broadcast %ne3A_907 : i32 to vector<16xi32>
      %ne3A_909 = arith.cmpi ne, %get3A_905, %ne3A_908 : vector<16xi32>
      %neg3A_910 = arith.constant 0.000000e+00 : f32
      %neg3A_911 = vector.broadcast %neg3A_910 : f32 to vector<16xf32>
      %neg3A_912 = arith.subf %neg3A_911, %sub3A_906 : vector<16xf32>
      %select_n3A_913 = arith.select %ne3A_909, %neg3A_912, %sub3A_906 : vector<16xi1>, vector<16xf32>
      %abs3A_914 = math.absf %sub3A_906 : vector<16xf32>
      %neg3A_915 = arith.constant 0.000000e+00 : f32
      %neg3A_916 = vector.broadcast %neg3A_915 : f32 to vector<16xf32>
      %neg3A_917 = arith.subf %neg3A_916, %abs3A_914 : vector<16xf32>
      %exp3A_918 = math.exp %neg3A_917 : vector<16xf32>
      %max3A_919 = arith.constant 0.000000e+00 : f32
      %max3A_920 = vector.broadcast %max3A_919 : f32 to vector<16xf32>
      %max3A_921 = arith.maximumf %select_n3A_913, %max3A_920 : vector<16xf32>
      %mul3A_922 = arith.constant -0.054862313 : f32
      %mul3A_923 = vector.broadcast %mul3A_922 : f32 to vector<16xf32>
      %mul3A_924 = arith.mulf %mul3A_923, %exp3A_918 : vector<16xf32>
      %add3A_925 = arith.constant 0.216408581 : f32
      %add3A_926 = vector.broadcast %add3A_925 : f32 to vector<16xf32>
      %add3A_927 = arith.addf %mul3A_924, %add3A_926 : vector<16xf32>
      %mul3A_928 = arith.mulf %add3A_927, %exp3A_918 : vector<16xf32>
      %add3A_929 = arith.constant -0.464070708 : f32
      %add3A_930 = vector.broadcast %add3A_929 : f32 to vector<16xf32>
      %add3A_931 = arith.addf %mul3A_928, %add3A_930 : vector<16xf32>
      %mul3A_932 = arith.mulf %add3A_931, %exp3A_918 : vector<16xf32>
      %add3A_933 = arith.constant 0.995426654 : f32
      %add3A_934 = vector.broadcast %add3A_933 : f32 to vector<16xf32>
      %add3A_935 = arith.addf %mul3A_932, %add3A_934 : vector<16xf32>
      %mul3A_936 = arith.mulf %add3A_935, %exp3A_918 : vector<16xf32>
      %add3A_937 = arith.constant 1.41580182E-4 : f32
      %add3A_938 = vector.broadcast %add3A_937 : f32 to vector<16xf32>
      %add3A_939 = arith.addf %mul3A_936, %add3A_938 : vector<16xf32>
      %add3A_940 = arith.addf %max3A_921, %add3A_939 : vector<16xf32>
      %jit3A_941 = arith.constant 1.000000e+00 : f32
      %jit3A_942 = arith.constant 2.000000e-01 : f32
      %broadcast_in_dim3A_943 = vector.broadcast %jit3A_941 : f32 to vector<16xf32>
      %broadcast_in_dim3A_944 = vector.broadcast %jit3A_942 : f32 to vector<16xf32>
      %select_n3A_945 = arith.select %ne3A_909, %broadcast_in_dim3A_943, %broadcast_in_dim3A_944 : vector<16xi1>, vector<16xf32>
      %mul3A_946 = arith.mulf %select_n3A_945, %add3A_940 : vector<16xf32>
      %add3A_947 = arith.addf %add3A_565, %mul3A_946 : vector<16xf32>
      %add3A_948 = arith.addf %add3A_566, %select_n3A_945 : vector<16xf32>
      %get3A_949 = arith.constant 7 : i32
      %get3A_950 = arith.index_cast %get3A_949 : i32 to index
      %get3A_951 = arith.index_cast %mul3A_617 : i32 to index
      %get3A_952 = tpu.vector_load %arg11[%get3A_950, %get3A_951] {strides = array<i32>} : memref<8x2048xi32, #tpu.memory_space<vmem>>, vector<16xi32>,
      %sub3A_953 = arith.subf %add3A_126, %get3A_619 : vector<16xf32>
      %ne3A_954 = arith.constant 0 : i32
      %ne3A_955 = vector.broadcast %ne3A_954 : i32 to vector<16xi32>
      %ne3A_956 = arith.cmpi ne, %get3A_952, %ne3A_955 : vector<16xi32>
      %neg3A_957 = arith.constant 0.000000e+00 : f32
      %neg3A_958 = vector.broadcast %neg3A_957 : f32 to vector<16xf32>
      %neg3A_959 = arith.subf %neg3A_958, %sub3A_953 : vector<16xf32>
      %select_n3A_960 = arith.select %ne3A_956, %neg3A_959, %sub3A_953 : vector<16xi1>, vector<16xf32>
      %abs3A_961 = math.absf %sub3A_953 : vector<16xf32>
      %neg3A_962 = arith.constant 0.000000e+00 : f32
      %neg3A_963 = vector.broadcast %neg3A_962 : f32 to vector<16xf32>
      %neg3A_964 = arith.subf %neg3A_963, %abs3A_961 : vector<16xf32>
      %exp3A_965 = math.exp %neg3A_964 : vector<16xf32>
      %max3A_966 = arith.constant 0.000000e+00 : f32
      %max3A_967 = vector.broadcast %max3A_966 : f32 to vector<16xf32>
      %max3A_968 = arith.maximumf %select_n3A_960, %max3A_967 : vector<16xf32>
      %mul3A_969 = arith.constant -0.054862313 : f32
      %mul3A_970 = vector.broadcast %mul3A_969 : f32 to vector<16xf32>
      %mul3A_971 = arith.mulf %mul3A_970, %exp3A_965 : vector<16xf32>
      %add3A_972 = arith.constant 0.216408581 : f32
      %add3A_973 = vector.broadcast %add3A_972 : f32 to vector<16xf32>
      %add3A_974 = arith.addf %mul3A_971, %add3A_973 : vector<16xf32>
      %mul3A_975 = arith.mulf %add3A_974, %exp3A_965 : vector<16xf32>
      %add3A_976 = arith.constant -0.464070708 : f32
      %add3A_977 = vector.broadcast %add3A_976 : f32 to vector<16xf32>
      %add3A_978 = arith.addf %mul3A_975, %add3A_977 : vector<16xf32>
      %mul3A_979 = arith.mulf %add3A_978, %exp3A_965 : vector<16xf32>
      %add3A_980 = arith.constant 0.995426654 : f32
      %add3A_981 = vector.broadcast %add3A_980 : f32 to vector<16xf32>
      %add3A_982 = arith.addf %mul3A_979, %add3A_981 : vector<16xf32>
      %mul3A_983 = arith.mulf %add3A_982, %exp3A_965 : vector<16xf32>
      %add3A_984 = arith.constant 1.41580182E-4 : f32
      %add3A_985 = vector.broadcast %add3A_984 : f32 to vector<16xf32>
      %add3A_986 = arith.addf %mul3A_983, %add3A_985 : vector<16xf32>
      %add3A_987 = arith.addf %max3A_968, %add3A_986 : vector<16xf32>
      %jit3A_988 = arith.constant 1.000000e+00 : f32
      %jit3A_989 = arith.constant 2.000000e-01 : f32
      %broadcast_in_dim3A_990 = vector.broadcast %jit3A_988 : f32 to vector<16xf32>
      %broadcast_in_dim3A_991 = vector.broadcast %jit3A_989 : f32 to vector<16xf32>
      %select_n3A_992 = arith.select %ne3A_956, %broadcast_in_dim3A_990, %broadcast_in_dim3A_991 : vector<16xi1>, vector<16xf32>
      %mul3A_993 = arith.mulf %select_n3A_992, %add3A_987 : vector<16xf32>
      %add3A_994 = arith.addf %add3A_612, %mul3A_993 : vector<16xf32>
      %add3A_995 = arith.addf %add3A_613, %select_n3A_992 : vector<16xf32>
      scf.yield %add3A_665, %add3A_666, %add3A_712, %add3A_713, %add3A_759, %add3A_760, %add3A_806, %add3A_807, %add3A_853, %add3A_854, %add3A_900, %add3A_901, %add3A_947, %add3A_948, %add3A_994, %add3A_995 : vector<16xf32>, vector<16xf32>, vector<16xf32>, vector<16xf32>, vector<16xf32>, vector<16xf32>, vector<16xf32>, vector<16xf32>, vector<16xf32>, vector<16xf32>, vector<16xf32>, vector<16xf32>, vector<16xf32>, vector<16xf32>, vector<16xf32>, vector<16xf32>
    }
    %scan3A_132 = arith.constant 128 : i32
    %scan3A_133 = arith.constant 1 : i32
    %add3A_134 = arith.addf %scan3A_131#0, %scan3A_131#2 : vector<16xf32>
    %add3A_135 = arith.addf %scan3A_131#1, %scan3A_131#3 : vector<16xf32>
    %add3A_136 = arith.addf %add3A_134, %scan3A_131#4 : vector<16xf32>
    %add3A_137 = arith.addf %add3A_135, %scan3A_131#5 : vector<16xf32>
    %add3A_138 = arith.addf %add3A_136, %scan3A_131#6 : vector<16xf32>
    %add3A_139 = arith.addf %add3A_137, %scan3A_131#7 : vector<16xf32>
    %add3A_140 = arith.addf %add3A_138, %scan3A_131#8 : vector<16xf32>
    %add3A_141 = arith.addf %add3A_139, %scan3A_131#9 : vector<16xf32>
    %add3A_142 = arith.addf %add3A_140, %scan3A_131#10 : vector<16xf32>
    %add3A_143 = arith.addf %add3A_141, %scan3A_131#11 : vector<16xf32>
    %add3A_144 = arith.addf %add3A_142, %scan3A_131#12 : vector<16xf32>
    %add3A_145 = arith.addf %add3A_143, %scan3A_131#13 : vector<16xf32>
    %add3A_146 = arith.addf %add3A_144, %scan3A_131#14 : vector<16xf32>
    %add3A_147 = arith.addf %add3A_145, %scan3A_131#15 : vector<16xf32>
    %swap3A = arith.constant 0 : index
    %swap3A_148 = tpu.vector_load %arg12[%swap3A] {strides = array<i32>} : memref<16xf32, #tpu.memory_space<vmem>>, vector<16xf32>,
    tpu.vector_store %arg12[%swap3A], %add3A_146 {strides = array<i32>} : memref<16xf32, #tpu.memory_space<vmem>>, vector<16xf32>,
    %run_scoped3A = arith.constant 0 : i32
    "tpu.region"() ({
      %run_scoped3A_225 = tpu.sem_alloc : memref<!tpu.dma_semaphore, #tpu.memory_space<semaphore_mem>>
      %dma_start3A = arith.constant 0 : i32
      %dma_start3A_226 = tpu.memref_slice %arg6[%run_scoped3A, %add3A, %dma_start3A] : memref<4x32x16xf32, #tpu.memory_space<hbm>> -> memref<1x1x16xf32, #tpu.memory_space<hbm>>
      %dma_start3A_227 = tpu.memref_squeeze %dma_start3A_226 : memref<1x1x16xf32, #tpu.memory_space<hbm>> -> memref<16xf32, #tpu.memory_space<hbm>>
      %dma_start3A_228 = arith.constant 0 : i32
      %dma_start3A_229 = tpu.memref_slice %arg6[%run_scoped3A, %add3A, %dma_start3A_228] : memref<4x32x16xf32, #tpu.memory_space<hbm>> -> memref<1x1x16xf32, #tpu.memory_space<hbm>>
      %dma_start3A_230 = tpu.memref_squeeze %dma_start3A_229 : memref<1x1x16xf32, #tpu.memory_space<hbm>> -> memref<16xf32, #tpu.memory_space<hbm>>
      tpu.enqueue_dma source(%arg12 : memref<16xf32, #tpu.memory_space<vmem>>) target(%dma_start3A_230 : memref<16xf32, #tpu.memory_space<hbm>>) target_semaphore(%run_scoped3A_225 : memref<!tpu.dma_semaphore, #tpu.memory_space<semaphore_mem>>)
      %dma_wait3A = arith.constant 0 : i32
      %dma_wait3A_231 = tpu.memref_slice %arg6[%run_scoped3A, %add3A, %dma_wait3A] : memref<4x32x16xf32, #tpu.memory_space<hbm>> -> memref<1x1x16xf32, #tpu.memory_space<hbm>>
      %dma_wait3A_232 = tpu.memref_squeeze %dma_wait3A_231 : memref<1x1x16xf32, #tpu.memory_space<hbm>> -> memref<16xf32, #tpu.memory_space<hbm>>
      %dma_wait3A_233 = arith.constant 0 : i32
      %dma_wait3A_234 = tpu.memref_slice %arg6[%run_scoped3A, %add3A, %dma_wait3A_233] : memref<4x32x16xf32, #tpu.memory_space<hbm>> -> memref<1x1x16xf32, #tpu.memory_space<hbm>>
      %dma_wait3A_235 = tpu.memref_squeeze %dma_wait3A_234 : memref<1x1x16xf32, #tpu.memory_space<hbm>> -> memref<16xf32, #tpu.memory_space<hbm>>
      tpu.wait_dma2 semaphore(%run_scoped3A_225 : memref<!tpu.dma_semaphore, #tpu.memory_space<semaphore_mem>>) src(%arg12 : memref<16xf32, #tpu.memory_space<vmem>>) dst(%dma_wait3A_235 : memref<16xf32, #tpu.memory_space<hbm>>)
      tpu.yield
    }) : () -> ()
    %swap3A_149 = arith.constant 0 : index
    %swap3A_150 = tpu.vector_load %arg12[%swap3A_149] {strides = array<i32>} : memref<16xf32, #tpu.memory_space<vmem>>, vector<16xf32>,
    tpu.vector_store %arg12[%swap3A_149], %add3A_147 {strides = array<i32>} : memref<16xf32, #tpu.memory_space<vmem>>, vector<16xf32>,
    %run_scoped3A_151 = arith.constant 1 : i32
    "tpu.region"() ({
      %run_scoped3A_225 = tpu.sem_alloc : memref<!tpu.dma_semaphore, #tpu.memory_space<semaphore_mem>>
      %dma_start3A = arith.constant 0 : i32
      %dma_start3A_226 = tpu.memref_slice %arg6[%run_scoped3A_151, %add3A, %dma_start3A] : memref<4x32x16xf32, #tpu.memory_space<hbm>> -> memref<1x1x16xf32, #tpu.memory_space<hbm>>
      %dma_start3A_227 = tpu.memref_squeeze %dma_start3A_226 : memref<1x1x16xf32, #tpu.memory_space<hbm>> -> memref<16xf32, #tpu.memory_space<hbm>>
      %dma_start3A_228 = arith.constant 0 : i32
      %dma_start3A_229 = tpu.memref_slice %arg6[%run_scoped3A_151, %add3A, %dma_start3A_228] : memref<4x32x16xf32, #tpu.memory_space<hbm>> -> memref<1x1x16xf32, #tpu.memory_space<hbm>>
      %dma_start3A_230 = tpu.memref_squeeze %dma_start3A_229 : memref<1x1x16xf32, #tpu.memory_space<hbm>> -> memref<16xf32, #tpu.memory_space<hbm>>
      tpu.enqueue_dma source(%arg12 : memref<16xf32, #tpu.memory_space<vmem>>) target(%dma_start3A_230 : memref<16xf32, #tpu.memory_space<hbm>>) target_semaphore(%run_scoped3A_225 : memref<!tpu.dma_semaphore, #tpu.memory_space<semaphore_mem>>)
      %dma_wait3A = arith.constant 0 : i32
      %dma_wait3A_231 = tpu.memref_slice %arg6[%run_scoped3A_151, %add3A, %dma_wait3A] : memref<4x32x16xf32, #tpu.memory_space<hbm>> -> memref<1x1x16xf32, #tpu.memory_space<hbm>>
      %dma_wait3A_232 = tpu.memref_squeeze %dma_wait3A_231 : memref<1x1x16xf32, #tpu.memory_space<hbm>> -> memref<16xf32, #tpu.memory_space<hbm>>
      %dma_wait3A_233 = arith.constant 0 : i32
      %dma_wait3A_234 = tpu.memref_slice %arg6[%run_scoped3A_151, %add3A, %dma_wait3A_233] : memref<4x32x16xf32, #tpu.memory_space<hbm>> -> memref<1x1x16xf32, #tpu.memory_space<hbm>>
      %dma_wait3A_235 = tpu.memref_squeeze %dma_wait3A_234 : memref<1x1x16xf32, #tpu.memory_space<hbm>> -> memref<16xf32, #tpu.memory_space<hbm>>
      tpu.wait_dma2 semaphore(%run_scoped3A_225 : memref<!tpu.dma_semaphore, #tpu.memory_space<semaphore_mem>>) src(%arg12 : memref<16xf32, #tpu.memory_space<vmem>>) dst(%dma_wait3A_235 : memref<16xf32, #tpu.memory_space<hbm>>)
      tpu.yield
    }) : () -> ()
    %scan3A_152 = arith.constant 0 : i32
    %mul3A_153 = arith.constant 8 : i32
    %mul3A_154 = arith.muli %add3A, %mul3A_153 : i32
    %mul3A_155 = arith.constant 8 : i32
    %mul3A_156 = arith.muli %scan3A_152, %mul3A_155 : i32
    %add3A_157 = arith.addi %mul3A_154, %mul3A_156 : i32
    "tpu.region"() ({
      %run_scoped3A_225 = tpu.sem_alloc : memref<!tpu.dma_semaphore, #tpu.memory_space<semaphore_mem>>
      %dma_start3A = arith.constant 0 : i32
      %dma_start3A_226 = tpu.memref_slice %arg4[%add3A_157, %dma_start3A] : memref<2048x2048xi32, #tpu.memory_space<hbm>> -> memref<8x2048xi32, #tpu.memory_space<hbm>>
      %dma_start3A_227 = arith.constant 0 : i32
      %dma_start3A_228 = tpu.memref_slice %arg4[%add3A_157, %dma_start3A_227] : memref<2048x2048xi32, #tpu.memory_space<hbm>> -> memref<8x2048xi32, #tpu.memory_space<hbm>>
      tpu.enqueue_dma source(%dma_start3A_228 : memref<8x2048xi32, #tpu.memory_space<hbm>>) target(%arg11 : memref<8x2048xi32, #tpu.memory_space<vmem>>) target_semaphore(%run_scoped3A_225 : memref<!tpu.dma_semaphore, #tpu.memory_space<semaphore_mem>>)
      %dma_wait3A = arith.constant 0 : i32
      %dma_wait3A_229 = tpu.memref_slice %arg4[%add3A_157, %dma_wait3A] : memref<2048x2048xi32, #tpu.memory_space<hbm>> -> memref<8x2048xi32, #tpu.memory_space<hbm>>
      %dma_wait3A_230 = arith.constant 0 : i32
      %dma_wait3A_231 = tpu.memref_slice %arg4[%add3A_157, %dma_wait3A_230] : memref<2048x2048xi32, #tpu.memory_space<hbm>> -> memref<8x2048xi32, #tpu.memory_space<hbm>>
      tpu.wait_dma2 semaphore(%run_scoped3A_225 : memref<!tpu.dma_semaphore, #tpu.memory_space<semaphore_mem>>) src(%dma_wait3A_231 : memref<8x2048xi32, #tpu.memory_space<hbm>>) dst(%arg11 : memref<8x2048xi32, #tpu.memory_space<vmem>>)
      tpu.yield
    }) : () -> ()
    %add3A_158 = arith.constant 0 : i32
    %add3A_159 = arith.addi %add3A_157, %add3A_158 : i32
    %broadcast_in_dim3A_160 = vector.broadcast %add3A_159 : i32 to vector<16xi32>
    %gather3A_161 = tpu.vector_load_idx %arg9[%broadcast_in_dim3A_160] : memref<2048xf32, #tpu.memory_space<vmem>>[vector<16xi32>], vector<16xf32>,
    %add3A_162 = arith.addf %gather3A_161, %sub3A_67 : vector<16xf32>
    %add3A_163 = arith.constant 1 : i32
    %add3A_164 = arith.addi %add3A_157, %add3A_163 : i32
    %broadcast_in_dim3A_165 = vector.broadcast %add3A_164 : i32 to vector<16xi32>
    %gather3A_166 = tpu.vector_load_idx %arg9[%broadcast_in_dim3A_165] : memref<2048xf32, #tpu.memory_space<vmem>>[vector<16xi32>], vector<16xf32>,
    %add3A_167 = arith.addf %gather3A_166, %sub3A_67 : vector<16xf32>
    %add3A_168 = arith.constant 2 : i32
    %add3A_169 = arith.addi %add3A_157, %add3A_168 : i32
    %broadcast_in_dim3A_170 = vector.broadcast %add3A_169 : i32 to vector<16xi32>
    %gather3A_171 = tpu.vector_load_idx %arg9[%broadcast_in_dim3A_170] : memref<2048xf32, #tpu.memory_space<vmem>>[vector<16xi32>], vector<16xf32>,
    %add3A_172 = arith.addf %gather3A_171, %sub3A_67 : vector<16xf32>
    %add3A_173 = arith.constant 3 : i32
    %add3A_174 = arith.addi %add3A_157, %add3A_173 : i32
    %broadcast_in_dim3A_175 = vector.broadcast %add3A_174 : i32 to vector<16xi32>
    %gather3A_176 = tpu.vector_load_idx %arg9[%broadcast_in_dim3A_175] : memref<2048xf32, #tpu.memory_space<vmem>>[vector<16xi32>], vector<16xf32>,
    %add3A_177 = arith.addf %gather3A_176, %sub3A_67 : vector<16xf32>
    %add3A_178 = arith.constant 4 : i32
    %add3A_179 = arith.addi %add3A_157, %add3A_178 : i32
    %broadcast_in_dim3A_180 = vector.broadcast %add3A_179 : i32 to vector<16xi32>
    %gather3A_181 = tpu.vector_load_idx %arg9[%broadcast_in_dim3A_180] : memref<2048xf32, #tpu.memory_space<vmem>>[vector<16xi32>], vector<16xf32>,
    %add3A_182 = arith.addf %gather3A_181, %sub3A_67 : vector<16xf32>
    %add3A_183 = arith.constant 5 : i32
    %add3A_184 = arith.addi %add3A_157, %add3A_183 : i32
    %broadcast_in_dim3A_185 = vector.broadcast %add3A_184 : i32 to vector<16xi32>
    %gather3A_186 = tpu.vector_load_idx %arg9[%broadcast_in_dim3A_185] : memref<2048xf32, #tpu.memory_space<vmem>>[vector<16xi32>], vector<16xf32>,
    %add3A_187 = arith.addf %gather3A_186, %sub3A_67 : vector<16xf32>
    %add3A_188 = arith.constant 6 : i32
    %add3A_189 = arith.addi %add3A_157, %add3A_188 : i32
    %broadcast_in_dim3A_190 = vector.broadcast %add3A_189 : i32 to vector<16xi32>
    %gather3A_191 = tpu.vector_load_idx %arg9[%broadcast_in_dim3A_190] : memref<2048xf32, #tpu.memory_space<vmem>>[vector<16xi32>], vector<16xf32>,
    %add3A_192 = arith.addf %gather3A_191, %sub3A_67 : vector<16xf32>
    %add3A_193 = arith.constant 7 : i32
    %add3A_194 = arith.addi %add3A_157, %add3A_193 : i32
    %broadcast_in_dim3A_195 = vector.broadcast %add3A_194 : i32 to vector<16xi32>
    %gather3A_196 = tpu.vector_load_idx %arg9[%broadcast_in_dim3A_195] : memref<2048xf32, #tpu.memory_space<vmem>>[vector<16xi32>], vector<16xf32>,
    %add3A_197 = arith.addf %gather3A_196, %sub3A_67 : vector<16xf32>
    %scan3A_198 = arith.constant 0 : i32
    %scan3A_199 = arith.constant 128 : i32
    %scan3A_200 = arith.addi %scan3A_198, %scan3A_199 : i32
    %scan3A_201 = arith.constant 2 : i32
    %scan3A_202:16 = scf.for %scan3A_225 = %scan3A_198 to %scan3A_200 step %scan3A_201 iter_args(%scan3A_226 = %broadcast_in_dim3A_80, %scan3A_227 = %broadcast_in_dim3A_80, %scan3A_228 = %broadcast_in_dim3A_80, %scan3A_229 = %broadcast_in_dim3A_80, %scan3A_230 = %broadcast_in_dim3A_80, %scan3A_231 = %broadcast_in_dim3A_80, %scan3A_232 = %broadcast_in_dim3A_80, %scan3A_233 = %broadcast_in_dim3A_80, %scan3A_234 = %broadcast_in_dim3A_80, %scan3A_235 = %broadcast_in_dim3A_80, %scan3A_236 = %broadcast_in_dim3A_80, %scan3A_237 = %broadcast_in_dim3A_80, %scan3A_238 = %broadcast_in_dim3A_80, %scan3A_239 = %broadcast_in_dim3A_80, %scan3A_240 = %broadcast_in_dim3A_80, %scan3A_241 = %broadcast_in_dim3A_80) -> (vector<16xf32>, vector<16xf32>, vector<16xf32>, vector<16xf32>, vector<16xf32>, vector<16xf32>, vector<16xf32>, vector<16xf32>, vector<16xf32>, vector<16xf32>, vector<16xf32>, vector<16xf32>, vector<16xf32>, vector<16xf32>, vector<16xf32>, vector<16xf32>)  : i32 {
      %mul3A_242 = arith.constant 16 : i32
      %mul3A_243 = arith.muli %scan3A_225, %mul3A_242 : i32
      %get3A = arith.index_cast %mul3A_243 : i32 to index
      %get3A_244 = tpu.vector_load %arg9[%get3A] {strides = array<i32>} : memref<2048xf32, #tpu.memory_space<vmem>>, vector<16xf32>,
      %get3A_245 = arith.constant 0 : i32
      %get3A_246 = arith.index_cast %get3A_245 : i32 to index
      %get3A_247 = arith.index_cast %mul3A_243 : i32 to index
      %get3A_248 = tpu.vector_load %arg11[%get3A_246, %get3A_247] {strides = array<i32>} : memref<8x2048xi32, #tpu.memory_space<vmem>>, vector<16xi32>,
      %sub3A_249 = arith.subf %add3A_162, %get3A_244 : vector<16xf32>
      %ne3A = arith.constant 0 : i32
      %ne3A_250 = vector.broadcast %ne3A : i32 to vector<16xi32>
      %ne3A_251 = arith.cmpi ne, %get3A_248, %ne3A_250 : vector<16xi32>
      %neg3A = arith.constant 0.000000e+00 : f32
      %neg3A_252 = vector.broadcast %neg3A : f32 to vector<16xf32>
      %neg3A_253 = arith.subf %neg3A_252, %sub3A_249 : vector<16xf32>
      %select_n3A = arith.select %ne3A_251, %neg3A_253, %sub3A_249 : vector<16xi1>, vector<16xf32>
      %abs3A = math.absf %sub3A_249 : vector<16xf32>
      %neg3A_254 = arith.constant 0.000000e+00 : f32
      %neg3A_255 = vector.broadcast %neg3A_254 : f32 to vector<16xf32>
      %neg3A_256 = arith.subf %neg3A_255, %abs3A : vector<16xf32>
      %exp3A = math.exp %neg3A_256 : vector<16xf32>
      %max3A = arith.constant 0.000000e+00 : f32
      %max3A_257 = vector.broadcast %max3A : f32 to vector<16xf32>
      %max3A_258 = arith.maximumf %select_n3A, %max3A_257 : vector<16xf32>
      %mul3A_259 = arith.constant -0.054862313 : f32
      %mul3A_260 = vector.broadcast %mul3A_259 : f32 to vector<16xf32>
      %mul3A_261 = arith.mulf %mul3A_260, %exp3A : vector<16xf32>
      %add3A_262 = arith.constant 0.216408581 : f32
      %add3A_263 = vector.broadcast %add3A_262 : f32 to vector<16xf32>
      %add3A_264 = arith.addf %mul3A_261, %add3A_263 : vector<16xf32>
      %mul3A_265 = arith.mulf %add3A_264, %exp3A : vector<16xf32>
      %add3A_266 = arith.constant -0.464070708 : f32
      %add3A_267 = vector.broadcast %add3A_266 : f32 to vector<16xf32>
      %add3A_268 = arith.addf %mul3A_265, %add3A_267 : vector<16xf32>
      %mul3A_269 = arith.mulf %add3A_268, %exp3A : vector<16xf32>
      %add3A_270 = arith.constant 0.995426654 : f32
      %add3A_271 = vector.broadcast %add3A_270 : f32 to vector<16xf32>
      %add3A_272 = arith.addf %mul3A_269, %add3A_271 : vector<16xf32>
      %mul3A_273 = arith.mulf %add3A_272, %exp3A : vector<16xf32>
      %add3A_274 = arith.constant 1.41580182E-4 : f32
      %add3A_275 = vector.broadcast %add3A_274 : f32 to vector<16xf32>
      %add3A_276 = arith.addf %mul3A_273, %add3A_275 : vector<16xf32>
      %add3A_277 = arith.addf %max3A_258, %add3A_276 : vector<16xf32>
      %jit3A = arith.constant 1.000000e+00 : f32
      %jit3A_278 = arith.constant 2.000000e-01 : f32
      %broadcast_in_dim3A_279 = vector.broadcast %jit3A : f32 to vector<16xf32>
      %broadcast_in_dim3A_280 = vector.broadcast %jit3A_278 : f32 to vector<16xf32>
      %select_n3A_281 = arith.select %ne3A_251, %broadcast_in_dim3A_279, %broadcast_in_dim3A_280 : vector<16xi1>, vector<16xf32>
      %mul3A_282 = arith.mulf %select_n3A_281, %add3A_277 : vector<16xf32>
      %add3A_283 = arith.addf %scan3A_226, %mul3A_282 : vector<16xf32>
      %add3A_284 = arith.addf %scan3A_227, %select_n3A_281 : vector<16xf32>
      %get3A_285 = arith.constant 1 : i32
      %get3A_286 = arith.index_cast %get3A_285 : i32 to index
      %get3A_287 = arith.index_cast %mul3A_243 : i32 to index
      %get3A_288 = tpu.vector_load %arg11[%get3A_286, %get3A_287] {strides = array<i32>} : memref<8x2048xi32, #tpu.memory_space<vmem>>, vector<16xi32>,
      %sub3A_289 = arith.subf %add3A_167, %get3A_244 : vector<16xf32>
      %ne3A_290 = arith.constant 0 : i32
      %ne3A_291 = vector.broadcast %ne3A_290 : i32 to vector<16xi32>
      %ne3A_292 = arith.cmpi ne, %get3A_288, %ne3A_291 : vector<16xi32>
      %neg3A_293 = arith.constant 0.000000e+00 : f32
      %neg3A_294 = vector.broadcast %neg3A_293 : f32 to vector<16xf32>
      %neg3A_295 = arith.subf %neg3A_294, %sub3A_289 : vector<16xf32>
      %select_n3A_296 = arith.select %ne3A_292, %neg3A_295, %sub3A_289 : vector<16xi1>, vector<16xf32>
      %abs3A_297 = math.absf %sub3A_289 : vector<16xf32>
      %neg3A_298 = arith.constant 0.000000e+00 : f32
      %neg3A_299 = vector.broadcast %neg3A_298 : f32 to vector<16xf32>
      %neg3A_300 = arith.subf %neg3A_299, %abs3A_297 : vector<16xf32>
      %exp3A_301 = math.exp %neg3A_300 : vector<16xf32>
      %max3A_302 = arith.constant 0.000000e+00 : f32
      %max3A_303 = vector.broadcast %max3A_302 : f32 to vector<16xf32>
      %max3A_304 = arith.maximumf %select_n3A_296, %max3A_303 : vector<16xf32>
      %mul3A_305 = arith.constant -0.054862313 : f32
      %mul3A_306 = vector.broadcast %mul3A_305 : f32 to vector<16xf32>
      %mul3A_307 = arith.mulf %mul3A_306, %exp3A_301 : vector<16xf32>
      %add3A_308 = arith.constant 0.216408581 : f32
      %add3A_309 = vector.broadcast %add3A_308 : f32 to vector<16xf32>
      %add3A_310 = arith.addf %mul3A_307, %add3A_309 : vector<16xf32>
      %mul3A_311 = arith.mulf %add3A_310, %exp3A_301 : vector<16xf32>
      %add3A_312 = arith.constant -0.464070708 : f32
      %add3A_313 = vector.broadcast %add3A_312 : f32 to vector<16xf32>
      %add3A_314 = arith.addf %mul3A_311, %add3A_313 : vector<16xf32>
      %mul3A_315 = arith.mulf %add3A_314, %exp3A_301 : vector<16xf32>
      %add3A_316 = arith.constant 0.995426654 : f32
      %add3A_317 = vector.broadcast %add3A_316 : f32 to vector<16xf32>
      %add3A_318 = arith.addf %mul3A_315, %add3A_317 : vector<16xf32>
      %mul3A_319 = arith.mulf %add3A_318, %exp3A_301 : vector<16xf32>
      %add3A_320 = arith.constant 1.41580182E-4 : f32
      %add3A_321 = vector.broadcast %add3A_320 : f32 to vector<16xf32>
      %add3A_322 = arith.addf %mul3A_319, %add3A_321 : vector<16xf32>
      %add3A_323 = arith.addf %max3A_304, %add3A_322 : vector<16xf32>
      %jit3A_324 = arith.constant 1.000000e+00 : f32
      %jit3A_325 = arith.constant 2.000000e-01 : f32
      %broadcast_in_dim3A_326 = vector.broadcast %jit3A_324 : f32 to vector<16xf32>
      %broadcast_in_dim3A_327 = vector.broadcast %jit3A_325 : f32 to vector<16xf32>
      %select_n3A_328 = arith.select %ne3A_292, %broadcast_in_dim3A_326, %broadcast_in_dim3A_327 : vector<16xi1>, vector<16xf32>
      %mul3A_329 = arith.mulf %select_n3A_328, %add3A_323 : vector<16xf32>
      %add3A_330 = arith.addf %scan3A_228, %mul3A_329 : vector<16xf32>
      %add3A_331 = arith.addf %scan3A_229, %select_n3A_328 : vector<16xf32>
      %get3A_332 = arith.constant 2 : i32
      %get3A_333 = arith.index_cast %get3A_332 : i32 to index
      %get3A_334 = arith.index_cast %mul3A_243 : i32 to index
      %get3A_335 = tpu.vector_load %arg11[%get3A_333, %get3A_334] {strides = array<i32>} : memref<8x2048xi32, #tpu.memory_space<vmem>>, vector<16xi32>,
      %sub3A_336 = arith.subf %add3A_172, %get3A_244 : vector<16xf32>
      %ne3A_337 = arith.constant 0 : i32
      %ne3A_338 = vector.broadcast %ne3A_337 : i32 to vector<16xi32>
      %ne3A_339 = arith.cmpi ne, %get3A_335, %ne3A_338 : vector<16xi32>
      %neg3A_340 = arith.constant 0.000000e+00 : f32
      %neg3A_341 = vector.broadcast %neg3A_340 : f32 to vector<16xf32>
      %neg3A_342 = arith.subf %neg3A_341, %sub3A_336 : vector<16xf32>
      %select_n3A_343 = arith.select %ne3A_339, %neg3A_342, %sub3A_336 : vector<16xi1>, vector<16xf32>
      %abs3A_344 = math.absf %sub3A_336 : vector<16xf32>
      %neg3A_345 = arith.constant 0.000000e+00 : f32
      %neg3A_346 = vector.broadcast %neg3A_345 : f32 to vector<16xf32>
      %neg3A_347 = arith.subf %neg3A_346, %abs3A_344 : vector<16xf32>
      %exp3A_348 = math.exp %neg3A_347 : vector<16xf32>
      %max3A_349 = arith.constant 0.000000e+00 : f32
      %max3A_350 = vector.broadcast %max3A_349 : f32 to vector<16xf32>
      %max3A_351 = arith.maximumf %select_n3A_343, %max3A_350 : vector<16xf32>
      %mul3A_352 = arith.constant -0.054862313 : f32
      %mul3A_353 = vector.broadcast %mul3A_352 : f32 to vector<16xf32>
      %mul3A_354 = arith.mulf %mul3A_353, %exp3A_348 : vector<16xf32>
      %add3A_355 = arith.constant 0.216408581 : f32
      %add3A_356 = vector.broadcast %add3A_355 : f32 to vector<16xf32>
      %add3A_357 = arith.addf %mul3A_354, %add3A_356 : vector<16xf32>
      %mul3A_358 = arith.mulf %add3A_357, %exp3A_348 : vector<16xf32>
      %add3A_359 = arith.constant -0.464070708 : f32
      %add3A_360 = vector.broadcast %add3A_359 : f32 to vector<16xf32>
      %add3A_361 = arith.addf %mul3A_358, %add3A_360 : vector<16xf32>
      %mul3A_362 = arith.mulf %add3A_361, %exp3A_348 : vector<16xf32>
      %add3A_363 = arith.constant 0.995426654 : f32
      %add3A_364 = vector.broadcast %add3A_363 : f32 to vector<16xf32>
      %add3A_365 = arith.addf %mul3A_362, %add3A_364 : vector<16xf32>
      %mul3A_366 = arith.mulf %add3A_365, %exp3A_348 : vector<16xf32>
      %add3A_367 = arith.constant 1.41580182E-4 : f32
      %add3A_368 = vector.broadcast %add3A_367 : f32 to vector<16xf32>
      %add3A_369 = arith.addf %mul3A_366, %add3A_368 : vector<16xf32>
      %add3A_370 = arith.addf %max3A_351, %add3A_369 : vector<16xf32>
      %jit3A_371 = arith.constant 1.000000e+00 : f32
      %jit3A_372 = arith.constant 2.000000e-01 : f32
      %broadcast_in_dim3A_373 = vector.broadcast %jit3A_371 : f32 to vector<16xf32>
      %broadcast_in_dim3A_374 = vector.broadcast %jit3A_372 : f32 to vector<16xf32>
      %select_n3A_375 = arith.select %ne3A_339, %broadcast_in_dim3A_373, %broadcast_in_dim3A_374 : vector<16xi1>, vector<16xf32>
      %mul3A_376 = arith.mulf %select_n3A_375, %add3A_370 : vector<16xf32>
      %add3A_377 = arith.addf %scan3A_230, %mul3A_376 : vector<16xf32>
      %add3A_378 = arith.addf %scan3A_231, %select_n3A_375 : vector<16xf32>
      %get3A_379 = arith.constant 3 : i32
      %get3A_380 = arith.index_cast %get3A_379 : i32 to index
      %get3A_381 = arith.index_cast %mul3A_243 : i32 to index
      %get3A_382 = tpu.vector_load %arg11[%get3A_380, %get3A_381] {strides = array<i32>} : memref<8x2048xi32, #tpu.memory_space<vmem>>, vector<16xi32>,
      %sub3A_383 = arith.subf %add3A_177, %get3A_244 : vector<16xf32>
      %ne3A_384 = arith.constant 0 : i32
      %ne3A_385 = vector.broadcast %ne3A_384 : i32 to vector<16xi32>
      %ne3A_386 = arith.cmpi ne, %get3A_382, %ne3A_385 : vector<16xi32>
      %neg3A_387 = arith.constant 0.000000e+00 : f32
      %neg3A_388 = vector.broadcast %neg3A_387 : f32 to vector<16xf32>
      %neg3A_389 = arith.subf %neg3A_388, %sub3A_383 : vector<16xf32>
      %select_n3A_390 = arith.select %ne3A_386, %neg3A_389, %sub3A_383 : vector<16xi1>, vector<16xf32>
      %abs3A_391 = math.absf %sub3A_383 : vector<16xf32>
      %neg3A_392 = arith.constant 0.000000e+00 : f32
      %neg3A_393 = vector.broadcast %neg3A_392 : f32 to vector<16xf32>
      %neg3A_394 = arith.subf %neg3A_393, %abs3A_391 : vector<16xf32>
      %exp3A_395 = math.exp %neg3A_394 : vector<16xf32>
      %max3A_396 = arith.constant 0.000000e+00 : f32
      %max3A_397 = vector.broadcast %max3A_396 : f32 to vector<16xf32>
      %max3A_398 = arith.maximumf %select_n3A_390, %max3A_397 : vector<16xf32>
      %mul3A_399 = arith.constant -0.054862313 : f32
      %mul3A_400 = vector.broadcast %mul3A_399 : f32 to vector<16xf32>
      %mul3A_401 = arith.mulf %mul3A_400, %exp3A_395 : vector<16xf32>
      %add3A_402 = arith.constant 0.216408581 : f32
      %add3A_403 = vector.broadcast %add3A_402 : f32 to vector<16xf32>
      %add3A_404 = arith.addf %mul3A_401, %add3A_403 : vector<16xf32>
      %mul3A_405 = arith.mulf %add3A_404, %exp3A_395 : vector<16xf32>
      %add3A_406 = arith.constant -0.464070708 : f32
      %add3A_407 = vector.broadcast %add3A_406 : f32 to vector<16xf32>
      %add3A_408 = arith.addf %mul3A_405, %add3A_407 : vector<16xf32>
      %mul3A_409 = arith.mulf %add3A_408, %exp3A_395 : vector<16xf32>
      %add3A_410 = arith.constant 0.995426654 : f32
      %add3A_411 = vector.broadcast %add3A_410 : f32 to vector<16xf32>
      %add3A_412 = arith.addf %mul3A_409, %add3A_411 : vector<16xf32>
      %mul3A_413 = arith.mulf %add3A_412, %exp3A_395 : vector<16xf32>
      %add3A_414 = arith.constant 1.41580182E-4 : f32
      %add3A_415 = vector.broadcast %add3A_414 : f32 to vector<16xf32>
      %add3A_416 = arith.addf %mul3A_413, %add3A_415 : vector<16xf32>
      %add3A_417 = arith.addf %max3A_398, %add3A_416 : vector<16xf32>
      %jit3A_418 = arith.constant 1.000000e+00 : f32
      %jit3A_419 = arith.constant 2.000000e-01 : f32
      %broadcast_in_dim3A_420 = vector.broadcast %jit3A_418 : f32 to vector<16xf32>
      %broadcast_in_dim3A_421 = vector.broadcast %jit3A_419 : f32 to vector<16xf32>
      %select_n3A_422 = arith.select %ne3A_386, %broadcast_in_dim3A_420, %broadcast_in_dim3A_421 : vector<16xi1>, vector<16xf32>
      %mul3A_423 = arith.mulf %select_n3A_422, %add3A_417 : vector<16xf32>
      %add3A_424 = arith.addf %scan3A_232, %mul3A_423 : vector<16xf32>
      %add3A_425 = arith.addf %scan3A_233, %select_n3A_422 : vector<16xf32>
      %get3A_426 = arith.constant 4 : i32
      %get3A_427 = arith.index_cast %get3A_426 : i32 to index
      %get3A_428 = arith.index_cast %mul3A_243 : i32 to index
      %get3A_429 = tpu.vector_load %arg11[%get3A_427, %get3A_428] {strides = array<i32>} : memref<8x2048xi32, #tpu.memory_space<vmem>>, vector<16xi32>,
      %sub3A_430 = arith.subf %add3A_182, %get3A_244 : vector<16xf32>
      %ne3A_431 = arith.constant 0 : i32
      %ne3A_432 = vector.broadcast %ne3A_431 : i32 to vector<16xi32>
      %ne3A_433 = arith.cmpi ne, %get3A_429, %ne3A_432 : vector<16xi32>
      %neg3A_434 = arith.constant 0.000000e+00 : f32
      %neg3A_435 = vector.broadcast %neg3A_434 : f32 to vector<16xf32>
      %neg3A_436 = arith.subf %neg3A_435, %sub3A_430 : vector<16xf32>
      %select_n3A_437 = arith.select %ne3A_433, %neg3A_436, %sub3A_430 : vector<16xi1>, vector<16xf32>
      %abs3A_438 = math.absf %sub3A_430 : vector<16xf32>
      %neg3A_439 = arith.constant 0.000000e+00 : f32
      %neg3A_440 = vector.broadcast %neg3A_439 : f32 to vector<16xf32>
      %neg3A_441 = arith.subf %neg3A_440, %abs3A_438 : vector<16xf32>
      %exp3A_442 = math.exp %neg3A_441 : vector<16xf32>
      %max3A_443 = arith.constant 0.000000e+00 : f32
      %max3A_444 = vector.broadcast %max3A_443 : f32 to vector<16xf32>
      %max3A_445 = arith.maximumf %select_n3A_437, %max3A_444 : vector<16xf32>
      %mul3A_446 = arith.constant -0.054862313 : f32
      %mul3A_447 = vector.broadcast %mul3A_446 : f32 to vector<16xf32>
      %mul3A_448 = arith.mulf %mul3A_447, %exp3A_442 : vector<16xf32>
      %add3A_449 = arith.constant 0.216408581 : f32
      %add3A_450 = vector.broadcast %add3A_449 : f32 to vector<16xf32>
      %add3A_451 = arith.addf %mul3A_448, %add3A_450 : vector<16xf32>
      %mul3A_452 = arith.mulf %add3A_451, %exp3A_442 : vector<16xf32>
      %add3A_453 = arith.constant -0.464070708 : f32
      %add3A_454 = vector.broadcast %add3A_453 : f32 to vector<16xf32>
      %add3A_455 = arith.addf %mul3A_452, %add3A_454 : vector<16xf32>
      %mul3A_456 = arith.mulf %add3A_455, %exp3A_442 : vector<16xf32>
      %add3A_457 = arith.constant 0.995426654 : f32
      %add3A_458 = vector.broadcast %add3A_457 : f32 to vector<16xf32>
      %add3A_459 = arith.addf %mul3A_456, %add3A_458 : vector<16xf32>
      %mul3A_460 = arith.mulf %add3A_459, %exp3A_442 : vector<16xf32>
      %add3A_461 = arith.constant 1.41580182E-4 : f32
      %add3A_462 = vector.broadcast %add3A_461 : f32 to vector<16xf32>
      %add3A_463 = arith.addf %mul3A_460, %add3A_462 : vector<16xf32>
      %add3A_464 = arith.addf %max3A_445, %add3A_463 : vector<16xf32>
      %jit3A_465 = arith.constant 1.000000e+00 : f32
      %jit3A_466 = arith.constant 2.000000e-01 : f32
      %broadcast_in_dim3A_467 = vector.broadcast %jit3A_465 : f32 to vector<16xf32>
      %broadcast_in_dim3A_468 = vector.broadcast %jit3A_466 : f32 to vector<16xf32>
      %select_n3A_469 = arith.select %ne3A_433, %broadcast_in_dim3A_467, %broadcast_in_dim3A_468 : vector<16xi1>, vector<16xf32>
      %mul3A_470 = arith.mulf %select_n3A_469, %add3A_464 : vector<16xf32>
      %add3A_471 = arith.addf %scan3A_234, %mul3A_470 : vector<16xf32>
      %add3A_472 = arith.addf %scan3A_235, %select_n3A_469 : vector<16xf32>
      %get3A_473 = arith.constant 5 : i32
      %get3A_474 = arith.index_cast %get3A_473 : i32 to index
      %get3A_475 = arith.index_cast %mul3A_243 : i32 to index
      %get3A_476 = tpu.vector_load %arg11[%get3A_474, %get3A_475] {strides = array<i32>} : memref<8x2048xi32, #tpu.memory_space<vmem>>, vector<16xi32>,
      %sub3A_477 = arith.subf %add3A_187, %get3A_244 : vector<16xf32>
      %ne3A_478 = arith.constant 0 : i32
      %ne3A_479 = vector.broadcast %ne3A_478 : i32 to vector<16xi32>
      %ne3A_480 = arith.cmpi ne, %get3A_476, %ne3A_479 : vector<16xi32>
      %neg3A_481 = arith.constant 0.000000e+00 : f32
      %neg3A_482 = vector.broadcast %neg3A_481 : f32 to vector<16xf32>
      %neg3A_483 = arith.subf %neg3A_482, %sub3A_477 : vector<16xf32>
      %select_n3A_484 = arith.select %ne3A_480, %neg3A_483, %sub3A_477 : vector<16xi1>, vector<16xf32>
      %abs3A_485 = math.absf %sub3A_477 : vector<16xf32>
      %neg3A_486 = arith.constant 0.000000e+00 : f32
      %neg3A_487 = vector.broadcast %neg3A_486 : f32 to vector<16xf32>
      %neg3A_488 = arith.subf %neg3A_487, %abs3A_485 : vector<16xf32>
      %exp3A_489 = math.exp %neg3A_488 : vector<16xf32>
      %max3A_490 = arith.constant 0.000000e+00 : f32
      %max3A_491 = vector.broadcast %max3A_490 : f32 to vector<16xf32>
      %max3A_492 = arith.maximumf %select_n3A_484, %max3A_491 : vector<16xf32>
      %mul3A_493 = arith.constant -0.054862313 : f32
      %mul3A_494 = vector.broadcast %mul3A_493 : f32 to vector<16xf32>
      %mul3A_495 = arith.mulf %mul3A_494, %exp3A_489 : vector<16xf32>
      %add3A_496 = arith.constant 0.216408581 : f32
      %add3A_497 = vector.broadcast %add3A_496 : f32 to vector<16xf32>
      %add3A_498 = arith.addf %mul3A_495, %add3A_497 : vector<16xf32>
      %mul3A_499 = arith.mulf %add3A_498, %exp3A_489 : vector<16xf32>
      %add3A_500 = arith.constant -0.464070708 : f32
      %add3A_501 = vector.broadcast %add3A_500 : f32 to vector<16xf32>
      %add3A_502 = arith.addf %mul3A_499, %add3A_501 : vector<16xf32>
      %mul3A_503 = arith.mulf %add3A_502, %exp3A_489 : vector<16xf32>
      %add3A_504 = arith.constant 0.995426654 : f32
      %add3A_505 = vector.broadcast %add3A_504 : f32 to vector<16xf32>
      %add3A_506 = arith.addf %mul3A_503, %add3A_505 : vector<16xf32>
      %mul3A_507 = arith.mulf %add3A_506, %exp3A_489 : vector<16xf32>
      %add3A_508 = arith.constant 1.41580182E-4 : f32
      %add3A_509 = vector.broadcast %add3A_508 : f32 to vector<16xf32>
      %add3A_510 = arith.addf %mul3A_507, %add3A_509 : vector<16xf32>
      %add3A_511 = arith.addf %max3A_492, %add3A_510 : vector<16xf32>
      %jit3A_512 = arith.constant 1.000000e+00 : f32
      %jit3A_513 = arith.constant 2.000000e-01 : f32
      %broadcast_in_dim3A_514 = vector.broadcast %jit3A_512 : f32 to vector<16xf32>
      %broadcast_in_dim3A_515 = vector.broadcast %jit3A_513 : f32 to vector<16xf32>
      %select_n3A_516 = arith.select %ne3A_480, %broadcast_in_dim3A_514, %broadcast_in_dim3A_515 : vector<16xi1>, vector<16xf32>
      %mul3A_517 = arith.mulf %select_n3A_516, %add3A_511 : vector<16xf32>
      %add3A_518 = arith.addf %scan3A_236, %mul3A_517 : vector<16xf32>
      %add3A_519 = arith.addf %scan3A_237, %select_n3A_516 : vector<16xf32>
      %get3A_520 = arith.constant 6 : i32
      %get3A_521 = arith.index_cast %get3A_520 : i32 to index
      %get3A_522 = arith.index_cast %mul3A_243 : i32 to index
      %get3A_523 = tpu.vector_load %arg11[%get3A_521, %get3A_522] {strides = array<i32>} : memref<8x2048xi32, #tpu.memory_space<vmem>>, vector<16xi32>,
      %sub3A_524 = arith.subf %add3A_192, %get3A_244 : vector<16xf32>
      %ne3A_525 = arith.constant 0 : i32
      %ne3A_526 = vector.broadcast %ne3A_525 : i32 to vector<16xi32>
      %ne3A_527 = arith.cmpi ne, %get3A_523, %ne3A_526 : vector<16xi32>
      %neg3A_528 = arith.constant 0.000000e+00 : f32
      %neg3A_529 = vector.broadcast %neg3A_528 : f32 to vector<16xf32>
      %neg3A_530 = arith.subf %neg3A_529, %sub3A_524 : vector<16xf32>
      %select_n3A_531 = arith.select %ne3A_527, %neg3A_530, %sub3A_524 : vector<16xi1>, vector<16xf32>
      %abs3A_532 = math.absf %sub3A_524 : vector<16xf32>
      %neg3A_533 = arith.constant 0.000000e+00 : f32
      %neg3A_534 = vector.broadcast %neg3A_533 : f32 to vector<16xf32>
      %neg3A_535 = arith.subf %neg3A_534, %abs3A_532 : vector<16xf32>
      %exp3A_536 = math.exp %neg3A_535 : vector<16xf32>
      %max3A_537 = arith.constant 0.000000e+00 : f32
      %max3A_538 = vector.broadcast %max3A_537 : f32 to vector<16xf32>
      %max3A_539 = arith.maximumf %select_n3A_531, %max3A_538 : vector<16xf32>
      %mul3A_540 = arith.constant -0.054862313 : f32
      %mul3A_541 = vector.broadcast %mul3A_540 : f32 to vector<16xf32>
      %mul3A_542 = arith.mulf %mul3A_541, %exp3A_536 : vector<16xf32>
      %add3A_543 = arith.constant 0.216408581 : f32
      %add3A_544 = vector.broadcast %add3A_543 : f32 to vector<16xf32>
      %add3A_545 = arith.addf %mul3A_542, %add3A_544 : vector<16xf32>
      %mul3A_546 = arith.mulf %add3A_545, %exp3A_536 : vector<16xf32>
      %add3A_547 = arith.constant -0.464070708 : f32
      %add3A_548 = vector.broadcast %add3A_547 : f32 to vector<16xf32>
      %add3A_549 = arith.addf %mul3A_546, %add3A_548 : vector<16xf32>
      %mul3A_550 = arith.mulf %add3A_549, %exp3A_536 : vector<16xf32>
      %add3A_551 = arith.constant 0.995426654 : f32
      %add3A_552 = vector.broadcast %add3A_551 : f32 to vector<16xf32>
      %add3A_553 = arith.addf %mul3A_550, %add3A_552 : vector<16xf32>
      %mul3A_554 = arith.mulf %add3A_553, %exp3A_536 : vector<16xf32>
      %add3A_555 = arith.constant 1.41580182E-4 : f32
      %add3A_556 = vector.broadcast %add3A_555 : f32 to vector<16xf32>
      %add3A_557 = arith.addf %mul3A_554, %add3A_556 : vector<16xf32>
      %add3A_558 = arith.addf %max3A_539, %add3A_557 : vector<16xf32>
      %jit3A_559 = arith.constant 1.000000e+00 : f32
      %jit3A_560 = arith.constant 2.000000e-01 : f32
      %broadcast_in_dim3A_561 = vector.broadcast %jit3A_559 : f32 to vector<16xf32>
      %broadcast_in_dim3A_562 = vector.broadcast %jit3A_560 : f32 to vector<16xf32>
      %select_n3A_563 = arith.select %ne3A_527, %broadcast_in_dim3A_561, %broadcast_in_dim3A_562 : vector<16xi1>, vector<16xf32>
      %mul3A_564 = arith.mulf %select_n3A_563, %add3A_558 : vector<16xf32>
      %add3A_565 = arith.addf %scan3A_238, %mul3A_564 : vector<16xf32>
      %add3A_566 = arith.addf %scan3A_239, %select_n3A_563 : vector<16xf32>
      %get3A_567 = arith.constant 7 : i32
      %get3A_568 = arith.index_cast %get3A_567 : i32 to index
      %get3A_569 = arith.index_cast %mul3A_243 : i32 to index
      %get3A_570 = tpu.vector_load %arg11[%get3A_568, %get3A_569] {strides = array<i32>} : memref<8x2048xi32, #tpu.memory_space<vmem>>, vector<16xi32>,
      %sub3A_571 = arith.subf %add3A_197, %get3A_244 : vector<16xf32>
      %ne3A_572 = arith.constant 0 : i32
      %ne3A_573 = vector.broadcast %ne3A_572 : i32 to vector<16xi32>
      %ne3A_574 = arith.cmpi ne, %get3A_570, %ne3A_573 : vector<16xi32>
      %neg3A_575 = arith.constant 0.000000e+00 : f32
      %neg3A_576 = vector.broadcast %neg3A_575 : f32 to vector<16xf32>
      %neg3A_577 = arith.subf %neg3A_576, %sub3A_571 : vector<16xf32>
      %select_n3A_578 = arith.select %ne3A_574, %neg3A_577, %sub3A_571 : vector<16xi1>, vector<16xf32>
      %abs3A_579 = math.absf %sub3A_571 : vector<16xf32>
      %neg3A_580 = arith.constant 0.000000e+00 : f32
      %neg3A_581 = vector.broadcast %neg3A_580 : f32 to vector<16xf32>
      %neg3A_582 = arith.subf %neg3A_581, %abs3A_579 : vector<16xf32>
      %exp3A_583 = math.exp %neg3A_582 : vector<16xf32>
      %max3A_584 = arith.constant 0.000000e+00 : f32
      %max3A_585 = vector.broadcast %max3A_584 : f32 to vector<16xf32>
      %max3A_586 = arith.maximumf %select_n3A_578, %max3A_585 : vector<16xf32>
      %mul3A_587 = arith.constant -0.054862313 : f32
      %mul3A_588 = vector.broadcast %mul3A_587 : f32 to vector<16xf32>
      %mul3A_589 = arith.mulf %mul3A_588, %exp3A_583 : vector<16xf32>
      %add3A_590 = arith.constant 0.216408581 : f32
      %add3A_591 = vector.broadcast %add3A_590 : f32 to vector<16xf32>
      %add3A_592 = arith.addf %mul3A_589, %add3A_591 : vector<16xf32>
      %mul3A_593 = arith.mulf %add3A_592, %exp3A_583 : vector<16xf32>
      %add3A_594 = arith.constant -0.464070708 : f32
      %add3A_595 = vector.broadcast %add3A_594 : f32 to vector<16xf32>
      %add3A_596 = arith.addf %mul3A_593, %add3A_595 : vector<16xf32>
      %mul3A_597 = arith.mulf %add3A_596, %exp3A_583 : vector<16xf32>
      %add3A_598 = arith.constant 0.995426654 : f32
      %add3A_599 = vector.broadcast %add3A_598 : f32 to vector<16xf32>
      %add3A_600 = arith.addf %mul3A_597, %add3A_599 : vector<16xf32>
      %mul3A_601 = arith.mulf %add3A_600, %exp3A_583 : vector<16xf32>
      %add3A_602 = arith.constant 1.41580182E-4 : f32
      %add3A_603 = vector.broadcast %add3A_602 : f32 to vector<16xf32>
      %add3A_604 = arith.addf %mul3A_601, %add3A_603 : vector<16xf32>
      %add3A_605 = arith.addf %max3A_586, %add3A_604 : vector<16xf32>
      %jit3A_606 = arith.constant 1.000000e+00 : f32
      %jit3A_607 = arith.constant 2.000000e-01 : f32
      %broadcast_in_dim3A_608 = vector.broadcast %jit3A_606 : f32 to vector<16xf32>
      %broadcast_in_dim3A_609 = vector.broadcast %jit3A_607 : f32 to vector<16xf32>
      %select_n3A_610 = arith.select %ne3A_574, %broadcast_in_dim3A_608, %broadcast_in_dim3A_609 : vector<16xi1>, vector<16xf32>
      %mul3A_611 = arith.mulf %select_n3A_610, %add3A_605 : vector<16xf32>
      %add3A_612 = arith.addf %scan3A_240, %mul3A_611 : vector<16xf32>
      %add3A_613 = arith.addf %scan3A_241, %select_n3A_610 : vector<16xf32>
      %scan3A_614 = arith.constant 1 : i32
      %scan3A_615 = arith.addi %scan3A_225, %scan3A_614 : i32
      %mul3A_616 = arith.constant 16 : i32
      %mul3A_617 = arith.muli %scan3A_615, %mul3A_616 : i32
      %get3A_618 = arith.index_cast %mul3A_617 : i32 to index
      %get3A_619 = tpu.vector_load %arg9[%get3A_618] {strides = array<i32>} : memref<2048xf32, #tpu.memory_space<vmem>>, vector<16xf32>,
      %get3A_620 = arith.constant 0 : i32
      %get3A_621 = arith.index_cast %get3A_620 : i32 to index
      %get3A_622 = arith.index_cast %mul3A_617 : i32 to index
      %get3A_623 = tpu.vector_load %arg11[%get3A_621, %get3A_622] {strides = array<i32>} : memref<8x2048xi32, #tpu.memory_space<vmem>>, vector<16xi32>,
      %sub3A_624 = arith.subf %add3A_162, %get3A_619 : vector<16xf32>
      %ne3A_625 = arith.constant 0 : i32
      %ne3A_626 = vector.broadcast %ne3A_625 : i32 to vector<16xi32>
      %ne3A_627 = arith.cmpi ne, %get3A_623, %ne3A_626 : vector<16xi32>
      %neg3A_628 = arith.constant 0.000000e+00 : f32
      %neg3A_629 = vector.broadcast %neg3A_628 : f32 to vector<16xf32>
      %neg3A_630 = arith.subf %neg3A_629, %sub3A_624 : vector<16xf32>
      %select_n3A_631 = arith.select %ne3A_627, %neg3A_630, %sub3A_624 : vector<16xi1>, vector<16xf32>
      %abs3A_632 = math.absf %sub3A_624 : vector<16xf32>
      %neg3A_633 = arith.constant 0.000000e+00 : f32
      %neg3A_634 = vector.broadcast %neg3A_633 : f32 to vector<16xf32>
      %neg3A_635 = arith.subf %neg3A_634, %abs3A_632 : vector<16xf32>
      %exp3A_636 = math.exp %neg3A_635 : vector<16xf32>
      %max3A_637 = arith.constant 0.000000e+00 : f32
      %max3A_638 = vector.broadcast %max3A_637 : f32 to vector<16xf32>
      %max3A_639 = arith.maximumf %select_n3A_631, %max3A_638 : vector<16xf32>
      %mul3A_640 = arith.constant -0.054862313 : f32
      %mul3A_641 = vector.broadcast %mul3A_640 : f32 to vector<16xf32>
      %mul3A_642 = arith.mulf %mul3A_641, %exp3A_636 : vector<16xf32>
      %add3A_643 = arith.constant 0.216408581 : f32
      %add3A_644 = vector.broadcast %add3A_643 : f32 to vector<16xf32>
      %add3A_645 = arith.addf %mul3A_642, %add3A_644 : vector<16xf32>
      %mul3A_646 = arith.mulf %add3A_645, %exp3A_636 : vector<16xf32>
      %add3A_647 = arith.constant -0.464070708 : f32
      %add3A_648 = vector.broadcast %add3A_647 : f32 to vector<16xf32>
      %add3A_649 = arith.addf %mul3A_646, %add3A_648 : vector<16xf32>
      %mul3A_650 = arith.mulf %add3A_649, %exp3A_636 : vector<16xf32>
      %add3A_651 = arith.constant 0.995426654 : f32
      %add3A_652 = vector.broadcast %add3A_651 : f32 to vector<16xf32>
      %add3A_653 = arith.addf %mul3A_650, %add3A_652 : vector<16xf32>
      %mul3A_654 = arith.mulf %add3A_653, %exp3A_636 : vector<16xf32>
      %add3A_655 = arith.constant 1.41580182E-4 : f32
      %add3A_656 = vector.broadcast %add3A_655 : f32 to vector<16xf32>
      %add3A_657 = arith.addf %mul3A_654, %add3A_656 : vector<16xf32>
      %add3A_658 = arith.addf %max3A_639, %add3A_657 : vector<16xf32>
      %jit3A_659 = arith.constant 1.000000e+00 : f32
      %jit3A_660 = arith.constant 2.000000e-01 : f32
      %broadcast_in_dim3A_661 = vector.broadcast %jit3A_659 : f32 to vector<16xf32>
      %broadcast_in_dim3A_662 = vector.broadcast %jit3A_660 : f32 to vector<16xf32>
      %select_n3A_663 = arith.select %ne3A_627, %broadcast_in_dim3A_661, %broadcast_in_dim3A_662 : vector<16xi1>, vector<16xf32>
      %mul3A_664 = arith.mulf %select_n3A_663, %add3A_658 : vector<16xf32>
      %add3A_665 = arith.addf %add3A_283, %mul3A_664 : vector<16xf32>
      %add3A_666 = arith.addf %add3A_284, %select_n3A_663 : vector<16xf32>
      %get3A_667 = arith.constant 1 : i32
      %get3A_668 = arith.index_cast %get3A_667 : i32 to index
      %get3A_669 = arith.index_cast %mul3A_617 : i32 to index
      %get3A_670 = tpu.vector_load %arg11[%get3A_668, %get3A_669] {strides = array<i32>} : memref<8x2048xi32, #tpu.memory_space<vmem>>, vector<16xi32>,
      %sub3A_671 = arith.subf %add3A_167, %get3A_619 : vector<16xf32>
      %ne3A_672 = arith.constant 0 : i32
      %ne3A_673 = vector.broadcast %ne3A_672 : i32 to vector<16xi32>
      %ne3A_674 = arith.cmpi ne, %get3A_670, %ne3A_673 : vector<16xi32>
      %neg3A_675 = arith.constant 0.000000e+00 : f32
      %neg3A_676 = vector.broadcast %neg3A_675 : f32 to vector<16xf32>
      %neg3A_677 = arith.subf %neg3A_676, %sub3A_671 : vector<16xf32>
      %select_n3A_678 = arith.select %ne3A_674, %neg3A_677, %sub3A_671 : vector<16xi1>, vector<16xf32>
      %abs3A_679 = math.absf %sub3A_671 : vector<16xf32>
      %neg3A_680 = arith.constant 0.000000e+00 : f32
      %neg3A_681 = vector.broadcast %neg3A_680 : f32 to vector<16xf32>
      %neg3A_682 = arith.subf %neg3A_681, %abs3A_679 : vector<16xf32>
      %exp3A_683 = math.exp %neg3A_682 : vector<16xf32>
      %max3A_684 = arith.constant 0.000000e+00 : f32
      %max3A_685 = vector.broadcast %max3A_684 : f32 to vector<16xf32>
      %max3A_686 = arith.maximumf %select_n3A_678, %max3A_685 : vector<16xf32>
      %mul3A_687 = arith.constant -0.054862313 : f32
      %mul3A_688 = vector.broadcast %mul3A_687 : f32 to vector<16xf32>
      %mul3A_689 = arith.mulf %mul3A_688, %exp3A_683 : vector<16xf32>
      %add3A_690 = arith.constant 0.216408581 : f32
      %add3A_691 = vector.broadcast %add3A_690 : f32 to vector<16xf32>
      %add3A_692 = arith.addf %mul3A_689, %add3A_691 : vector<16xf32>
      %mul3A_693 = arith.mulf %add3A_692, %exp3A_683 : vector<16xf32>
      %add3A_694 = arith.constant -0.464070708 : f32
      %add3A_695 = vector.broadcast %add3A_694 : f32 to vector<16xf32>
      %add3A_696 = arith.addf %mul3A_693, %add3A_695 : vector<16xf32>
      %mul3A_697 = arith.mulf %add3A_696, %exp3A_683 : vector<16xf32>
      %add3A_698 = arith.constant 0.995426654 : f32
      %add3A_699 = vector.broadcast %add3A_698 : f32 to vector<16xf32>
      %add3A_700 = arith.addf %mul3A_697, %add3A_699 : vector<16xf32>
      %mul3A_701 = arith.mulf %add3A_700, %exp3A_683 : vector<16xf32>
      %add3A_702 = arith.constant 1.41580182E-4 : f32
      %add3A_703 = vector.broadcast %add3A_702 : f32 to vector<16xf32>
      %add3A_704 = arith.addf %mul3A_701, %add3A_703 : vector<16xf32>
      %add3A_705 = arith.addf %max3A_686, %add3A_704 : vector<16xf32>
      %jit3A_706 = arith.constant 1.000000e+00 : f32
      %jit3A_707 = arith.constant 2.000000e-01 : f32
      %broadcast_in_dim3A_708 = vector.broadcast %jit3A_706 : f32 to vector<16xf32>
      %broadcast_in_dim3A_709 = vector.broadcast %jit3A_707 : f32 to vector<16xf32>
      %select_n3A_710 = arith.select %ne3A_674, %broadcast_in_dim3A_708, %broadcast_in_dim3A_709 : vector<16xi1>, vector<16xf32>
      %mul3A_711 = arith.mulf %select_n3A_710, %add3A_705 : vector<16xf32>
      %add3A_712 = arith.addf %add3A_330, %mul3A_711 : vector<16xf32>
      %add3A_713 = arith.addf %add3A_331, %select_n3A_710 : vector<16xf32>
      %get3A_714 = arith.constant 2 : i32
      %get3A_715 = arith.index_cast %get3A_714 : i32 to index
      %get3A_716 = arith.index_cast %mul3A_617 : i32 to index
      %get3A_717 = tpu.vector_load %arg11[%get3A_715, %get3A_716] {strides = array<i32>} : memref<8x2048xi32, #tpu.memory_space<vmem>>, vector<16xi32>,
      %sub3A_718 = arith.subf %add3A_172, %get3A_619 : vector<16xf32>
      %ne3A_719 = arith.constant 0 : i32
      %ne3A_720 = vector.broadcast %ne3A_719 : i32 to vector<16xi32>
      %ne3A_721 = arith.cmpi ne, %get3A_717, %ne3A_720 : vector<16xi32>
      %neg3A_722 = arith.constant 0.000000e+00 : f32
      %neg3A_723 = vector.broadcast %neg3A_722 : f32 to vector<16xf32>
      %neg3A_724 = arith.subf %neg3A_723, %sub3A_718 : vector<16xf32>
      %select_n3A_725 = arith.select %ne3A_721, %neg3A_724, %sub3A_718 : vector<16xi1>, vector<16xf32>
      %abs3A_726 = math.absf %sub3A_718 : vector<16xf32>
      %neg3A_727 = arith.constant 0.000000e+00 : f32
      %neg3A_728 = vector.broadcast %neg3A_727 : f32 to vector<16xf32>
      %neg3A_729 = arith.subf %neg3A_728, %abs3A_726 : vector<16xf32>
      %exp3A_730 = math.exp %neg3A_729 : vector<16xf32>
      %max3A_731 = arith.constant 0.000000e+00 : f32
      %max3A_732 = vector.broadcast %max3A_731 : f32 to vector<16xf32>
      %max3A_733 = arith.maximumf %select_n3A_725, %max3A_732 : vector<16xf32>
      %mul3A_734 = arith.constant -0.054862313 : f32
      %mul3A_735 = vector.broadcast %mul3A_734 : f32 to vector<16xf32>
      %mul3A_736 = arith.mulf %mul3A_735, %exp3A_730 : vector<16xf32>
      %add3A_737 = arith.constant 0.216408581 : f32
      %add3A_738 = vector.broadcast %add3A_737 : f32 to vector<16xf32>
      %add3A_739 = arith.addf %mul3A_736, %add3A_738 : vector<16xf32>
      %mul3A_740 = arith.mulf %add3A_739, %exp3A_730 : vector<16xf32>
      %add3A_741 = arith.constant -0.464070708 : f32
      %add3A_742 = vector.broadcast %add3A_741 : f32 to vector<16xf32>
      %add3A_743 = arith.addf %mul3A_740, %add3A_742 : vector<16xf32>
      %mul3A_744 = arith.mulf %add3A_743, %exp3A_730 : vector<16xf32>
      %add3A_745 = arith.constant 0.995426654 : f32
      %add3A_746 = vector.broadcast %add3A_745 : f32 to vector<16xf32>
      %add3A_747 = arith.addf %mul3A_744, %add3A_746 : vector<16xf32>
      %mul3A_748 = arith.mulf %add3A_747, %exp3A_730 : vector<16xf32>
      %add3A_749 = arith.constant 1.41580182E-4 : f32
      %add3A_750 = vector.broadcast %add3A_749 : f32 to vector<16xf32>
      %add3A_751 = arith.addf %mul3A_748, %add3A_750 : vector<16xf32>
      %add3A_752 = arith.addf %max3A_733, %add3A_751 : vector<16xf32>
      %jit3A_753 = arith.constant 1.000000e+00 : f32
      %jit3A_754 = arith.constant 2.000000e-01 : f32
      %broadcast_in_dim3A_755 = vector.broadcast %jit3A_753 : f32 to vector<16xf32>
      %broadcast_in_dim3A_756 = vector.broadcast %jit3A_754 : f32 to vector<16xf32>
      %select_n3A_757 = arith.select %ne3A_721, %broadcast_in_dim3A_755, %broadcast_in_dim3A_756 : vector<16xi1>, vector<16xf32>
      %mul3A_758 = arith.mulf %select_n3A_757, %add3A_752 : vector<16xf32>
      %add3A_759 = arith.addf %add3A_377, %mul3A_758 : vector<16xf32>
      %add3A_760 = arith.addf %add3A_378, %select_n3A_757 : vector<16xf32>
      %get3A_761 = arith.constant 3 : i32
      %get3A_762 = arith.index_cast %get3A_761 : i32 to index
      %get3A_763 = arith.index_cast %mul3A_617 : i32 to index
      %get3A_764 = tpu.vector_load %arg11[%get3A_762, %get3A_763] {strides = array<i32>} : memref<8x2048xi32, #tpu.memory_space<vmem>>, vector<16xi32>,
      %sub3A_765 = arith.subf %add3A_177, %get3A_619 : vector<16xf32>
      %ne3A_766 = arith.constant 0 : i32
      %ne3A_767 = vector.broadcast %ne3A_766 : i32 to vector<16xi32>
      %ne3A_768 = arith.cmpi ne, %get3A_764, %ne3A_767 : vector<16xi32>
      %neg3A_769 = arith.constant 0.000000e+00 : f32
      %neg3A_770 = vector.broadcast %neg3A_769 : f32 to vector<16xf32>
      %neg3A_771 = arith.subf %neg3A_770, %sub3A_765 : vector<16xf32>
      %select_n3A_772 = arith.select %ne3A_768, %neg3A_771, %sub3A_765 : vector<16xi1>, vector<16xf32>
      %abs3A_773 = math.absf %sub3A_765 : vector<16xf32>
      %neg3A_774 = arith.constant 0.000000e+00 : f32
      %neg3A_775 = vector.broadcast %neg3A_774 : f32 to vector<16xf32>
      %neg3A_776 = arith.subf %neg3A_775, %abs3A_773 : vector<16xf32>
      %exp3A_777 = math.exp %neg3A_776 : vector<16xf32>
      %max3A_778 = arith.constant 0.000000e+00 : f32
      %max3A_779 = vector.broadcast %max3A_778 : f32 to vector<16xf32>
      %max3A_780 = arith.maximumf %select_n3A_772, %max3A_779 : vector<16xf32>
      %mul3A_781 = arith.constant -0.054862313 : f32
      %mul3A_782 = vector.broadcast %mul3A_781 : f32 to vector<16xf32>
      %mul3A_783 = arith.mulf %mul3A_782, %exp3A_777 : vector<16xf32>
      %add3A_784 = arith.constant 0.216408581 : f32
      %add3A_785 = vector.broadcast %add3A_784 : f32 to vector<16xf32>
      %add3A_786 = arith.addf %mul3A_783, %add3A_785 : vector<16xf32>
      %mul3A_787 = arith.mulf %add3A_786, %exp3A_777 : vector<16xf32>
      %add3A_788 = arith.constant -0.464070708 : f32
      %add3A_789 = vector.broadcast %add3A_788 : f32 to vector<16xf32>
      %add3A_790 = arith.addf %mul3A_787, %add3A_789 : vector<16xf32>
      %mul3A_791 = arith.mulf %add3A_790, %exp3A_777 : vector<16xf32>
      %add3A_792 = arith.constant 0.995426654 : f32
      %add3A_793 = vector.broadcast %add3A_792 : f32 to vector<16xf32>
      %add3A_794 = arith.addf %mul3A_791, %add3A_793 : vector<16xf32>
      %mul3A_795 = arith.mulf %add3A_794, %exp3A_777 : vector<16xf32>
      %add3A_796 = arith.constant 1.41580182E-4 : f32
      %add3A_797 = vector.broadcast %add3A_796 : f32 to vector<16xf32>
      %add3A_798 = arith.addf %mul3A_795, %add3A_797 : vector<16xf32>
      %add3A_799 = arith.addf %max3A_780, %add3A_798 : vector<16xf32>
      %jit3A_800 = arith.constant 1.000000e+00 : f32
      %jit3A_801 = arith.constant 2.000000e-01 : f32
      %broadcast_in_dim3A_802 = vector.broadcast %jit3A_800 : f32 to vector<16xf32>
      %broadcast_in_dim3A_803 = vector.broadcast %jit3A_801 : f32 to vector<16xf32>
      %select_n3A_804 = arith.select %ne3A_768, %broadcast_in_dim3A_802, %broadcast_in_dim3A_803 : vector<16xi1>, vector<16xf32>
      %mul3A_805 = arith.mulf %select_n3A_804, %add3A_799 : vector<16xf32>
      %add3A_806 = arith.addf %add3A_424, %mul3A_805 : vector<16xf32>
      %add3A_807 = arith.addf %add3A_425, %select_n3A_804 : vector<16xf32>
      %get3A_808 = arith.constant 4 : i32
      %get3A_809 = arith.index_cast %get3A_808 : i32 to index
      %get3A_810 = arith.index_cast %mul3A_617 : i32 to index
      %get3A_811 = tpu.vector_load %arg11[%get3A_809, %get3A_810] {strides = array<i32>} : memref<8x2048xi32, #tpu.memory_space<vmem>>, vector<16xi32>,
      %sub3A_812 = arith.subf %add3A_182, %get3A_619 : vector<16xf32>
      %ne3A_813 = arith.constant 0 : i32
      %ne3A_814 = vector.broadcast %ne3A_813 : i32 to vector<16xi32>
      %ne3A_815 = arith.cmpi ne, %get3A_811, %ne3A_814 : vector<16xi32>
      %neg3A_816 = arith.constant 0.000000e+00 : f32
      %neg3A_817 = vector.broadcast %neg3A_816 : f32 to vector<16xf32>
      %neg3A_818 = arith.subf %neg3A_817, %sub3A_812 : vector<16xf32>
      %select_n3A_819 = arith.select %ne3A_815, %neg3A_818, %sub3A_812 : vector<16xi1>, vector<16xf32>
      %abs3A_820 = math.absf %sub3A_812 : vector<16xf32>
      %neg3A_821 = arith.constant 0.000000e+00 : f32
      %neg3A_822 = vector.broadcast %neg3A_821 : f32 to vector<16xf32>
      %neg3A_823 = arith.subf %neg3A_822, %abs3A_820 : vector<16xf32>
      %exp3A_824 = math.exp %neg3A_823 : vector<16xf32>
      %max3A_825 = arith.constant 0.000000e+00 : f32
      %max3A_826 = vector.broadcast %max3A_825 : f32 to vector<16xf32>
      %max3A_827 = arith.maximumf %select_n3A_819, %max3A_826 : vector<16xf32>
      %mul3A_828 = arith.constant -0.054862313 : f32
      %mul3A_829 = vector.broadcast %mul3A_828 : f32 to vector<16xf32>
      %mul3A_830 = arith.mulf %mul3A_829, %exp3A_824 : vector<16xf32>
      %add3A_831 = arith.constant 0.216408581 : f32
      %add3A_832 = vector.broadcast %add3A_831 : f32 to vector<16xf32>
      %add3A_833 = arith.addf %mul3A_830, %add3A_832 : vector<16xf32>
      %mul3A_834 = arith.mulf %add3A_833, %exp3A_824 : vector<16xf32>
      %add3A_835 = arith.constant -0.464070708 : f32
      %add3A_836 = vector.broadcast %add3A_835 : f32 to vector<16xf32>
      %add3A_837 = arith.addf %mul3A_834, %add3A_836 : vector<16xf32>
      %mul3A_838 = arith.mulf %add3A_837, %exp3A_824 : vector<16xf32>
      %add3A_839 = arith.constant 0.995426654 : f32
      %add3A_840 = vector.broadcast %add3A_839 : f32 to vector<16xf32>
      %add3A_841 = arith.addf %mul3A_838, %add3A_840 : vector<16xf32>
      %mul3A_842 = arith.mulf %add3A_841, %exp3A_824 : vector<16xf32>
      %add3A_843 = arith.constant 1.41580182E-4 : f32
      %add3A_844 = vector.broadcast %add3A_843 : f32 to vector<16xf32>
      %add3A_845 = arith.addf %mul3A_842, %add3A_844 : vector<16xf32>
      %add3A_846 = arith.addf %max3A_827, %add3A_845 : vector<16xf32>
      %jit3A_847 = arith.constant 1.000000e+00 : f32
      %jit3A_848 = arith.constant 2.000000e-01 : f32
      %broadcast_in_dim3A_849 = vector.broadcast %jit3A_847 : f32 to vector<16xf32>
      %broadcast_in_dim3A_850 = vector.broadcast %jit3A_848 : f32 to vector<16xf32>
      %select_n3A_851 = arith.select %ne3A_815, %broadcast_in_dim3A_849, %broadcast_in_dim3A_850 : vector<16xi1>, vector<16xf32>
      %mul3A_852 = arith.mulf %select_n3A_851, %add3A_846 : vector<16xf32>
      %add3A_853 = arith.addf %add3A_471, %mul3A_852 : vector<16xf32>
      %add3A_854 = arith.addf %add3A_472, %select_n3A_851 : vector<16xf32>
      %get3A_855 = arith.constant 5 : i32
      %get3A_856 = arith.index_cast %get3A_855 : i32 to index
      %get3A_857 = arith.index_cast %mul3A_617 : i32 to index
      %get3A_858 = tpu.vector_load %arg11[%get3A_856, %get3A_857] {strides = array<i32>} : memref<8x2048xi32, #tpu.memory_space<vmem>>, vector<16xi32>,
      %sub3A_859 = arith.subf %add3A_187, %get3A_619 : vector<16xf32>
      %ne3A_860 = arith.constant 0 : i32
      %ne3A_861 = vector.broadcast %ne3A_860 : i32 to vector<16xi32>
      %ne3A_862 = arith.cmpi ne, %get3A_858, %ne3A_861 : vector<16xi32>
      %neg3A_863 = arith.constant 0.000000e+00 : f32
      %neg3A_864 = vector.broadcast %neg3A_863 : f32 to vector<16xf32>
      %neg3A_865 = arith.subf %neg3A_864, %sub3A_859 : vector<16xf32>
      %select_n3A_866 = arith.select %ne3A_862, %neg3A_865, %sub3A_859 : vector<16xi1>, vector<16xf32>
      %abs3A_867 = math.absf %sub3A_859 : vector<16xf32>
      %neg3A_868 = arith.constant 0.000000e+00 : f32
      %neg3A_869 = vector.broadcast %neg3A_868 : f32 to vector<16xf32>
      %neg3A_870 = arith.subf %neg3A_869, %abs3A_867 : vector<16xf32>
      %exp3A_871 = math.exp %neg3A_870 : vector<16xf32>
      %max3A_872 = arith.constant 0.000000e+00 : f32
      %max3A_873 = vector.broadcast %max3A_872 : f32 to vector<16xf32>
      %max3A_874 = arith.maximumf %select_n3A_866, %max3A_873 : vector<16xf32>
      %mul3A_875 = arith.constant -0.054862313 : f32
      %mul3A_876 = vector.broadcast %mul3A_875 : f32 to vector<16xf32>
      %mul3A_877 = arith.mulf %mul3A_876, %exp3A_871 : vector<16xf32>
      %add3A_878 = arith.constant 0.216408581 : f32
      %add3A_879 = vector.broadcast %add3A_878 : f32 to vector<16xf32>
      %add3A_880 = arith.addf %mul3A_877, %add3A_879 : vector<16xf32>
      %mul3A_881 = arith.mulf %add3A_880, %exp3A_871 : vector<16xf32>
      %add3A_882 = arith.constant -0.464070708 : f32
      %add3A_883 = vector.broadcast %add3A_882 : f32 to vector<16xf32>
      %add3A_884 = arith.addf %mul3A_881, %add3A_883 : vector<16xf32>
      %mul3A_885 = arith.mulf %add3A_884, %exp3A_871 : vector<16xf32>
      %add3A_886 = arith.constant 0.995426654 : f32
      %add3A_887 = vector.broadcast %add3A_886 : f32 to vector<16xf32>
      %add3A_888 = arith.addf %mul3A_885, %add3A_887 : vector<16xf32>
      %mul3A_889 = arith.mulf %add3A_888, %exp3A_871 : vector<16xf32>
      %add3A_890 = arith.constant 1.41580182E-4 : f32
      %add3A_891 = vector.broadcast %add3A_890 : f32 to vector<16xf32>
      %add3A_892 = arith.addf %mul3A_889, %add3A_891 : vector<16xf32>
      %add3A_893 = arith.addf %max3A_874, %add3A_892 : vector<16xf32>
      %jit3A_894 = arith.constant 1.000000e+00 : f32
      %jit3A_895 = arith.constant 2.000000e-01 : f32
      %broadcast_in_dim3A_896 = vector.broadcast %jit3A_894 : f32 to vector<16xf32>
      %broadcast_in_dim3A_897 = vector.broadcast %jit3A_895 : f32 to vector<16xf32>
      %select_n3A_898 = arith.select %ne3A_862, %broadcast_in_dim3A_896, %broadcast_in_dim3A_897 : vector<16xi1>, vector<16xf32>
      %mul3A_899 = arith.mulf %select_n3A_898, %add3A_893 : vector<16xf32>
      %add3A_900 = arith.addf %add3A_518, %mul3A_899 : vector<16xf32>
      %add3A_901 = arith.addf %add3A_519, %select_n3A_898 : vector<16xf32>
      %get3A_902 = arith.constant 6 : i32
      %get3A_903 = arith.index_cast %get3A_902 : i32 to index
      %get3A_904 = arith.index_cast %mul3A_617 : i32 to index
      %get3A_905 = tpu.vector_load %arg11[%get3A_903, %get3A_904] {strides = array<i32>} : memref<8x2048xi32, #tpu.memory_space<vmem>>, vector<16xi32>,
      %sub3A_906 = arith.subf %add3A_192, %get3A_619 : vector<16xf32>
      %ne3A_907 = arith.constant 0 : i32
      %ne3A_908 = vector.broadcast %ne3A_907 : i32 to vector<16xi32>
      %ne3A_909 = arith.cmpi ne, %get3A_905, %ne3A_908 : vector<16xi32>
      %neg3A_910 = arith.constant 0.000000e+00 : f32
      %neg3A_911 = vector.broadcast %neg3A_910 : f32 to vector<16xf32>
      %neg3A_912 = arith.subf %neg3A_911, %sub3A_906 : vector<16xf32>
      %select_n3A_913 = arith.select %ne3A_909, %neg3A_912, %sub3A_906 : vector<16xi1>, vector<16xf32>
      %abs3A_914 = math.absf %sub3A_906 : vector<16xf32>
      %neg3A_915 = arith.constant 0.000000e+00 : f32
      %neg3A_916 = vector.broadcast %neg3A_915 : f32 to vector<16xf32>
      %neg3A_917 = arith.subf %neg3A_916, %abs3A_914 : vector<16xf32>
      %exp3A_918 = math.exp %neg3A_917 : vector<16xf32>
      %max3A_919 = arith.constant 0.000000e+00 : f32
      %max3A_920 = vector.broadcast %max3A_919 : f32 to vector<16xf32>
      %max3A_921 = arith.maximumf %select_n3A_913, %max3A_920 : vector<16xf32>
      %mul3A_922 = arith.constant -0.054862313 : f32
      %mul3A_923 = vector.broadcast %mul3A_922 : f32 to vector<16xf32>
      %mul3A_924 = arith.mulf %mul3A_923, %exp3A_918 : vector<16xf32>
      %add3A_925 = arith.constant 0.216408581 : f32
      %add3A_926 = vector.broadcast %add3A_925 : f32 to vector<16xf32>
      %add3A_927 = arith.addf %mul3A_924, %add3A_926 : vector<16xf32>
      %mul3A_928 = arith.mulf %add3A_927, %exp3A_918 : vector<16xf32>
      %add3A_929 = arith.constant -0.464070708 : f32
      %add3A_930 = vector.broadcast %add3A_929 : f32 to vector<16xf32>
      %add3A_931 = arith.addf %mul3A_928, %add3A_930 : vector<16xf32>
      %mul3A_932 = arith.mulf %add3A_931, %exp3A_918 : vector<16xf32>
      %add3A_933 = arith.constant 0.995426654 : f32
      %add3A_934 = vector.broadcast %add3A_933 : f32 to vector<16xf32>
      %add3A_935 = arith.addf %mul3A_932, %add3A_934 : vector<16xf32>
      %mul3A_936 = arith.mulf %add3A_935, %exp3A_918 : vector<16xf32>
      %add3A_937 = arith.constant 1.41580182E-4 : f32
      %add3A_938 = vector.broadcast %add3A_937 : f32 to vector<16xf32>
      %add3A_939 = arith.addf %mul3A_936, %add3A_938 : vector<16xf32>
      %add3A_940 = arith.addf %max3A_921, %add3A_939 : vector<16xf32>
      %jit3A_941 = arith.constant 1.000000e+00 : f32
      %jit3A_942 = arith.constant 2.000000e-01 : f32
      %broadcast_in_dim3A_943 = vector.broadcast %jit3A_941 : f32 to vector<16xf32>
      %broadcast_in_dim3A_944 = vector.broadcast %jit3A_942 : f32 to vector<16xf32>
      %select_n3A_945 = arith.select %ne3A_909, %broadcast_in_dim3A_943, %broadcast_in_dim3A_944 : vector<16xi1>, vector<16xf32>
      %mul3A_946 = arith.mulf %select_n3A_945, %add3A_940 : vector<16xf32>
      %add3A_947 = arith.addf %add3A_565, %mul3A_946 : vector<16xf32>
      %add3A_948 = arith.addf %add3A_566, %select_n3A_945 : vector<16xf32>
      %get3A_949 = arith.constant 7 : i32
      %get3A_950 = arith.index_cast %get3A_949 : i32 to index
      %get3A_951 = arith.index_cast %mul3A_617 : i32 to index
      %get3A_952 = tpu.vector_load %arg11[%get3A_950, %get3A_951] {strides = array<i32>} : memref<8x2048xi32, #tpu.memory_space<vmem>>, vector<16xi32>,
      %sub3A_953 = arith.subf %add3A_197, %get3A_619 : vector<16xf32>
      %ne3A_954 = arith.constant 0 : i32
      %ne3A_955 = vector.broadcast %ne3A_954 : i32 to vector<16xi32>
      %ne3A_956 = arith.cmpi ne, %get3A_952, %ne3A_955 : vector<16xi32>
      %neg3A_957 = arith.constant 0.000000e+00 : f32
      %neg3A_958 = vector.broadcast %neg3A_957 : f32 to vector<16xf32>
      %neg3A_959 = arith.subf %neg3A_958, %sub3A_953 : vector<16xf32>
      %select_n3A_960 = arith.select %ne3A_956, %neg3A_959, %sub3A_953 : vector<16xi1>, vector<16xf32>
      %abs3A_961 = math.absf %sub3A_953 : vector<16xf32>
      %neg3A_962 = arith.constant 0.000000e+00 : f32
      %neg3A_963 = vector.broadcast %neg3A_962 : f32 to vector<16xf32>
      %neg3A_964 = arith.subf %neg3A_963, %abs3A_961 : vector<16xf32>
      %exp3A_965 = math.exp %neg3A_964 : vector<16xf32>
      %max3A_966 = arith.constant 0.000000e+00 : f32
      %max3A_967 = vector.broadcast %max3A_966 : f32 to vector<16xf32>
      %max3A_968 = arith.maximumf %select_n3A_960, %max3A_967 : vector<16xf32>
      %mul3A_969 = arith.constant -0.054862313 : f32
      %mul3A_970 = vector.broadcast %mul3A_969 : f32 to vector<16xf32>
      %mul3A_971 = arith.mulf %mul3A_970, %exp3A_965 : vector<16xf32>
      %add3A_972 = arith.constant 0.216408581 : f32
      %add3A_973 = vector.broadcast %add3A_972 : f32 to vector<16xf32>
      %add3A_974 = arith.addf %mul3A_971, %add3A_973 : vector<16xf32>
      %mul3A_975 = arith.mulf %add3A_974, %exp3A_965 : vector<16xf32>
      %add3A_976 = arith.constant -0.464070708 : f32
      %add3A_977 = vector.broadcast %add3A_976 : f32 to vector<16xf32>
      %add3A_978 = arith.addf %mul3A_975, %add3A_977 : vector<16xf32>
      %mul3A_979 = arith.mulf %add3A_978, %exp3A_965 : vector<16xf32>
      %add3A_980 = arith.constant 0.995426654 : f32
      %add3A_981 = vector.broadcast %add3A_980 : f32 to vector<16xf32>
      %add3A_982 = arith.addf %mul3A_979, %add3A_981 : vector<16xf32>
      %mul3A_983 = arith.mulf %add3A_982, %exp3A_965 : vector<16xf32>
      %add3A_984 = arith.constant 1.41580182E-4 : f32
      %add3A_985 = vector.broadcast %add3A_984 : f32 to vector<16xf32>
      %add3A_986 = arith.addf %mul3A_983, %add3A_985 : vector<16xf32>
      %add3A_987 = arith.addf %max3A_968, %add3A_986 : vector<16xf32>
      %jit3A_988 = arith.constant 1.000000e+00 : f32
      %jit3A_989 = arith.constant 2.000000e-01 : f32
      %broadcast_in_dim3A_990 = vector.broadcast %jit3A_988 : f32 to vector<16xf32>
      %broadcast_in_dim3A_991 = vector.broadcast %jit3A_989 : f32 to vector<16xf32>
      %select_n3A_992 = arith.select %ne3A_956, %broadcast_in_dim3A_990, %broadcast_in_dim3A_991 : vector<16xi1>, vector<16xf32>
      %mul3A_993 = arith.mulf %select_n3A_992, %add3A_987 : vector<16xf32>
      %add3A_994 = arith.addf %add3A_612, %mul3A_993 : vector<16xf32>
      %add3A_995 = arith.addf %add3A_613, %select_n3A_992 : vector<16xf32>
      scf.yield %add3A_665, %add3A_666, %add3A_712, %add3A_713, %add3A_759, %add3A_760, %add3A_806, %add3A_807, %add3A_853, %add3A_854, %add3A_900, %add3A_901, %add3A_947, %add3A_948, %add3A_994, %add3A_995 : vector<16xf32>, vector<16xf32>, vector<16xf32>, vector<16xf32>, vector<16xf32>, vector<16xf32>, vector<16xf32>, vector<16xf32>, vector<16xf32>, vector<16xf32>, vector<16xf32>, vector<16xf32>, vector<16xf32>, vector<16xf32>, vector<16xf32>, vector<16xf32>
    }
    %scan3A_203 = arith.constant 128 : i32
    %scan3A_204 = arith.constant 1 : i32
    %add3A_205 = arith.addf %scan3A_202#0, %scan3A_202#2 : vector<16xf32>
    %add3A_206 = arith.addf %scan3A_202#1, %scan3A_202#3 : vector<16xf32>
    %add3A_207 = arith.addf %add3A_205, %scan3A_202#4 : vector<16xf32>
    %add3A_208 = arith.addf %add3A_206, %scan3A_202#5 : vector<16xf32>
    %add3A_209 = arith.addf %add3A_207, %scan3A_202#6 : vector<16xf32>
    %add3A_210 = arith.addf %add3A_208, %scan3A_202#7 : vector<16xf32>
    %add3A_211 = arith.addf %add3A_209, %scan3A_202#8 : vector<16xf32>
    %add3A_212 = arith.addf %add3A_210, %scan3A_202#9 : vector<16xf32>
    %add3A_213 = arith.addf %add3A_211, %scan3A_202#10 : vector<16xf32>
    %add3A_214 = arith.addf %add3A_212, %scan3A_202#11 : vector<16xf32>
    %add3A_215 = arith.addf %add3A_213, %scan3A_202#12 : vector<16xf32>
    %add3A_216 = arith.addf %add3A_214, %scan3A_202#13 : vector<16xf32>
    %add3A_217 = arith.addf %add3A_215, %scan3A_202#14 : vector<16xf32>
    %add3A_218 = arith.addf %add3A_216, %scan3A_202#15 : vector<16xf32>
    %swap3A_219 = arith.constant 0 : index
    %swap3A_220 = tpu.vector_load %arg12[%swap3A_219] {strides = array<i32>} : memref<16xf32, #tpu.memory_space<vmem>>, vector<16xf32>,
    tpu.vector_store %arg12[%swap3A_219], %add3A_217 {strides = array<i32>} : memref<16xf32, #tpu.memory_space<vmem>>, vector<16xf32>,
    %run_scoped3A_221 = arith.constant 2 : i32
    "tpu.region"() ({
      %run_scoped3A_225 = tpu.sem_alloc : memref<!tpu.dma_semaphore, #tpu.memory_space<semaphore_mem>>
      %dma_start3A = arith.constant 0 : i32
      %dma_start3A_226 = tpu.memref_slice %arg6[%run_scoped3A_221, %add3A, %dma_start3A] : memref<4x32x16xf32, #tpu.memory_space<hbm>> -> memref<1x1x16xf32, #tpu.memory_space<hbm>>
      %dma_start3A_227 = tpu.memref_squeeze %dma_start3A_226 : memref<1x1x16xf32, #tpu.memory_space<hbm>> -> memref<16xf32, #tpu.memory_space<hbm>>
      %dma_start3A_228 = arith.constant 0 : i32
      %dma_start3A_229 = tpu.memref_slice %arg6[%run_scoped3A_221, %add3A, %dma_start3A_228] : memref<4x32x16xf32, #tpu.memory_space<hbm>> -> memref<1x1x16xf32, #tpu.memory_space<hbm>>
      %dma_start3A_230 = tpu.memref_squeeze %dma_start3A_229 : memref<1x1x16xf32, #tpu.memory_space<hbm>> -> memref<16xf32, #tpu.memory_space<hbm>>
      tpu.enqueue_dma source(%arg12 : memref<16xf32, #tpu.memory_space<vmem>>) target(%dma_start3A_230 : memref<16xf32, #tpu.memory_space<hbm>>) target_semaphore(%run_scoped3A_225 : memref<!tpu.dma_semaphore, #tpu.memory_space<semaphore_mem>>)
      %dma_wait3A = arith.constant 0 : i32
      %dma_wait3A_231 = tpu.memref_slice %arg6[%run_scoped3A_221, %add3A, %dma_wait3A] : memref<4x32x16xf32, #tpu.memory_space<hbm>> -> memref<1x1x16xf32, #tpu.memory_space<hbm>>
      %dma_wait3A_232 = tpu.memref_squeeze %dma_wait3A_231 : memref<1x1x16xf32, #tpu.memory_space<hbm>> -> memref<16xf32, #tpu.memory_space<hbm>>
      %dma_wait3A_233 = arith.constant 0 : i32
      %dma_wait3A_234 = tpu.memref_slice %arg6[%run_scoped3A_221, %add3A, %dma_wait3A_233] : memref<4x32x16xf32, #tpu.memory_space<hbm>> -> memref<1x1x16xf32, #tpu.memory_space<hbm>>
      %dma_wait3A_235 = tpu.memref_squeeze %dma_wait3A_234 : memref<1x1x16xf32, #tpu.memory_space<hbm>> -> memref<16xf32, #tpu.memory_space<hbm>>
      tpu.wait_dma2 semaphore(%run_scoped3A_225 : memref<!tpu.dma_semaphore, #tpu.memory_space<semaphore_mem>>) src(%arg12 : memref<16xf32, #tpu.memory_space<vmem>>) dst(%dma_wait3A_235 : memref<16xf32, #tpu.memory_space<hbm>>)
      tpu.yield
    }) : () -> ()
    %swap3A_222 = arith.constant 0 : index
    %swap3A_223 = tpu.vector_load %arg12[%swap3A_222] {strides = array<i32>} : memref<16xf32, #tpu.memory_space<vmem>>, vector<16xf32>,
    tpu.vector_store %arg12[%swap3A_222], %add3A_218 {strides = array<i32>} : memref<16xf32, #tpu.memory_space<vmem>>, vector<16xf32>,
    %run_scoped3A_224 = arith.constant 3 : i32
    "tpu.region"() ({
      %run_scoped3A_225 = tpu.sem_alloc : memref<!tpu.dma_semaphore, #tpu.memory_space<semaphore_mem>>
      %dma_start3A = arith.constant 0 : i32
      %dma_start3A_226 = tpu.memref_slice %arg6[%run_scoped3A_224, %add3A, %dma_start3A] : memref<4x32x16xf32, #tpu.memory_space<hbm>> -> memref<1x1x16xf32, #tpu.memory_space<hbm>>
      %dma_start3A_227 = tpu.memref_squeeze %dma_start3A_226 : memref<1x1x16xf32, #tpu.memory_space<hbm>> -> memref<16xf32, #tpu.memory_space<hbm>>
      %dma_start3A_228 = arith.constant 0 : i32
      %dma_start3A_229 = tpu.memref_slice %arg6[%run_scoped3A_224, %add3A, %dma_start3A_228] : memref<4x32x16xf32, #tpu.memory_space<hbm>> -> memref<1x1x16xf32, #tpu.memory_space<hbm>>
      %dma_start3A_230 = tpu.memref_squeeze %dma_start3A_229 : memref<1x1x16xf32, #tpu.memory_space<hbm>> -> memref<16xf32, #tpu.memory_space<hbm>>
      tpu.enqueue_dma source(%arg12 : memref<16xf32, #tpu.memory_space<vmem>>) target(%dma_start3A_230 : memref<16xf32, #tpu.memory_space<hbm>>) target_semaphore(%run_scoped3A_225 : memref<!tpu.dma_semaphore, #tpu.memory_space<semaphore_mem>>)
      %dma_wait3A = arith.constant 0 : i32
      %dma_wait3A_231 = tpu.memref_slice %arg6[%run_scoped3A_224, %add3A, %dma_wait3A] : memref<4x32x16xf32, #tpu.memory_space<hbm>> -> memref<1x1x16xf32, #tpu.memory_space<hbm>>
      %dma_wait3A_232 = tpu.memref_squeeze %dma_wait3A_231 : memref<1x1x16xf32, #tpu.memory_space<hbm>> -> memref<16xf32, #tpu.memory_space<hbm>>
      %dma_wait3A_233 = arith.constant 0 : i32
      %dma_wait3A_234 = tpu.memref_slice %arg6[%run_scoped3A_224, %add3A, %dma_wait3A_233] : memref<4x32x16xf32, #tpu.memory_space<hbm>> -> memref<1x1x16xf32, #tpu.memory_space<hbm>>
      %dma_wait3A_235 = tpu.memref_squeeze %dma_wait3A_234 : memref<1x1x16xf32, #tpu.memory_space<hbm>> -> memref<16xf32, #tpu.memory_space<hbm>>
      tpu.wait_dma2 semaphore(%run_scoped3A_225 : memref<!tpu.dma_semaphore, #tpu.memory_space<semaphore_mem>>) src(%arg12 : memref<16xf32, #tpu.memory_space<vmem>>) dst(%dma_wait3A_235 : memref<16xf32, #tpu.memory_space<hbm>>)
      tpu.yield
    }) : () -> ()
    return
  }
}

module attributes {stable_mosaic.version = 14 : i64} {
  func.func @_tc_body(%arg0: i32, %arg1: memref<256x4xf32, #tpu.memory_space<vmem>>, %arg2: memref<4x2048xf32, #tpu.memory_space<vmem>>, %arg3: memref<256x2048xi32, #tpu.memory_space<vmem>>, %arg4: memref<256x2048xi32, #tpu.memory_space<vmem>>, %arg5: memref<4x2xf32, #tpu.memory_space<vmem>>, %arg6: memref<2x4xf32, #tpu.memory_space<vmem>>, %arg7: memref<2xf32, #tpu.memory_space<smem>>, %arg8: memref<4x2xf32, #tpu.memory_space<vmem>>, %arg9: memref<2x4xf32, #tpu.memory_space<vmem>>, %arg10: memref<2xf32, #tpu.memory_space<smem>>, %arg11: memref<4xf32, #tpu.memory_space<smem>>, %arg12: memref<4xf32, #tpu.memory_space<smem>>) attributes {dimension_semantics = [#tpu.dimension_semantics<arbitrary>], iteration_bounds = array<i64: 7>, scalar_prefetch = 0 : i64, scratch_operands = 1 : i64, tpu.core_type = #tpu.core_type<tc>, window_params = [{transform_indices = @transform_0, window_bounds = array<i64: 256, 4>}, {pipeline_mode = #tpu.pipeline_mode<synchronous>, transform_indices = @transform_1, window_bounds = array<i64: 4, 2048>}, {transform_indices = @transform_2, window_bounds = array<i64: 256, 2048>}, {transform_indices = @transform_3, window_bounds = array<i64: 256, 2048>}, {pipeline_mode = #tpu.pipeline_mode<synchronous>, transform_indices = @transform_4, window_bounds = array<i64: 4, 2>}, {pipeline_mode = #tpu.pipeline_mode<synchronous>, transform_indices = @transform_5, window_bounds = array<i64: 2, 4>}, {transform_indices = @transform_6, window_bounds = array<i64: 2>}, {pipeline_mode = #tpu.pipeline_mode<synchronous>, transform_indices = @transform_7, window_bounds = array<i64: 4, 2>}, {pipeline_mode = #tpu.pipeline_mode<synchronous>, transform_indices = @transform_8, window_bounds = array<i64: 2, 4>}, {transform_indices = @transform_9, window_bounds = array<i64: 2>}, {transform_indices = @transform_10, window_bounds = array<i64: 4>}]} {
    %eq3A = arith.constant 0 : i32
    %eq3A_0 = arith.cmpi eq, %arg0, %eq3A : i32
    %convert_element_type3A = arith.extui %eq3A_0 : i1 to i32
    %cond3A = arith.constant 0 : i32
    %cond3A_1 = arith.cmpi ne, %convert_element_type3A, %cond3A : i32
    scf.if %cond3A_1 {
      %swap3A_159 = arith.constant 0.000000e+00 : f32
      %swap3A_160 = arith.constant 0 : index
      %swap3A_161 = memref.load %arg12[%swap3A_160] : memref<4xf32, #tpu.memory_space<smem>>
      memref.store %swap3A_159, %arg12[%swap3A_160] : memref<4xf32, #tpu.memory_space<smem>>
      %swap3A_162 = arith.constant 0.000000e+00 : f32
      %swap3A_163 = arith.constant 1 : index
      %swap3A_164 = memref.load %arg12[%swap3A_163] : memref<4xf32, #tpu.memory_space<smem>>
      memref.store %swap3A_162, %arg12[%swap3A_163] : memref<4xf32, #tpu.memory_space<smem>>
      %swap3A_165 = arith.constant 0.000000e+00 : f32
      %swap3A_166 = arith.constant 2 : index
      %swap3A_167 = memref.load %arg12[%swap3A_166] : memref<4xf32, #tpu.memory_space<smem>>
      memref.store %swap3A_165, %arg12[%swap3A_166] : memref<4xf32, #tpu.memory_space<smem>>
      %swap3A_168 = arith.constant 0.000000e+00 : f32
      %swap3A_169 = arith.constant 3 : index
      %swap3A_170 = memref.load %arg12[%swap3A_169] : memref<4xf32, #tpu.memory_space<smem>>
      memref.store %swap3A_168, %arg12[%swap3A_169] : memref<4xf32, #tpu.memory_space<smem>>
    } else {
    }
    %get3A = arith.constant 0 : index
    %get3A_2 = arith.constant 0 : index
    %get3A_3 = vector.load %arg1[%get3A, %get3A_2] : memref<256x4xf32, #tpu.memory_space<vmem>>, vector<256x4xf32>
    %get3A_4 = arith.constant 0 : index
    %get3A_5 = arith.constant 0 : index
    %get3A_6 = vector.load %arg2[%get3A_4, %get3A_5] : memref<4x2048xf32, #tpu.memory_space<vmem>>, vector<4x2048xf32>
    %get3A_7 = arith.constant 0 : index
    %get3A_8 = arith.constant 0 : index
    %get3A_9 = vector.load %arg3[%get3A_7, %get3A_8] : memref<256x2048xi32, #tpu.memory_space<vmem>>, vector<256x2048xi32>
    %get3A_10 = arith.constant 0 : index
    %get3A_11 = arith.constant 0 : index
    %get3A_12 = vector.load %arg5[%get3A_10, %get3A_11] : memref<4x2xf32, #tpu.memory_space<vmem>>, vector<4x2xf32>
    %get3A_13 = arith.constant 0 : index
    %get3A_14 = arith.constant 0 : index
    %get3A_15 = vector.load %arg6[%get3A_13, %get3A_14] : memref<2x4xf32, #tpu.memory_space<vmem>>, vector<2x4xf32>
    %slice3A = vector.extract_strided_slice %get3A_12 {offsets = [0, 1], sizes = [4, 1], strides = [1, 1]} : vector<4x2xf32> to vector<4x1xf32>
    %slice3A_16 = vector.extract_strided_slice %get3A_12 {offsets = [0, 0], sizes = [4, 1], strides = [1, 1]} : vector<4x2xf32> to vector<4x1xf32>
    %sub3A = arith.subf %slice3A, %slice3A_16 : vector<4x1xf32>
    %slice3A_17 = vector.extract_strided_slice %get3A_15 {offsets = [1, 0], sizes = [1, 4], strides = [1, 1]} : vector<2x4xf32> to vector<1x4xf32>
    %slice3A_18 = vector.extract_strided_slice %get3A_15 {offsets = [0, 0], sizes = [1, 4], strides = [1, 1]} : vector<2x4xf32> to vector<1x4xf32>
    %sub3A_19 = arith.subf %slice3A_17, %slice3A_18 : vector<1x4xf32>
    %get3A_20 = arith.constant 1 : index
    %get3A_21 = memref.load %arg7[%get3A_20] : memref<2xf32, #tpu.memory_space<smem>>
    %get3A_22 = arith.constant 0 : index
    %get3A_23 = memref.load %arg7[%get3A_22] : memref<2xf32, #tpu.memory_space<smem>>
    %sub3A_24 = arith.subf %get3A_21, %get3A_23 : f32
    %mul3A = vector.broadcast %sub3A_19 : vector<1x4xf32> to vector<256x4xf32>
    %mul3A_25 = arith.mulf %get3A_3, %mul3A : vector<256x4xf32>
    %reduce_sum3A = arith.constant dense<0.000000e+00> : vector<256xf32>
    %reduce_sum3A_26 = vector.multi_reduction <add>, %mul3A_25, %reduce_sum3A [1] : vector<256x4xf32> to vector<256xf32>
    %broadcast_in_dim3A = vector.shape_cast %reduce_sum3A_26 : vector<256xf32> to vector<256x1xf32>
    %mul3A_27 = vector.broadcast %sub3A : vector<4x1xf32> to vector<4x2048xf32>
    %mul3A_28 = arith.mulf %get3A_6, %mul3A_27 : vector<4x2048xf32>
    %reduce_sum3A_29 = arith.constant dense<0.000000e+00> : vector<2048xf32>
    %reduce_sum3A_30 = vector.multi_reduction <add>, %mul3A_28, %reduce_sum3A_29 [0] : vector<4x2048xf32> to vector<2048xf32>
    %broadcast_in_dim3A_31 = vector.shape_cast %reduce_sum3A_30 : vector<2048xf32> to vector<1x2048xf32>
    %sub3A_32 = vector.broadcast %broadcast_in_dim3A : vector<256x1xf32> to vector<256x2048xf32>
    %sub3A_33 = vector.broadcast %broadcast_in_dim3A_31 : vector<1x2048xf32> to vector<256x2048xf32>
    %sub3A_34 = arith.subf %sub3A_32, %sub3A_33 : vector<256x2048xf32>
    %add3A = vector.broadcast %sub3A_24 : f32 to vector<256x2048xf32>
    %add3A_35 = arith.addf %sub3A_34, %add3A : vector<256x2048xf32>
    %ne3A = arith.constant 0 : i32
    %ne3A_36 = vector.broadcast %ne3A : i32 to vector<256x2048xi32>
    %ne3A_37 = arith.cmpi ne, %get3A_9, %ne3A_36 : vector<256x2048xi32>
    %neg3A = arith.constant 0.000000e+00 : f32
    %neg3A_38 = vector.broadcast %neg3A : f32 to vector<256x2048xf32>
    %neg3A_39 = arith.subf %neg3A_38, %add3A_35 : vector<256x2048xf32>
    %select_n3A = arith.select %ne3A_37, %neg3A_39, %add3A_35 : vector<256x2048xi1>, vector<256x2048xf32>
    %max3A = arith.constant 0.000000e+00 : f32
    %max3A_40 = vector.broadcast %max3A : f32 to vector<256x2048xf32>
    %max3A_41 = arith.maximumf %select_n3A, %max3A_40 : vector<256x2048xf32>
    %abs3A = math.absf %add3A_35 : vector<256x2048xf32>
    %neg3A_42 = arith.constant 0.000000e+00 : f32
    %neg3A_43 = vector.broadcast %neg3A_42 : f32 to vector<256x2048xf32>
    %neg3A_44 = arith.subf %neg3A_43, %abs3A : vector<256x2048xf32>
    %exp3A = math.exp %neg3A_44 : vector<256x2048xf32>
    %add3A_45 = arith.constant 1.000000e+00 : f32
    %add3A_46 = vector.broadcast %add3A_45 : f32 to vector<256x2048xf32>
    %add3A_47 = arith.addf %add3A_46, %exp3A : vector<256x2048xf32>
    %log3A = math.log %add3A_47 : vector<256x2048xf32>
    %add3A_48 = arith.addf %max3A_41, %log3A : vector<256x2048xf32>
    %jit3A = arith.constant 1.000000e+00 : f32
    %jit3A_49 = arith.constant 2.000000e-01 : f32
    %broadcast_in_dim3A_50 = vector.broadcast %jit3A : f32 to vector<256x2048xf32>
    %broadcast_in_dim3A_51 = vector.broadcast %jit3A_49 : f32 to vector<256x2048xf32>
    %select_n3A_52 = arith.select %ne3A_37, %broadcast_in_dim3A_50, %broadcast_in_dim3A_51 : vector<256x2048xi1>, vector<256x2048xf32>
    %get3A_53 = arith.constant 0 : index
    %get3A_54 = memref.load %arg12[%get3A_53] : memref<4xf32, #tpu.memory_space<smem>>
    %mul3A_55 = arith.mulf %select_n3A_52, %add3A_48 : vector<256x2048xf32>
    %reduce_sum3A_56 = vector.shape_cast %mul3A_55 : vector<256x2048xf32> to vector<1x256x2048xf32>
    %reduce_sum3A_57 = arith.constant dense<0.000000e+00> : vector<1xf32>
    %reduce_sum3A_58 = vector.multi_reduction <add>, %reduce_sum3A_56, %reduce_sum3A_57 [1, 2] : vector<1x256x2048xf32> to vector<1xf32>
    %reduce_sum3A_59 = vector.shape_cast %reduce_sum3A_58 : vector<1xf32> to vector<1x1x1xf32>
    %reduce_sum3A_60 = vector.extract %reduce_sum3A_59[0, 0, 0] : f32 from vector<1x1x1xf32>
    %add3A_61 = arith.addf %get3A_54, %reduce_sum3A_60 : f32
    %swap3A = arith.constant 0 : index
    %swap3A_62 = memref.load %arg12[%swap3A] : memref<4xf32, #tpu.memory_space<smem>>
    memref.store %add3A_61, %arg12[%swap3A] : memref<4xf32, #tpu.memory_space<smem>>
    %get3A_63 = arith.constant 1 : index
    %get3A_64 = memref.load %arg12[%get3A_63] : memref<4xf32, #tpu.memory_space<smem>>
    %reduce_sum3A_65 = vector.shape_cast %select_n3A_52 : vector<256x2048xf32> to vector<1x256x2048xf32>
    %reduce_sum3A_66 = arith.constant dense<0.000000e+00> : vector<1xf32>
    %reduce_sum3A_67 = vector.multi_reduction <add>, %reduce_sum3A_65, %reduce_sum3A_66 [1, 2] : vector<1x256x2048xf32> to vector<1xf32>
    %reduce_sum3A_68 = vector.shape_cast %reduce_sum3A_67 : vector<1xf32> to vector<1x1x1xf32>
    %reduce_sum3A_69 = vector.extract %reduce_sum3A_68[0, 0, 0] : f32 from vector<1x1x1xf32>
    %add3A_70 = arith.addf %get3A_64, %reduce_sum3A_69 : f32
    %swap3A_71 = arith.constant 1 : index
    %swap3A_72 = memref.load %arg12[%swap3A_71] : memref<4xf32, #tpu.memory_space<smem>>
    memref.store %add3A_70, %arg12[%swap3A_71] : memref<4xf32, #tpu.memory_space<smem>>
    %get3A_73 = arith.constant 0 : index
    %get3A_74 = arith.constant 0 : index
    %get3A_75 = vector.load %arg4[%get3A_73, %get3A_74] : memref<256x2048xi32, #tpu.memory_space<vmem>>, vector<256x2048xi32>
    %get3A_76 = arith.constant 0 : index
    %get3A_77 = arith.constant 0 : index
    %get3A_78 = vector.load %arg8[%get3A_76, %get3A_77] : memref<4x2xf32, #tpu.memory_space<vmem>>, vector<4x2xf32>
    %get3A_79 = arith.constant 0 : index
    %get3A_80 = arith.constant 0 : index
    %get3A_81 = vector.load %arg9[%get3A_79, %get3A_80] : memref<2x4xf32, #tpu.memory_space<vmem>>, vector<2x4xf32>
    %slice3A_82 = vector.extract_strided_slice %get3A_78 {offsets = [0, 1], sizes = [4, 1], strides = [1, 1]} : vector<4x2xf32> to vector<4x1xf32>
    %slice3A_83 = vector.extract_strided_slice %get3A_78 {offsets = [0, 0], sizes = [4, 1], strides = [1, 1]} : vector<4x2xf32> to vector<4x1xf32>
    %sub3A_84 = arith.subf %slice3A_82, %slice3A_83 : vector<4x1xf32>
    %slice3A_85 = vector.extract_strided_slice %get3A_81 {offsets = [1, 0], sizes = [1, 4], strides = [1, 1]} : vector<2x4xf32> to vector<1x4xf32>
    %slice3A_86 = vector.extract_strided_slice %get3A_81 {offsets = [0, 0], sizes = [1, 4], strides = [1, 1]} : vector<2x4xf32> to vector<1x4xf32>
    %sub3A_87 = arith.subf %slice3A_85, %slice3A_86 : vector<1x4xf32>
    %get3A_88 = arith.constant 1 : index
    %get3A_89 = memref.load %arg10[%get3A_88] : memref<2xf32, #tpu.memory_space<smem>>
    %get3A_90 = arith.constant 0 : index
    %get3A_91 = memref.load %arg10[%get3A_90] : memref<2xf32, #tpu.memory_space<smem>>
    %sub3A_92 = arith.subf %get3A_89, %get3A_91 : f32
    %mul3A_93 = vector.broadcast %sub3A_87 : vector<1x4xf32> to vector<256x4xf32>
    %mul3A_94 = arith.mulf %get3A_3, %mul3A_93 : vector<256x4xf32>
    %reduce_sum3A_95 = arith.constant dense<0.000000e+00> : vector<256xf32>
    %reduce_sum3A_96 = vector.multi_reduction <add>, %mul3A_94, %reduce_sum3A_95 [1] : vector<256x4xf32> to vector<256xf32>
    %broadcast_in_dim3A_97 = vector.shape_cast %reduce_sum3A_96 : vector<256xf32> to vector<256x1xf32>
    %mul3A_98 = vector.broadcast %sub3A_84 : vector<4x1xf32> to vector<4x2048xf32>
    %mul3A_99 = arith.mulf %get3A_6, %mul3A_98 : vector<4x2048xf32>
    %reduce_sum3A_100 = arith.constant dense<0.000000e+00> : vector<2048xf32>
    %reduce_sum3A_101 = vector.multi_reduction <add>, %mul3A_99, %reduce_sum3A_100 [0] : vector<4x2048xf32> to vector<2048xf32>
    %broadcast_in_dim3A_102 = vector.shape_cast %reduce_sum3A_101 : vector<2048xf32> to vector<1x2048xf32>
    %sub3A_103 = vector.broadcast %broadcast_in_dim3A_97 : vector<256x1xf32> to vector<256x2048xf32>
    %sub3A_104 = vector.broadcast %broadcast_in_dim3A_102 : vector<1x2048xf32> to vector<256x2048xf32>
    %sub3A_105 = arith.subf %sub3A_103, %sub3A_104 : vector<256x2048xf32>
    %add3A_106 = vector.broadcast %sub3A_92 : f32 to vector<256x2048xf32>
    %add3A_107 = arith.addf %sub3A_105, %add3A_106 : vector<256x2048xf32>
    %ne3A_108 = arith.constant 0 : i32
    %ne3A_109 = vector.broadcast %ne3A_108 : i32 to vector<256x2048xi32>
    %ne3A_110 = arith.cmpi ne, %get3A_75, %ne3A_109 : vector<256x2048xi32>
    %neg3A_111 = arith.constant 0.000000e+00 : f32
    %neg3A_112 = vector.broadcast %neg3A_111 : f32 to vector<256x2048xf32>
    %neg3A_113 = arith.subf %neg3A_112, %add3A_107 : vector<256x2048xf32>
    %select_n3A_114 = arith.select %ne3A_110, %neg3A_113, %add3A_107 : vector<256x2048xi1>, vector<256x2048xf32>
    %max3A_115 = arith.constant 0.000000e+00 : f32
    %max3A_116 = vector.broadcast %max3A_115 : f32 to vector<256x2048xf32>
    %max3A_117 = arith.maximumf %select_n3A_114, %max3A_116 : vector<256x2048xf32>
    %abs3A_118 = math.absf %add3A_107 : vector<256x2048xf32>
    %neg3A_119 = arith.constant 0.000000e+00 : f32
    %neg3A_120 = vector.broadcast %neg3A_119 : f32 to vector<256x2048xf32>
    %neg3A_121 = arith.subf %neg3A_120, %abs3A_118 : vector<256x2048xf32>
    %exp3A_122 = math.exp %neg3A_121 : vector<256x2048xf32>
    %add3A_123 = arith.constant 1.000000e+00 : f32
    %add3A_124 = vector.broadcast %add3A_123 : f32 to vector<256x2048xf32>
    %add3A_125 = arith.addf %add3A_124, %exp3A_122 : vector<256x2048xf32>
    %log3A_126 = math.log %add3A_125 : vector<256x2048xf32>
    %add3A_127 = arith.addf %max3A_117, %log3A_126 : vector<256x2048xf32>
    %jit3A_128 = arith.constant 1.000000e+00 : f32
    %jit3A_129 = arith.constant 2.000000e-01 : f32
    %broadcast_in_dim3A_130 = vector.broadcast %jit3A_128 : f32 to vector<256x2048xf32>
    %broadcast_in_dim3A_131 = vector.broadcast %jit3A_129 : f32 to vector<256x2048xf32>
    %select_n3A_132 = arith.select %ne3A_110, %broadcast_in_dim3A_130, %broadcast_in_dim3A_131 : vector<256x2048xi1>, vector<256x2048xf32>
    %get3A_133 = arith.constant 2 : index
    %get3A_134 = memref.load %arg12[%get3A_133] : memref<4xf32, #tpu.memory_space<smem>>
    %mul3A_135 = arith.mulf %select_n3A_132, %add3A_127 : vector<256x2048xf32>
    %reduce_sum3A_136 = vector.shape_cast %mul3A_135 : vector<256x2048xf32> to vector<1x256x2048xf32>
    %reduce_sum3A_137 = arith.constant dense<0.000000e+00> : vector<1xf32>
    %reduce_sum3A_138 = vector.multi_reduction <add>, %reduce_sum3A_136, %reduce_sum3A_137 [1, 2] : vector<1x256x2048xf32> to vector<1xf32>
    %reduce_sum3A_139 = vector.shape_cast %reduce_sum3A_138 : vector<1xf32> to vector<1x1x1xf32>
    %reduce_sum3A_140 = vector.extract %reduce_sum3A_139[0, 0, 0] : f32 from vector<1x1x1xf32>
    %add3A_141 = arith.addf %get3A_134, %reduce_sum3A_140 : f32
    %swap3A_142 = arith.constant 2 : index
    %swap3A_143 = memref.load %arg12[%swap3A_142] : memref<4xf32, #tpu.memory_space<smem>>
    memref.store %add3A_141, %arg12[%swap3A_142] : memref<4xf32, #tpu.memory_space<smem>>
    %get3A_144 = arith.constant 3 : index
    %get3A_145 = memref.load %arg12[%get3A_144] : memref<4xf32, #tpu.memory_space<smem>>
    %reduce_sum3A_146 = vector.shape_cast %select_n3A_132 : vector<256x2048xf32> to vector<1x256x2048xf32>
    %reduce_sum3A_147 = arith.constant dense<0.000000e+00> : vector<1xf32>
    %reduce_sum3A_148 = vector.multi_reduction <add>, %reduce_sum3A_146, %reduce_sum3A_147 [1, 2] : vector<1x256x2048xf32> to vector<1xf32>
    %reduce_sum3A_149 = vector.shape_cast %reduce_sum3A_148 : vector<1xf32> to vector<1x1x1xf32>
    %reduce_sum3A_150 = vector.extract %reduce_sum3A_149[0, 0, 0] : f32 from vector<1x1x1xf32>
    %add3A_151 = arith.addf %get3A_145, %reduce_sum3A_150 : f32
    %swap3A_152 = arith.constant 3 : index
    %swap3A_153 = memref.load %arg12[%swap3A_152] : memref<4xf32, #tpu.memory_space<smem>>
    memref.store %add3A_151, %arg12[%swap3A_152] : memref<4xf32, #tpu.memory_space<smem>>
    %eq3A_154 = arith.constant 6 : i32
    %eq3A_155 = arith.cmpi eq, %arg0, %eq3A_154 : i32
    %convert_element_type3A_156 = arith.extui %eq3A_155 : i1 to i32
    %cond3A_157 = arith.constant 0 : i32
    %cond3A_158 = arith.cmpi ne, %convert_element_type3A_156, %cond3A_157 : i32
    scf.if %cond3A_158 {
      %get3A_159 = arith.constant 0 : index
      %get3A_160 = memref.load %arg12[%get3A_159] : memref<4xf32, #tpu.memory_space<smem>>
      %swap3A_161 = arith.constant 0 : index
      %swap3A_162 = memref.load %arg11[%swap3A_161] : memref<4xf32, #tpu.memory_space<smem>>
      memref.store %get3A_160, %arg11[%swap3A_161] : memref<4xf32, #tpu.memory_space<smem>>
      %get3A_163 = arith.constant 1 : index
      %get3A_164 = memref.load %arg12[%get3A_163] : memref<4xf32, #tpu.memory_space<smem>>
      %swap3A_165 = arith.constant 1 : index
      %swap3A_166 = memref.load %arg11[%swap3A_165] : memref<4xf32, #tpu.memory_space<smem>>
      memref.store %get3A_164, %arg11[%swap3A_165] : memref<4xf32, #tpu.memory_space<smem>>
      %get3A_167 = arith.constant 2 : index
      %get3A_168 = memref.load %arg12[%get3A_167] : memref<4xf32, #tpu.memory_space<smem>>
      %swap3A_169 = arith.constant 2 : index
      %swap3A_170 = memref.load %arg11[%swap3A_169] : memref<4xf32, #tpu.memory_space<smem>>
      memref.store %get3A_168, %arg11[%swap3A_169] : memref<4xf32, #tpu.memory_space<smem>>
      %get3A_171 = arith.constant 3 : index
      %get3A_172 = memref.load %arg12[%get3A_171] : memref<4xf32, #tpu.memory_space<smem>>
      %swap3A_173 = arith.constant 3 : index
      %swap3A_174 = memref.load %arg11[%swap3A_173] : memref<4xf32, #tpu.memory_space<smem>>
      memref.store %get3A_172, %arg11[%swap3A_173] : memref<4xf32, #tpu.memory_space<smem>>
    } else {
    }
    return
  }
  func.func @transform_0(%arg0: i32) -> (i32, i32) {
    %add3A = arith.constant 1 : i32
    %add3A_0 = arith.addi %arg0, %add3A : i32
    %c0_i32 = arith.constant 0 : i32
    %c0_i32_1 = arith.constant 0 : i32
    return %add3A_0, %c0_i32 : i32, i32
  }
  func.func @transform_1(%arg0: i32) -> (i32, i32) {
    %c0_i32 = arith.constant 0 : i32
    %c0_i32_0 = arith.constant 0 : i32
    %c0_i32_1 = arith.constant 0 : i32
    return %c0_i32, %c0_i32_0 : i32, i32
  }
  func.func @transform_2(%arg0: i32) -> (i32, i32) {
    %add3A = arith.constant 1 : i32
    %add3A_0 = arith.addi %arg0, %add3A : i32
    %c0_i32 = arith.constant 0 : i32
    %c0_i32_1 = arith.constant 0 : i32
    return %add3A_0, %c0_i32 : i32, i32
  }
  func.func @transform_3(%arg0: i32) -> (i32, i32) {
    %add3A = arith.constant 1 : i32
    %add3A_0 = arith.addi %arg0, %add3A : i32
    %c0_i32 = arith.constant 0 : i32
    %c0_i32_1 = arith.constant 0 : i32
    return %add3A_0, %c0_i32 : i32, i32
  }
  func.func @transform_4(%arg0: i32) -> (i32, i32) {
    %c0_i32 = arith.constant 0 : i32
    %c0_i32_0 = arith.constant 0 : i32
    %c0_i32_1 = arith.constant 0 : i32
    return %c0_i32, %c0_i32_0 : i32, i32
  }
  func.func @transform_5(%arg0: i32) -> (i32, i32) {
    %c0_i32 = arith.constant 0 : i32
    %c0_i32_0 = arith.constant 0 : i32
    %c0_i32_1 = arith.constant 0 : i32
    return %c0_i32, %c0_i32_0 : i32, i32
  }
  func.func @transform_6(%arg0: i32) -> i32 {
    %c0_i32 = arith.constant 0 : i32
    %c0_i32_0 = arith.constant 0 : i32
    return %c0_i32 : i32
  }
  func.func @transform_7(%arg0: i32) -> (i32, i32) {
    %c0_i32 = arith.constant 0 : i32
    %c0_i32_0 = arith.constant 0 : i32
    %c0_i32_1 = arith.constant 0 : i32
    return %c0_i32, %c0_i32_0 : i32, i32
  }
  func.func @transform_8(%arg0: i32) -> (i32, i32) {
    %c0_i32 = arith.constant 0 : i32
    %c0_i32_0 = arith.constant 0 : i32
    %c0_i32_1 = arith.constant 0 : i32
    return %c0_i32, %c0_i32_0 : i32, i32
  }
  func.func @transform_9(%arg0: i32) -> i32 {
    %c0_i32 = arith.constant 0 : i32
    %c0_i32_0 = arith.constant 0 : i32
    return %c0_i32 : i32
  }
  func.func @transform_10(%arg0: i32) -> i32 {
    %c0_i32 = arith.constant 0 : i32
    %c0_i32_0 = arith.constant 0 : i32
    return %c0_i32 : i32
  }
}

module attributes {stable_mosaic.version = 14 : i64} {
  func.func @_finalize_body(%arg0: memref<4x32x16xf32, #tpu.memory_space<vmem>>, %arg1: memref<4xf32, #tpu.memory_space<smem>>, %arg2: memref<1xf32, #tpu.memory_space<smem>>) attributes {dimension_semantics = [], scalar_prefetch = 0 : i64, scratch_operands = 0 : i64, tpu.core_type = #tpu.core_type<tc>} {
    %get3A = arith.constant 0 : index
    %get3A_0 = arith.constant 0 : index
    %get3A_1 = arith.constant 0 : index
    %get3A_2 = vector.load %arg0[%get3A, %get3A_0, %get3A_1] : memref<4x32x16xf32, #tpu.memory_space<vmem>>, vector<4x32x16xf32>
    %slice3A = vector.extract_strided_slice %get3A_2 {offsets = [0, 0, 0], sizes = [1, 32, 16], strides = [1, 1, 1]} : vector<4x32x16xf32> to vector<1x32x16xf32>
    %squeeze3A = vector.shape_cast %slice3A : vector<1x32x16xf32> to vector<32x16xf32>
    %reduce_sum3A = vector.shape_cast %squeeze3A : vector<32x16xf32> to vector<1x32x16xf32>
    %reduce_sum3A_3 = arith.constant dense<0.000000e+00> : vector<1xf32>
    %reduce_sum3A_4 = vector.multi_reduction <add>, %reduce_sum3A, %reduce_sum3A_3 [1, 2] : vector<1x32x16xf32> to vector<1xf32>
    %reduce_sum3A_5 = vector.shape_cast %reduce_sum3A_4 : vector<1xf32> to vector<1x1x1xf32>
    %reduce_sum3A_6 = vector.extract %reduce_sum3A_5[0, 0, 0] : f32 from vector<1x1x1xf32>
    %get3A_7 = arith.constant 0 : index
    %get3A_8 = memref.load %arg1[%get3A_7] : memref<4xf32, #tpu.memory_space<smem>>
    %add3A = arith.addf %reduce_sum3A_6, %get3A_8 : f32
    %slice3A_9 = vector.extract_strided_slice %get3A_2 {offsets = [1, 0, 0], sizes = [1, 32, 16], strides = [1, 1, 1]} : vector<4x32x16xf32> to vector<1x32x16xf32>
    %squeeze3A_10 = vector.shape_cast %slice3A_9 : vector<1x32x16xf32> to vector<32x16xf32>
    %reduce_sum3A_11 = vector.shape_cast %squeeze3A_10 : vector<32x16xf32> to vector<1x32x16xf32>
    %reduce_sum3A_12 = arith.constant dense<0.000000e+00> : vector<1xf32>
    %reduce_sum3A_13 = vector.multi_reduction <add>, %reduce_sum3A_11, %reduce_sum3A_12 [1, 2] : vector<1x32x16xf32> to vector<1xf32>
    %reduce_sum3A_14 = vector.shape_cast %reduce_sum3A_13 : vector<1xf32> to vector<1x1x1xf32>
    %reduce_sum3A_15 = vector.extract %reduce_sum3A_14[0, 0, 0] : f32 from vector<1x1x1xf32>
    %get3A_16 = arith.constant 1 : index
    %get3A_17 = memref.load %arg1[%get3A_16] : memref<4xf32, #tpu.memory_space<smem>>
    %add3A_18 = arith.addf %reduce_sum3A_15, %get3A_17 : f32
    %slice3A_19 = vector.extract_strided_slice %get3A_2 {offsets = [2, 0, 0], sizes = [1, 32, 16], strides = [1, 1, 1]} : vector<4x32x16xf32> to vector<1x32x16xf32>
    %squeeze3A_20 = vector.shape_cast %slice3A_19 : vector<1x32x16xf32> to vector<32x16xf32>
    %reduce_sum3A_21 = vector.shape_cast %squeeze3A_20 : vector<32x16xf32> to vector<1x32x16xf32>
    %reduce_sum3A_22 = arith.constant dense<0.000000e+00> : vector<1xf32>
    %reduce_sum3A_23 = vector.multi_reduction <add>, %reduce_sum3A_21, %reduce_sum3A_22 [1, 2] : vector<1x32x16xf32> to vector<1xf32>
    %reduce_sum3A_24 = vector.shape_cast %reduce_sum3A_23 : vector<1xf32> to vector<1x1x1xf32>
    %reduce_sum3A_25 = vector.extract %reduce_sum3A_24[0, 0, 0] : f32 from vector<1x1x1xf32>
    %get3A_26 = arith.constant 2 : index
    %get3A_27 = memref.load %arg1[%get3A_26] : memref<4xf32, #tpu.memory_space<smem>>
    %add3A_28 = arith.addf %reduce_sum3A_25, %get3A_27 : f32
    %slice3A_29 = vector.extract_strided_slice %get3A_2 {offsets = [3, 0, 0], sizes = [1, 32, 16], strides = [1, 1, 1]} : vector<4x32x16xf32> to vector<1x32x16xf32>
    %squeeze3A_30 = vector.shape_cast %slice3A_29 : vector<1x32x16xf32> to vector<32x16xf32>
    %reduce_sum3A_31 = vector.shape_cast %squeeze3A_30 : vector<32x16xf32> to vector<1x32x16xf32>
    %reduce_sum3A_32 = arith.constant dense<0.000000e+00> : vector<1xf32>
    %reduce_sum3A_33 = vector.multi_reduction <add>, %reduce_sum3A_31, %reduce_sum3A_32 [1, 2] : vector<1x32x16xf32> to vector<1xf32>
    %reduce_sum3A_34 = vector.shape_cast %reduce_sum3A_33 : vector<1xf32> to vector<1x1x1xf32>
    %reduce_sum3A_35 = vector.extract %reduce_sum3A_34[0, 0, 0] : f32 from vector<1x1x1xf32>
    %get3A_36 = arith.constant 3 : index
    %get3A_37 = memref.load %arg1[%get3A_36] : memref<4xf32, #tpu.memory_space<smem>>
    %add3A_38 = arith.addf %reduce_sum3A_35, %get3A_37 : f32
    %div3A = arith.divf %add3A, %add3A_18 : f32
    %div3A_39 = arith.divf %add3A_28, %add3A_38 : f32
    %add3A_40 = arith.addf %div3A, %div3A_39 : f32
    %swap3A = arith.constant 0 : index
    %swap3A_41 = memref.load %arg2[%swap3A] : memref<1xf32, #tpu.memory_space<smem>>
    memref.store %add3A_40, %arg2[%swap3A] : memref<1xf32, #tpu.memory_space<smem>>
    return
  }
}

</mosaic_0001>

<sc_bundles>
// kernel: kernel.5.cloned.1.call-start
scs
__scs_entry_jumppad:
0x0: {  	(pc) =	sbr.rel $0x88, $3  }
0x1: {  	(tag) =	ssettag $0x0;
	lr =	simm.s32 $0x1  }
0x2: {  	[smem:$0x3F9A] =	sst lr;
	_ =	strace $0xD0000000  }
0x3: {  	_ = 	snop  }
0x4: {  	_ = 	snop  }
0x5: {  	_ = 	snop  }
0x6: {  	_ = 	snop  }
0x7: {  	_ = 	snop  }
__scs_overlays_trampoline_lowered:
0x8: {  	[smem:$0x3FA9] =	sst s0  }
0x9: {  	[smem:$0x3FAA] =	sst s1  }
0xa: {  	[smem:$0x3FAB] =	sst s2  }
0xb: {  	[smem:$0x3FAC] =	sst s3  }
0xc: {  	[smem:$0x3FAD] =	sst s4  }
0xd: {  	[smem:$0x3FAE] =	sst s5  }
0xe: {  	[smem:$0x3FAF] =	sst s6  }
0xf: {  	[smem:$0x3FB0] =	sst s7  }
0x10: {  	[smem:$0x3FB1] =	sst s8  }
0x11: {  	[smem:$0x3FB2] =	sst s9;
	s0 =	simm.s32 @!p0 $0x0  }
0x12: {  	s1 =	sld [smem:$0x3F98];
	s0 =	simm.s32 @p0 $0x1  }
0x13: {  	[smem:$0x3FB3] =	sst s0;
	s0 =	simm.s32 @!p1 $0x0  }
0x14: {  	s2 =	sld [smem:$0x3F97];
	s0 =	simm.s32 @p1 $0x1  }
0x15: {  	[smem:$0x3FB4] =	sst s0;
	s0 =	simm.s32 @!p2 $0x0  }
0x16: {  	s3 =	sld [smem:$0x3FDB];
	s0 =	simm.s32 @p2 $0x1  }
0x17: {  	s4 =	simm.s32 $0x1BF5;
	[smem:$0x3FB6] =	sst s0  }
0x18: {  	s0 =	sld [smem:$0x3F99];
	_ =	swait.ge [sflag:s4], $0x0  }
0x19: {  	s7 =	sld [smem:$0x3F9A]  }
0x1a: {  	s8 =	sadd.s32 $0xFFFFE003, lr  }
0x1b: {  	s9 =	sadd.s32 $0xFFFFFEF7, lr;
	s5 =	simm.s32 $0xFFFFFFFF;
	p2 =	slt.u32 s8, $0xFFFFF086  }
0x1c: {  	p1 =	slt.u32 s9, $0xF7A;
	s5 =	simm.s32 @!p2 $0x0  }
0x1d: {  	s5 =	simm.s32 @p1 $0x1;
	p0 =	seq.s32 s7, s2  }
0x1e: {  	s7 =	smul.u32 @!p0 $0xF7A, s2;
	p2 =	seq.s32 @!p0 s5, $0x0  }
0x1f: {  	s9 =	smul.u32 $0xF7A, s1;
	s8 =	simm.s32 @!p0 $0x1BF5;
	p2 =	por !p2, p0  }
0x20: {  	[sflag:s8] =	ssyncset.s32 @!p0 $0xFFFFF086;
	s6 =	sadd.s32 @!p0 s3, s7;
	s7 =	simm.s32 @!p0 $0x108  }
0x21: {  	s3 =	sadd.s32 s3, s9;
	s6 =	sadd.s32 @!p0 $0x88, s6;
	s7 =	simm.s32 @p2 $0x1082  }
0x22: {  	[simem:s7], [sflag:s8] =	dma.local @!p0 [hbm:s6], $0xF7A  }
0x23: {  	s9 =	sor.u32 $0xD0000000, s2;
	s6 =	simm.s32 $0x108;
	_ =	swait.ge @!p0 [sflag:s8], $0x0  }
0x24: {  	s3 =	sadd.s32 $0x88, s3;
	s6 =	simm.s32 @!p1 $0x1082;
	[sflag:s4] =	ssyncset.s32 $0xFFFFF086  }
0x25: {  	[simem:s6], [sflag:s4] =	dma.local [hbm:s3], $0xF7A  }
0x26: {  	[smem:$0x3F9A] =	sst s1;
	(tag) =	ssettag s2;
	_ =	strace s9  }
0x27: {  	s1 =	sld [smem:$0x3FAA]  }
0x28: {  	s2 =	sld [smem:$0x3FAB]  }
0x29: {  	s4 =	sld [smem:$0x3FAD]  }
0x2a: {  	p0 =	seq.s32 s5, $0x0;
	s5 =	sld [smem:$0x3FAE]  }
0x2b: {  	s6 =	sld [smem:$0x3FAF]  }
0x2c: {  	s7 =	sld [smem:$0x3FB0]  }
0x2d: {  	s3 =	simm.s32 $0x108;
	s8 =	sld [smem:$0x3FB1]  }
0x2e: {  	s3 =	simm.s32 @!p0 $0x1082;
	s9 =	sld [smem:$0x3FB2]  }
0x2f: {  	lr =	sadd.s32 s0, s3;
	s0 =	sld [smem:$0x3FA9]  }
0x30: {  	s3 =	sld [smem:$0x3FAC]  }
0x31: {  	[smem:$0x3FB5] =	sst s10  }
0x32: {  	s10 =	sld [smem:$0x3FB3];
	_ =	sdelay $0x3  }
0x33: {  	p0 =	seq.s32 s10, $0x1;
	s10 =	sld [smem:$0x3FB5];
	_ =	sdelay $0x3  }
0x34: {  	[smem:$0x3FB5] =	sst s10  }
0x35: {  	s10 =	sld [smem:$0x3FB4];
	_ =	sdelay $0x3  }
0x36: {  	p1 =	seq.s32 s10, $0x1;
	s10 =	sld [smem:$0x3FB5];
	_ =	sdelay $0x3  }
0x37: {  	[smem:$0x3FB5] =	sst s10  }
0x38: {  	s10 =	sld [smem:$0x3FB6]  }
0x39: {  	_ = 	snop;
	(pc) =	sbr.ind lr, $3  }
0x3a: {  	_ = 	snop  }
0x3b: {  	_ = 	snop  }
0x3c: {  	p2 =	seq.s32 s10, $0x1;
	s10 =	sld [smem:$0x3FB5]  }
0x3d: {  	_ =	shalt  }
0x3e: {  	_ =	shalt  }
0x3f: {  	_ =	shalt  }
0x40: {  	_ =	shalt  }
0x41: {  	_ =	shalt  }
0x42: {  	_ =	shalt  }
0x43: {  	_ =	shalt  }
0x44: {  	_ =	shalt  }
0x45: {  	_ =	shalt  }
0x46: {  	_ =	shalt  }
0x47: {  	_ =	shalt  }
0x48: {  	_ =	shalt  }
0x49: {  	_ =	shalt  }
0x4a: {  	_ =	shalt  }
0x4b: {  	_ =	shalt  }
0x4c: {  	_ =	shalt  }
0x4d: {  	_ =	shalt  }
0x4e: {  	_ =	shalt  }
0x4f: {  	_ =	shalt  }
0x50: {  	_ =	shalt  }
0x51: {  	_ =	shalt  }
0x52: {  	_ =	shalt  }
0x53: {  	_ =	shalt  }
0x54: {  	_ =	shalt  }
0x55: {  	_ =	shalt  }
0x56: {  	_ =	shalt  }
0x57: {  	_ =	shalt  }
0x58: {  	_ =	shalt  }
0x59: {  	_ =	shalt  }
0x5a: {  	_ =	shalt  }
0x5b: {  	_ =	shalt  }
0x5c: {  	_ =	shalt  }
0x5d: {  	_ =	shalt  }
0x5e: {  	_ =	shalt  }
0x5f: {  	_ =	shalt  }
0x60: {  	_ =	shalt  }
0x61: {  	_ =	shalt  }
0x62: {  	_ =	shalt  }
0x63: {  	_ =	shalt  }
0x64: {  	_ =	shalt  }
0x65: {  	_ =	shalt  }
0x66: {  	_ =	shalt  }
0x67: {  	_ =	shalt  }
0x68: {  	_ =	shalt  }
0x69: {  	_ =	shalt  }
0x6a: {  	_ =	shalt  }
0x6b: {  	_ =	shalt  }
0x6c: {  	_ =	shalt  }
0x6d: {  	_ =	shalt  }
0x6e: {  	_ =	shalt  }
0x6f: {  	_ =	shalt  }
0x70: {  	_ =	shalt  }
0x71: {  	_ =	shalt  }
0x72: {  	_ =	shalt  }
0x73: {  	_ =	shalt  }
0x74: {  	_ =	shalt  }
0x75: {  	_ =	shalt  }
0x76: {  	_ =	shalt  }
0x77: {  	_ =	shalt  }
0x78: {  	_ =	shalt  }
0x79: {  	_ =	shalt  }
0x7a: {  	_ =	shalt  }
0x7b: {  	_ =	shalt  }
0x7c: {  	_ =	shalt  }
0x7d: {  	_ =	shalt  }
0x7e: {  	_ =	shalt  }
0x7f: {  	_ =	shalt  }
0x80: {  	_ =	shalt  }
0x81: {  	_ =	shalt  }
0x82: {  	_ =	shalt  }
0x83: {  	_ =	shalt  }
0x84: {  	_ =	shalt  }
0x85: {  	_ =	shalt  }
0x86: {  	_ =	shalt  }
0x87: {  	_ =	shalt  }
.Lfunc_end0:
.L_simem_size_0:
called_computation_lowered:
.L_overlay_start_0:
0x88: {  	s2 =	sld [smem:$0x3FD9]  }
0x89: {  	s3 =	sld [smem:$0x3FFE];
	_ =	sdelay $0x1  }
0x8a: {  	s1 =	srdreg.scid  }
0x8b: {  	s0 =	sand.u32 $0x1, s1  }
0x8c: {  	s17 =	sshll.u32 s0, $0xA;
	s2 =	sadd.s32 s3, s2  }
0x8d: {  	s2 =	sadd.s32 s2, s17  }
0x8e: {  	[smem:$0x3FC1] =	sst s2  }
0x8f: {  	_ = 	snop  }
0x90: {  	s2 =	sld [smem:$0x3FC9]  }
0x91: {  	s18 =	sld [smem:$0x3FC8]  }
0x92: {  	s4 =	sld [smem:$0x3FC7]  }
0x93: {  	s5 =	sld [smem:$0x3FD0];
	(tm) =	ssettm $0x1  }
0x94: {  	s6 =	sld [smem:$0x3FFB];
	_ =	sdelay $0x3  }
0x95: {  	_ =	strace s6  }
0x96: {  	s6 =	sld [smem:$0x3FFC];
	_ =	sdelay $0x3  }
0x97: {  	_ =	strace s6  }
0x98: {  	s6 =	sld [smem:$0x3FFD];
	_ =	sdelay $0x3  }
0x99: {  	_ =	strace s6  }
0x9a: {  	_ =	strace $0x8FFFFFFF  }
0x9b: {  	s19 =	sld [smem:$0x3FDB];
	_ =	sdelay $0x1  }
0x9c: {  	s7 =	simm.s32 $_scs_section_size  }
0x9d: {  	s8 =	simm.s32 $_size__tile_overlayer_lowered;
	s9 =	simm.s32 $_tile_overlayer_lowered  }
0x9e: {  	s22 =	simm.s32 $0x1BFF;
	s21 =	sshll.u32 s9, $0x1;
	s6 =	sadd.s32 s7, s19  }
0x9f: {  	s10 =	simm.s32 $0x0;
	s20 =	sshll.u32 s8, $0x1;
	s8 =	sadd.s32 s21, s6  }
0xa0: {  	[timem:s10], [sflag:s22] =	dma.local [hbm:s8], s20  }
0xa1: {  	_ =	swait.ge [sflag:s22], s20  }
0xa2: {  	s7 =	ssub.s32 $0x0, s20;
	[sflag:s22] =	ssyncset.done $0x0  }
0xa3: {  	[sflag:s22] =	ssyncadd.s32 s7;
	_ =	sdelay $0x1  }
0xa4: {  	s23 =	simm.s32 $0x1B8B  }
0xa5: {  	_ =	swait.ge [sflag:s23], $0x1  }
0xa6: {  	[sflag:s23] =	ssyncset.done $0x0  }
0xa7: {  	s25 =	simm.s32 $0x1B8E;
	s24 =	sld [smem:$0x3FFE];
	[sflag:s23] =	ssyncadd.s32 $0xFFFFFFFF  }
0xa8: {  	s26 =	simm.s32 $execute0_lowered;
	[smem:$0x3FD2] =	sst s25  }
0xa9: {  	s8 =	sshll.u32 s26, $0x1;
	_ =	strace $0x80000046;
	[dreg:$0x1] =	wrdreg $0xFFFFFFFF  }
0xaa: {  	s28 =	simm.s32 $_size_execute0_lowered;
	s6 =	sadd.s32 s6, s8;
	[dreg:$0x0] =	wrdreg $0x0  }
0xab: {  	s8 =	sshll.u32 s28, $0x1;
	[dreg:$0x2] =	wrdreg s6  }
0xac: {  	[dreg:$0x3] =	wrdreg s8  }
0xad: {  	[dreg:$0x4] =	wrdreg $0xC0  }
0xae: {  	_ =	task [dreg:s10], $0x5FFFF  }
0xaf: {  	[dreg:$0x1] =	wrdreg $0xFFFFFFFF  }
0xb0: {  	[dreg:$0x0] =	wrdreg $0x60  }
0xb1: {  	[dreg:$0x2] =	wrdreg s2  }
0xb2: {  	[dreg:$0x3] =	wrdreg s18  }
0xb3: {  	[dreg:$0x4] =	wrdreg s4  }
0xb4: {  	[dreg:$0x5] =	wrdreg s5  }
0xb5: {  	[dreg:$0x6] =	wrdreg s24  }
0xb6: {  	[dreg:$0x7] =	wrdreg $0x9  }
0xb7: {  	_ =	task.clear_ibuf [dreg:s10], $0x8FFFF;
	_ =	strace $0x90000046  }
0xb8: {  	s29 =	simm.s32 $0x9;
	_ =	strace $0x80000048  }
0xb9: {  	_ =	swait.ge [sflag:s29], $0x1  }
0xba: {  	[sflag:s29] =	ssyncadd.s32 $0xFFFFFFFF  }
0xbb: {  	_ =	strace $0x90000048  }
0xbc: {  	_ =	sfence  }
0xbd: {  	s30 =	sld [smem:$0x0];
	_ =	sdelay $0x2  }
0xbe: {  	s31 =	sshll.u32 s1, $0xD;
	s1 =	sshrl.u32 s1, $0x2  }
0xbf: {  	s3 =	sand.u32 $0x4000, s31;
	s1 =	sadd.s32 s1, s30  }
0xc0: {  	s0 =	sor.u32 s3, s0;
	s1 =	sshll.u32 s1, $0x11  }
0xc1: {  	s0 =	sor.u32 s1, s0  }
0xc2: {  	s0 =	sadd.s32 $0x8F2B, s0  }
0xc3: {  	[sflag:s0] =	ssyncadd.remote.s32 $0x1  }
0xc4: {  	_ =	sfence.sel $0xFFFF  }
0xc5: {  	[dreg:$0x0] =	wrdreg $0xFFFFFFFF;
	(pc) =	sbr.abs _section_cstart, $3  }
0xc6: {  	[dreg:$0x1] =	wrdreg $0xFFFFFFFF  }
0xc7: {  	_ =	task.clear_ibuf [dreg:s10], $0x2FFFF;
	_ =	strace $0x9FFFFFFF  }
0xc8: {  	(tm) =	ssettm $0x7FFFFFFF  }
0xc9: {  	_ =	shalt  }
tec
execute0_lowered:
.L_overlay_start_1:
0x0: {  	(tag) =	ssettag $0x1  }
0x1: {  	s1 =	srdreg.scid;
	s0 =	stileid.u32  }
0x2: {  	s5 =	sand.u32 $0x1, s1;
	s25 =	sshll.u32 s0, $0x1  }
0x3: {  	s6 =	sor.u32 s5, s25  }
0x4: {  	s3 =	sshll.u32 s6, $0x3  }
0x5: {  	s7 =	rddreg [dreg:$0x1];
	v0 =	vmov s3  }
0x6: {  	s8 =	rddreg [dreg:$0x2];
	s2 =	sor.u32 $0x1, s3;
	v0 =	vbroadcast v0, $0x0  }
0x7: {  	s9 =	rddreg [dreg:$0x4];
	v56 =	vmov s2  }
0x8: {  	s12 =	simm.s32 $0x1;
	s13 =	simm.s32 $0x3000;
	s26 =	sor.u32 $0x2, s3;
	[tilespmem:$0x1FF80] =	vst v0;
	v0 =	vbroadcast v56, $0x0  }
0x9: {  	s14 =	simm.s32 $0x3080;
	s10 =	sshllo.u32 s6, $0x3;
	s4 =	sor.u32 $0x3, s3;
	v57 =	vmov s26  }
0xa: {  	s15 =	simm.s32 $0x7080;
	s16 =	simm.s32 $0x0;
	s28 =	sor.u32 $0x4, s3;
	v63 =	vmov s10;
	v1 =	vmov s4;
	[tilespmem:$0x1FF90] =	vst v0;
	v0 =	vbroadcast v57, $0x0  }
0xb: {  	s5 =	ssub.s32 $0x2, s5;
	s29 =	sor.u32 $0x5, s3;
	s3 =	sor.u32 $0x6, s3;
	v59 =	vmov s28;
	[tilespmem:$0x1FFF0] =	vst v63;
	v58 =	vbroadcast v1, $0x0  }
0xc: {  	s1 =	rddreg [dreg:$0x0];
	s30 =	sshll.u32 s6, $0x4;
	s11 =	sshrl.u32 s5, $0x1;
	v61 =	vmov s3;
	[tilespmem:$0x1FFA0] =	vst v0;
	v0 =	vbroadcast v59, $0x0  }
0xd: {  	s31 =	sshll.u32 s6, $0xB;
	s10 =	sadd.s32 s30, s9;
	s11 =	ssub.s32 s5, s11;
	v60 =	vmov s29;
	v62 =	vbroadcast v61, $0x0;
	[tilespmem:$0x1FFB0] =	vst v58  }
0xe: {  	s5 =	sadd.s32 s7, s31;
	s8 =	sadd.s32 s8, s31;
	s2 =	rddreg [dreg:$0x3];
	[tilespmem:$0x1FFC0] =	vst v0;
	v0 =	vbroadcast v60, $0x0  }
0xf: {  	s3 =	rddreg [dreg:$0x5];
	s4 =	simm.s32 $0x0;
	s6 =	sadd.s32 $0x1400, s10;
	[tilespmem:$0x1FFE0] =	vst v62  }
0x10: {  	s7 =	sadd.s32 $0x1600, s10;
	s9 =	sadd.s32 $0x1800, s10;
	[smem:$0x7FF] =	sst s4;
	[tilespmem:$0x1FFD0] =	vst v0  }
0x11: {  	v27 =	vimm.f32 $1.000000000e+00;
	s10 =	sadd.s32 $0x1A00, s10;
	s11 =	smax.u32 s11, $0x1;
	_ =	strace $0x80000047  }
.LBB2_1:
0x12: {  	[tilespmem:s4], [sflag:$0x1] =	stream.linear.gather [hbm4b:s1+s4], $0x2000, $0x38;
	[tilespmem:$0x7100] =	vst v63  }
0x13: {  	_ =	swait.ge [sflag:s12], $0x2000  }
0x14: {  	[sflag:s12] =	ssyncset.done $0x0  }
0x15: {  	v0 =	vimm.s32 $0x4;
	[sflag:s12] =	ssyncadd.s32 $0xFFFFE000  }
0x16: {  	[tilespmem:s13], [sflag:$0x1] =	stream.linear.gather [hbm4b:s2+s4], $0x80, $0x38;
	[tilespmem:$0x7100] =	vst v63  }
0x17: {  	_ =	swait.ge [sflag:s12], $0x80  }
0x18: {  	[sflag:s12] =	ssyncset.done $0x0  }
0x19: {  	[sflag:s12] =	ssyncadd.s32 $0xFFFFFF80  }
0x1a: {  	v10 =	vld.idx.msk [tilespmem:v0+s13+$0x0], $0xffff;
	v0 =	vimm.s32 $0x5;
	_ =	sdelay $0x4  }
0x1b: {  	v12 =	vld.idx.msk [tilespmem:v0+s13+$0x0], $0xffff;
	v0 =	vimm.s32 $0x1;
	_ =	sdelay $0x2  }
0x1c: {  	v2 =	vimm.s32 $0xE;
	_ =	sdelay $0x1  }
0x1d: {  	v13 =	vld.idx.msk [tilespmem:v0+s13+$0x0], $0xffff;
	v0 =	vimm.s32 $0x6;
	_ =	sdelay $0x2  }
0x1e: {  	v3 =	vld.idx.msk [tilespmem:v2+s13+$0x0], $0xffff;
	v2 =	vimm.s32 $0xA;
	_ =	sdelay $0x1  }
0x1f: {  	v14 =	vld.idx.msk [tilespmem:v0+s13+$0x0], $0xffff;
	v0 =	vimm.s32 $0x2;
	_ =	sdelay $0x2  }
0x20: {  	v6 =	vld.idx.msk [tilespmem:v2+s13+$0x0], $0xffff;
	v2 =	vimm.s32 $0xF  }
0x21: {  	v11 =	vld.msk [tilespmem:s13+$0x0], $0xffff  }
0x22: {  	v15 =	vld.idx.msk [tilespmem:v0+s13+$0x0], $0xffff;
	v0 =	vimm.s32 $0x7;
	_ =	sdelay $0x1  }
0x23: {  	v1 =	vimm.s32 $0x8  }
0x24: {  	v7 =	vld.idx.msk [tilespmem:v2+s13+$0x0], $0xffff;
	v2 =	vimm.s32 $0xB  }
0x25: {  	v10 =	vsub.f32 v10, v11;
	v11 =	vsub.f32 v12, v13;
	v12 =	vimm.s32 $0x13  }
0x26: {  	v16 =	vld.idx.msk [tilespmem:v0+s13+$0x0], $0xffff;
	v0 =	vimm.s32 $0x3  }
0x27: {  	v13 =	vsub.f32 v14, v15;
	v14 =	vimm.s32 $0x12  }
0x28: {  	v4 =	vimm.s32 $0xC;
	v1 =	vld.idx.msk [tilespmem:v1+s13+$0x0], $0xffff  }
0x29: {  	v5 =	vimm.s32 $0x11;
	v9 =	vld.idx.msk [tilespmem:v2+s13+$0x0], $0xffff  }
0x2a: {  	v8 =	vimm.s32 $0xD;
	v12 =	vld.idx.msk [tilespmem:v12+s13+$0x0], $0xffff  }
0x2b: {  	v2 =	vimm.s32 $0x10;
	v17 =	vld.idx.msk [tilespmem:v0+s13+$0x0], $0xffff  }
0x2c: {  	v0 =	vimm.s32 $0x9;
	v14 =	vld.idx.msk [tilespmem:v14+s13+$0x0], $0xffff  }
0x2d: {  	v4 =	vld.idx.msk [tilespmem:v4+s13+$0x0], $0xffff  }
0x2e: {  	v5 =	vld.idx.msk [tilespmem:v5+s13+$0x0], $0xffff  }
0x2f: {  	v8 =	vld.idx.msk [tilespmem:v8+s13+$0x0], $0xffff  }
0x30: {  	s17 =	sand.u32 $0x70, s4;
	s18 =	sand.u32 $0x1E00, s4;
	s19 =	simm.s32 $0x0;
	v2 =	vld.idx.msk [tilespmem:v2+s13+$0x0], $0xffff;
	[tilespmem:$0x1FF60] =	vst v12  }
0x31: {  	s20 =	sor.u32 s17, s18;
	s17 =	simm.s32 $0x10;
	s18 =	simm.s32 $0x0;
	v0 =	vld.idx.msk [tilespmem:v0+s13+$0x0], $0xffff;
	v12 =	vsub.f32 v16, v17;
	[tilespmem:$0x1FF70] =	vst v14  }
.LBB2_2:
0x32: {  	p0 =	sne.s32 s17, $0x7F0;
	v14 =	vld [tilespmem:s20+$0x0]  }
0x33: {  	v15 =	vld [tilespmem:s20+$0x80];
	_ =	sdelay $0x1  }
0x34: {  	v16 =	vld [tilespmem:s20+$0x100];
	_ =	sdelay $0x1  }
0x35: {  	v17 =	vld [tilespmem:s20+$0x180]  }
0x36: {  	v14 =	vmul.f32 v14, v10;
	v15 =	vmul.f32 v15, v11;
	_ =	sdelay $0x1  }
0x37: {  	v14 =	vadd.f32 v15, v14;
	v15 =	vmul.f32 v16, v13;
	_ =	sdelay $0x1  }
.Ltmp0:
0x38: {  	v14 =	vadd.f32 v15, v14;
	v15 =	vmul.f32 v17, v12;
	(pc) =	sbr.rel @p0 .LBB2_2-.Ltmp0, $4  }
0x39: {  	_ = 	snop  }
0x3a: {  	s19 =	sadd.s32 $0x40, s19;
	v14 =	vadd.f32 v15, v14  }
0x3b: {  	s18 =	sshra.s32 s18, $0x2;
	s21 =	sand.u32 $0x1E00, s19;
	s20 =	sand.u32 $0x70, s17  }
0x3c: {  	s17 =	sadd.s32 $0x10, s17;
	s20 =	sor.u32 s20, s21;
	[tilespmem:s18+$0x2000] =	vst v14;
	s18 =	smov.u32 s19  }
0x3d: {  	v14 =	vld [tilespmem:s20+$0x0]  }
0x3e: {  	v15 =	vld [tilespmem:s20+$0x80];
	_ =	sdelay $0x1  }
0x3f: {  	v16 =	vld [tilespmem:s20+$0x100];
	_ =	sdelay $0x1  }
0x40: {  	v17 =	vld [tilespmem:s20+$0x180]  }
0x41: {  	v10 =	vmul.f32 v14, v10;
	v11 =	vmul.f32 v15, v11;
	_ =	sdelay $0x1  }
0x42: {  	v62 =	vmul.f32 v16, v13;
	v10 =	vadd.f32 v11, v10;
	_ =	sdelay $0x1  }
0x43: {  	v63 =	vmul.f32 v17, v12;
	v10 =	vadd.f32 v62, v10;
	_ =	sdelay $0x1  }
0x44: {  	s17 =	simm.s32 $0x0;
	v10 =	vadd.f32 v63, v10  }
0x45: {  	s18 =	sshra.s32 s18, $0x2;
	v3 =	vsub.f32 v3, v6;
	v6 =	vsub.f32 v7, v9;
	s19 =	sand.u32 $0x70, s17;
	s31 =	sand.u32 $0x1E00, s17  }
0x46: {  	v4 =	vsub.f32 v2, v4;
	v2 =	vsub.f32 v5, v8;
	s20 =	sor.u32 s19, s31;
	s19 =	simm.s32 $0x10;
	[tilespmem:s18+$0x2000] =	vst v10;
	s18 =	simm.s32 $0x0  }
.LBB2_4:
0x47: {  	p0 =	sne.s32 s19, $0x7F0;
	v5 =	vld [tilespmem:s20+$0x0]  }
0x48: {  	v7 =	vld [tilespmem:s20+$0x80];
	_ =	sdelay $0x1  }
0x49: {  	v8 =	vld [tilespmem:s20+$0x100];
	_ =	sdelay $0x1  }
0x4a: {  	v9 =	vld [tilespmem:s20+$0x180]  }
0x4b: {  	v5 =	vmul.f32 v5, v3;
	v7 =	vmul.f32 v7, v6;
	_ =	sdelay $0x1  }
0x4c: {  	v5 =	vadd.f32 v7, v5;
	v7 =	vmul.f32 v8, v4;
	_ =	sdelay $0x1  }
.Ltmp1:
0x4d: {  	v5 =	vadd.f32 v7, v5;
	v7 =	vmul.f32 v9, v2;
	(pc) =	sbr.rel @p0 .LBB2_4-.Ltmp1, $4  }
0x4e: {  	_ = 	snop  }
0x4f: {  	s17 =	sadd.s32 $0x40, s17;
	v5 =	vadd.f32 v7, v5  }
0x50: {  	s18 =	sshra.s32 s18, $0x2;
	s21 =	sand.u32 $0x1E00, s17;
	s20 =	sand.u32 $0x70, s19  }
0x51: {  	s19 =	sadd.s32 $0x10, s19;
	s20 =	sor.u32 s20, s21;
	[tilespmem:s18+$0x2800] =	vst v5;
	s18 =	smov.u32 s17  }
0x52: {  	v5 =	vld [tilespmem:s20+$0x0]  }
0x53: {  	v7 =	vld [tilespmem:s20+$0x80];
	_ =	sdelay $0x1  }
0x54: {  	v8 =	vld [tilespmem:s20+$0x100];
	_ =	sdelay $0x1  }
0x55: {  	v9 =	vld [tilespmem:s20+$0x180]  }
0x56: {  	v3 =	vmul.f32 v5, v3;
	v5 =	vmul.f32 v7, v6;
	_ =	sdelay $0x1  }
0x57: {  	v4 =	vmul.f32 v8, v4;
	v3 =	vadd.f32 v5, v3;
	_ =	sdelay $0x1  }
0x58: {  	v2 =	vmul.f32 v9, v2;
	v3 =	vadd.f32 v4, v3;
	_ =	sdelay $0x1  }
0x59: {  	v2 =	vadd.f32 v2, v3  }
0x5a: {  	s17 =	sshra.s32 s18, $0x2  }
0x5b: {  	[tilespmem:s17+$0x2800] =	vst v2;
	s17 =	simm.s32 $0x0  }
0x5c: {  	[tilespmem:s14], [sflag:$0x1] =	stream.linear.gather [hbm4b:s5+s17], $0x4000, $0x38;
	[tilespmem:$0x7100] =	vst v63  }
0x5d: {  	_ =	swait.ge [sflag:s12], $0x4000  }
0x5e: {  	v2 =	vld [tilespmem:$0x1FF80]  }
0x5f: {  	v3 =	vld [tilespmem:$0x1FF90]  }
0x60: {  	v4 =	vld [tilespmem:$0x1FFA0]  }
0x61: {  	v5 =	vld [tilespmem:$0x1FFB0]  }
0x62: {  	v6 =	vld [tilespmem:$0x1FFC0]  }
0x63: {  	v7 =	vld [tilespmem:$0x1FFD0]  }
0x64: {  	[sflag:s12] =	ssyncset.done $0x0;
	v8 =	vld [tilespmem:$0x1FFE0]  }
0x65: {  	s22 =	simm.s32 $0x2000;
	v0 =	vsub.f32 v0, v1;
	v1 =	vld [tilespmem:$0x1FFF0];
	[sflag:s12] =	ssyncadd.s32 $0xFFFFC000  }
0x66: {  	v9 =	vld [tilespmem:s22+$0x0]  }
0x67: {  	v2 =	vld.idx.msk [tilespmem:v2+s22+$0x0], $0xffff  }
0x68: {  	v3 =	vld.idx.msk [tilespmem:v3+s22+$0x0], $0xffff  }
0x69: {  	v4 =	vld.idx.msk [tilespmem:v4+s22+$0x0], $0xffff  }
0x6a: {  	v5 =	vld.idx.msk [tilespmem:v5+s22+$0x0], $0xffff  }
0x6b: {  	v6 =	vld.idx.msk [tilespmem:v6+s22+$0x0], $0xffff  }
0x6c: {  	s23 =	sand.u32 $0x60, s17;
	s19 =	sand.u32 $0x3C00, s17;
	v7 =	vld.idx.msk [tilespmem:v7+s22+$0x0], $0xffff  }
0x6d: {  	s19 =	sadd.s32 $0x3080, s19;
	s24 =	sor.u32 $0x10, s23;
	v8 =	vld.idx.msk [tilespmem:v8+s22+$0x0], $0xffff  }
0x6e: {  	s21 =	sor.u32 s24, s19;
	v1 =	vld.idx.msk [tilespmem:v1+s22+$0x0], $0xffff  }
0x6f: {  	v15 =	vld [tilespmem:s21+$0x200];
	v33 =	vadd.f32 v2, v0  }
0x70: {  	s18 =	sor.u32 s23, s19;
	v18 =	vld [tilespmem:s21+$0x280];
	v34 =	vadd.f32 v3, v0;
	v35 =	vadd.f32 v4, v0  }
0x71: {  	v21 =	vld [tilespmem:s18+$0x0];
	v36 =	vadd.f32 v5, v0;
	v37 =	vadd.f32 v6, v0  }
0x72: {  	v25 =	vld [tilespmem:s18+$0x80];
	v38 =	vadd.f32 v7, v0;
	v39 =	vadd.f32 v8, v0  }
0x73: {  	v30 =	vld [tilespmem:s18+$0x100];
	v40 =	vadd.f32 v1, v0;
	v0 =	vsub.f32 v33, v9  }
0x74: {  	vm3 =	veq.s32 v15, $0x0;
	v1 =	vsub.f32 v34, v9;
	v2 =	vsub.f32 v35, v9  }
0x75: {  	vm0 =	veq.s32 v18, $0x0;
	v18 =	vld [tilespmem:s18+$0x280];
	v4 =	vsub.f32 v36, v9;
	v7 =	vsub.f32 v37, v9  }
0x76: {  	vm6 =	veq.s32 v21, $0x0;
	v8 =	vsub.f32 v38, v9;
	v10 =	vsub.f32 v39, v9  }
0x77: {  	vm9 =	veq.s32 v25, $0x0;
	v12 =	vsub.f32 v40, v9;
	v11 =	vsub.f32 $0.0e+00, v0  }
0x78: {  	vm1 =	veq.s32 v30, $0x0;
	v3 =	vld [tilespmem:s21+$0x0];
	v13 =	vsub.f32 $0.0e+00, v1;
	v14 =	vsub.f32 $0.0e+00, v2  }
0x79: {  	v54 =	vsel vm0, $0x3E4CCCCD, v27;
	v5 =	vld [tilespmem:s21+$0x80];
	v16 =	vsub.f32 $0.0e+00, v4;
	v17 =	vsub.f32 $0.0e+00, v7  }
0x7a: {  	vm5 =	veq.s32 v18, $0x0;
	v19 =	vsub.f32 $0.0e+00, v8;
	v20 =	vsub.f32 $0.0e+00, v10  }
0x7b: {  	v6 =	vld [tilespmem:s21+$0x100];
	v22 =	vand.u32 $0x7FFFFFFF, v0;
	v23 =	vand.u32 $0x7FFFFFFF, v1;
	v24 =	vsub.f32 $0.0e+00, v12  }
0x7c: {  	v26 =	vand.u32 $0x7FFFFFFF, v2;
	v28 =	vand.u32 $0x7FFFFFFF, v4;
	v29 =	vand.u32 $0x7FFFFFFF, v7  }
0x7d: {  	s25 =	sand.u32 $0x780, s17;
	v9 =	vld [tilespmem:s21+$0x180];
	v31 =	vand.u32 $0x7FFFFFFF, v8;
	v32 =	vand.u32 $0x7FFFFFFF, v10;
	vm15 =	veq.s32 v3, $0x0  }
0x7e: {  	s19 =	sor.u32 s24, s25;
	vm13 =	veq.s32 v5, $0x0;
	v22 =	vsub.f32 $0.0e+00, v22;
	v15 =	vsub.f32 $0.0e+00, v23  }
0x7f: {  	v3 =	vld [tilespmem:s19+$0x2000];
	v5 =	vand.u32 $0x7FFFFFFF, v12;
	v23 =	vsub.f32 $0.0e+00, v26;
	v21 =	vsub.f32 $0.0e+00, v28  }
0x80: {  	vm11 =	veq.s32 v6, $0x0;
	v6 =	vld [tilespmem:s18+$0x180];
	v26 =	vsub.f32 $0.0e+00, v29;
	v25 =	vsub.f32 $0.0e+00, v31  }
0x81: {  	s26 =	sand.u32 $0x3, s17;
	v28 =	vsub.f32 $0.0e+00, v32;
	v29 =	vsub.f32 $0.0e+00, v5;
	v11 =	vsel vm6, v0, v11  }
0x82: {  	s28 =	sshll.u32 s26, $0x5;
	v60 =	vsel vm9, v1, v13;
	v0 =	vsel vm5, v8, v19;
	vm12 =	veq.s32 v9, $0x0  }
0x83: {  	v9 =	vld [tilespmem:s18+$0x200];
	s18 =	sadd.s32 $0x0, s28;
	v11 =	vmax.f32 v11, $0.0e+00;
	v19 =	vmul.f32 $1.442695020e+00, v26;
	v62 =	vmax.f32 v60, $0.0e+00  }
0x84: {  	v0 =	vmax.f32 v0, $0.0e+00;
	s29 =	sor.u32 $0x300, s18;
	s30 =	sor.u32 $0x380, s18;
	s18 =	sadd.s32 $0x10, s18;
	v30 =	vsub.f32 v33, v3;
	v56 =	vsub.f32 v34, v3  }
0x85: {  	v31 =	vld [tilespmem:s29+$0x3080];
	s31 =	sor.u32 $0x300, s18;
	vm2 =	veq.s32 v6, $0x0;
	v57 =	vsub.f32 v35, v3;
	v58 =	vsub.f32 v36, v3  }
0x86: {  	s18 =	sor.u32 $0x380, s18;
	v18 =	vld [tilespmem:s31+$0x3080];
	v59 =	vsub.f32 v37, v3;
	v6 =	vsel vm1, v2, v14;
	v14 =	vsub.f32 v38, v3  }
0x87: {  	v1 =	vld [tilespmem:s18+$0x3080];
	v61 =	vsub.f32 v40, v3;
	v5 =	vsel vm2, v4, v16;
	v4 =	vsub.f32 v39, v3  }
0x88: {  	v16 =	vmul.f32 $1.442695020e+00, v21;
	v21 =	vmul.f32 $1.442695020e+00, v25;
	v6 =	vmax.f32 v6, $0.0e+00  }
0x89: {  	vm4 =	veq.s32 v9, $0x0;
	v9 =	vld [tilespmem:s30+$0x3080];
	v3 =	vsub.f32 $0.0e+00, v30;
	v13 =	vsub.f32 $0.0e+00, v58  }
0x8a: {  	v5 =	vmax.f32 v5, $0.0e+00;
	v2 =	vsel vm4, v7, v17;
	v7 =	vsub.f32 $0.0e+00, v57  }
0x8b: {  	v17 =	vsub.f32 $0.0e+00, v59;
	vm14 =	veq.s32 v31, $0x0;
	v13 =	vsel vm12, v58, v13  }
0x8c: {  	v2 =	vmax.f32 v2, $0.0e+00;
	vm7 =	veq.s32 v18, $0x0;
	vm8 =	veq.s32 v1, $0x0  }
0x8d: {  	v1 =	vsub.f32 $0.0e+00, v56;
	v18 =	vsub.f32 $0.0e+00, v14;
	v13 =	vmax.f32 v13, $0.0e+00  }
0x8e: {  	vm10 =	veq.s32 v9, $0x0;
	v9 =	vsel vm14, v10, v20;
	v10 =	vmul.f32 $1.442695020e+00, v22  }
0x8f: {  	v20 =	vsub.f32 $0.0e+00, v4;
	v22 =	vsub.f32 $0.0e+00, v61;
	v8 =	vsel vm10, v12, v24  }
0x90: {  	v12 =	vmul.f32 $1.442695020e+00, v15;
	v15 =	vmul.f32 $1.442695020e+00, v23;
	v23 =	vand.u32 $0x7FFFFFFF, v30  }
0x91: {  	v24 =	vand.u32 $0x7FFFFFFF, v57;
	v9 =	vmax.f32 v9, $0.0e+00;
	v55 =	vsel vm10, $0x3E4CCCCD, v27  }
0x92: {  	(erf) = vpow2.f32 v10;
	v10 =	vmul.f32 $1.442695020e+00, v28;
	v23 =	vsub.f32 $0.0e+00, v23  }
0x93: {  	v24 =	vsub.f32 $0.0e+00, v24;
	(erf) = vpow2.f32 v12;
	v12 =	vmul.f32 $1.442695020e+00, v29  }
0x94: {  	v8 =	vmax.f32 v8, $0.0e+00;
	(erf) = vpow2.f32 v15;
	v23 =	vmul.f32 $1.442695020e+00, v23  }
0x95: {  	v15 =	vand.u32 $0x7FFFFFFF, v56;
	v24 =	vmul.f32 $1.442695020e+00, v24;
	(erf) = vpow2.f32 v16  }
0x96: {  	v16 =	vand.u32 $0x7FFFFFFF, v58;
	v15 =	vsub.f32 $0.0e+00, v15;
	v58 =	vsel vm8, $0x3E4CCCCD, v27  }
0x97: {  	(erf) = vpow2.f32 v19;
	v19 =	vand.u32 $0x7FFFFFFF, v59;
	v16 =	vsub.f32 $0.0e+00, v16  }
0x98: {  	(erf) = vpow2.f32 v21;
	v21 =	vand.u32 $0x7FFFFFFF, v14;
	v15 =	vmul.f32 $1.442695020e+00, v15  }
0x99: {  	v19 =	vsub.f32 $0.0e+00, v19;
	(erf) = vpow2.f32 v10;
	v10 =	vand.u32 $0x7FFFFFFF, v4  }
0x9a: {  	v16 =	vmul.f32 $1.442695020e+00, v16;
	v21 =	vsub.f32 $0.0e+00, v21;
	(erf) = vpow2.f32 v12  }
0x9b: {  	v12 =	vand.u32 $0x7FFFFFFF, v61;
	v19 =	vmul.f32 $1.442695020e+00, v19;
	v10 =	vsub.f32 $0.0e+00, v10  }
0x9c: {  	(erf) = vpow2.f32 v23;
	v21 =	vmul.f32 $1.442695020e+00, v21;
	v12 =	vsub.f32 $0.0e+00, v12  }
0x9d: {  	(erf) = vpow2.f32 v15;
	v15 =	vsel vm15, v30, v3;
	v3 =	vmul.f32 $1.442695020e+00, v10  }
0x9e: {  	v10 =	vsel vm0, v14, v18;
	(erf) = vpow2.f32 v24;
	v24 =	vmul.f32 $1.442695020e+00, v12  }
0x9f: {  	v23 =	vpop (erf);
	v12 =	vsel vm11, v57, v7;
	v15 =	vmax.f32 v15, $0.0e+00;
	(erf) = vpow2.f32 v16  }
0xa0: {  	v10 =	vmax.f32 v10, $0.0e+00;
	v16 =	vsel vm13, v56, v1;
	(erf) = vpow2.f32 v19;
	v19 =	vpop (erf)  }
0xa1: {  	v1 =	vmul.f32 $5.486231300e-02, v23;
	v12 =	vmax.f32 v12, $0.0e+00;
	v25 =	vpop (erf);
	(erf) = vpow2.f32 v21  }
0xa2: {  	v56 =	vsel vm14, $0x3E4CCCCD, v27;
	v7 =	vmul.f32 $5.486231300e-02, v19;
	(erf) = vpow2.f32 v3  }
0xa3: {  	v3 =	vsub.f32 $2.164085810e-01, v1;
	v21 =	vpop (erf);
	v1 =	vsel vm3, v59, v17;
	v17 =	vmul.f32 $5.486231300e-02, v25  }
0xa4: {  	v16 =	vmax.f32 v16, $0.0e+00;
	v7 =	vsub.f32 $2.164085810e-01, v7;
	v14 =	vmul.f32 $5.486231300e-02, v21  }
0xa5: {  	(erf) = vpow2.f32 v24;
	v24 =	vpop (erf);
	v18 =	vmul.f32 v3, v23;
	v17 =	vsub.f32 $2.164085810e-01, v17  }
0xa6: {  	v3 =	vsel vm7, v4, v20;
	v20 =	vmul.f32 $5.486231300e-02, v24;
	v26 =	vpop (erf);
	v4 =	vsel vm8, v61, v22  }
0xa7: {  	v7 =	vmul.f32 v7, v19;
	v14 =	vsub.f32 $2.164085810e-01, v14;
	v22 =	vpop (erf);
	v28 =	vmul.f32 $5.486231300e-02, v26  }
0xa8: {  	v18 =	vadd.f32 $-4.640707080e-01, v18;
	v17 =	vmul.f32 v17, v25;
	v30 =	vmul.f32 $5.486231300e-02, v22  }
0xa9: {  	v29 =	vpop (erf);
	v20 =	vsub.f32 $2.164085810e-01, v20;
	v7 =	vadd.f32 $-4.640707080e-01, v7;
	v14 =	vmul.f32 v14, v21  }
0xaa: {  	v31 =	vmul.f32 $5.486231300e-02, v29;
	v28 =	vsub.f32 $2.164085810e-01, v28;
	v18 =	vmul.f32 v18, v23  }
0xab: {  	v17 =	vadd.f32 $-4.640707080e-01, v17;
	v20 =	vmul.f32 v20, v24;
	v30 =	vsub.f32 $2.164085810e-01, v30  }
0xac: {  	v7 =	vmul.f32 v7, v19;
	v14 =	vadd.f32 $-4.640707080e-01, v14;
	v28 =	vmul.f32 v28, v26  }
0xad: {  	v31 =	vsub.f32 $2.164085810e-01, v31;
	v18 =	vadd.f32 $9.954266540e-01, v18;
	v17 =	vmul.f32 v17, v25  }
0xae: {  	v20 =	vadd.f32 $-4.640707080e-01, v20;
	v30 =	vmul.f32 v30, v22;
	v7 =	vadd.f32 $9.954266540e-01, v7  }
0xaf: {  	v14 =	vmul.f32 v14, v21;
	v28 =	vadd.f32 $-4.640707080e-01, v28;
	v31 =	vmul.f32 v31, v29  }
0xb0: {  	v18 =	vmul.f32 v18, v23;
	v23 =	vpop (erf);
	v17 =	vadd.f32 $9.954266540e-01, v17;
	v20 =	vmul.f32 v20, v24  }
0xb1: {  	v30 =	vadd.f32 $-4.640707080e-01, v30;
	v7 =	vmul.f32 v7, v19;
	v19 =	vmul.f32 $5.486231300e-02, v23  }
0xb2: {  	v14 =	vadd.f32 $9.954266540e-01, v14;
	v28 =	vmul.f32 v28, v26;
	v31 =	vadd.f32 $-4.640707080e-01, v31  }
0xb3: {  	v17 =	vmul.f32 v17, v25;
	v20 =	vadd.f32 $9.954266540e-01, v20;
	v30 =	vmul.f32 v30, v22  }
0xb4: {  	v25 =	vpop (erf);
	v18 =	vadd.f32 $1.415801820e-04, v18;
	v14 =	vmul.f32 v14, v21;
	v19 =	vsub.f32 $2.164085810e-01, v19  }
0xb5: {  	v21 =	vmul.f32 $5.486231300e-02, v25;
	v28 =	vadd.f32 $9.954266540e-01, v28;
	v7 =	vadd.f32 $1.415801820e-04, v7  }
0xb6: {  	v31 =	vmul.f32 v31, v29;
	v30 =	vadd.f32 $9.954266540e-01, v30;
	v17 =	vadd.f32 $1.415801820e-04, v17  }
0xb7: {  	v20 =	vmul.f32 v20, v24;
	v11 =	vadd.f32 v18, v11;
	v21 =	vsub.f32 $2.164085810e-01, v21  }
0xb8: {  	v24 =	vpop (erf);
	v19 =	vmul.f32 v19, v23;
	v26 =	vmul.f32 v28, v26;
	v31 =	vadd.f32 $9.954266540e-01, v31  }
0xb9: {  	v28 =	vmul.f32 $5.486231300e-02, v24;
	v7 =	vadd.f32 v7, v62;
	v14 =	vadd.f32 $1.415801820e-04, v14  }
0xba: {  	v6 =	vadd.f32 v17, v6;
	v20 =	vadd.f32 $1.415801820e-04, v20;
	v21 =	vmul.f32 v21, v25  }
0xbb: {  	v22 =	vmul.f32 v30, v22;
	v19 =	vadd.f32 $-4.640707080e-01, v19;
	v28 =	vsub.f32 $2.164085810e-01, v28  }
0xbc: {  	v29 =	vmul.f32 v31, v29;
	v5 =	vadd.f32 v14, v5;
	v30 =	vpop (erf);
	v21 =	vadd.f32 $-4.640707080e-01, v21  }
0xbd: {  	v26 =	vadd.f32 $1.415801820e-04, v26;
	v31 =	vmul.f32 $5.486231300e-02, v30;
	v28 =	vmul.f32 v28, v24  }
0xbe: {  	v2 =	vadd.f32 v20, v2;
	v19 =	vmul.f32 v19, v23;
	v21 =	vmul.f32 v21, v25  }
0xbf: {  	v1 =	vmax.f32 v1, $0.0e+00;
	v31 =	vsub.f32 $2.164085810e-01, v31;
	v28 =	vadd.f32 $-4.640707080e-01, v28  }
0xc0: {  	v61 =	vsel vm7, $0x3E4CCCCD, v27;
	v19 =	vadd.f32 $9.954266540e-01, v19;
	v21 =	vadd.f32 $9.954266540e-01, v21  }
0xc1: {  	v22 =	vadd.f32 $1.415801820e-04, v22;
	v28 =	vmul.f32 v28, v24;
	v31 =	vmul.f32 v31, v30  }
0xc2: {  	v26 =	vadd.f32 v26, v0;
	v19 =	vmul.f32 v19, v23;
	v23 =	vpop (erf);
	v21 =	vmul.f32 v21, v25  }
0xc3: {  	v18 =	vpop (erf);
	v25 =	vmul.f32 $5.486231300e-02, v23;
	v28 =	vadd.f32 $9.954266540e-01, v28;
	v31 =	vadd.f32 $-4.640707080e-01, v31  }
0xc4: {  	v9 =	vadd.f32 v22, v9;
	v63 =	vmul.f32 $5.486231300e-02, v18;
	v17 =	vpop (erf);
	v19 =	vadd.f32 $1.415801820e-04, v19  }
0xc5: {  	v14 =	vmul.f32 $5.486231300e-02, v17;
	v25 =	vsub.f32 $2.164085810e-01, v25;
	v31 =	vmul.f32 v31, v30  }
0xc6: {  	v24 =	vmul.f32 v28, v24;
	v32 =	vsub.f32 $2.164085810e-01, v63;
	v15 =	vadd.f32 v19, v15  }
0xc7: {  	v14 =	vsub.f32 $2.164085810e-01, v14;
	v25 =	vmul.f32 v25, v23;
	v28 =	vpop (erf);
	v31 =	vadd.f32 $9.954266540e-01, v31  }
0xc8: {  	v32 =	vmul.f32 v32, v18;
	v22 =	vadd.f32 $1.415801820e-04, v24;
	v20 =	vmul.f32 $5.486231300e-02, v28  }
0xc9: {  	v14 =	vmul.f32 v14, v17;
	v25 =	vadd.f32 $-4.640707080e-01, v25;
	v30 =	vmul.f32 v31, v30  }
0xca: {  	v19 =	vsel vm11, $0x3E4CCCCD, v27;
	v32 =	vadd.f32 $-4.640707080e-01, v32;
	v20 =	vsub.f32 $2.164085810e-01, v20  }
0xcb: {  	v0 =	vadd.f32 $-4.640707080e-01, v14;
	v25 =	vmul.f32 v25, v23;
	v24 =	vadd.f32 $1.415801820e-04, v30  }
0xcc: {  	v12 =	vadd.f32 v22, v12;
	v22 =	vsel vm3, $0x3E4CCCCD, v27;
	v20 =	vmul.f32 v20, v28  }
0xcd: {  	v0 =	vmul.f32 v0, v17;
	v25 =	vadd.f32 $9.954266540e-01, v25;
	v13 =	vadd.f32 v24, v13  }
0xce: {  	v24 =	vsel vm6, $0x3E4CCCCD, v27;
	v14 =	vadd.f32 $-4.640707080e-01, v20;
	v20 =	vmul.f32 v32, v18  }
0xcf: {  	v0 =	vadd.f32 $9.954266540e-01, v0;
	v11 =	vmul.f32 v11, v24;
	v23 =	vmul.f32 v25, v23  }
0xd0: {  	v25 =	vmul.f32 v14, v28;
	v20 =	vadd.f32 $9.954266540e-01, v20;
	v14 =	vadd.f32 $1.415801820e-04, v29  }
0xd1: {  	v0 =	vmul.f32 v0, v17;
	v17 =	vsel vm15, $0x3E4CCCCD, v27;
	v23 =	vadd.f32 $1.415801820e-04, v23  }
0xd2: {  	v14 =	vadd.f32 v14, v8;
	v8 =	vmul.f32 v20, v18;
	v18 =	vadd.f32 $9.954266540e-01, v25  }
0xd3: {  	v20 =	vadd.f32 $1.415801820e-04, v21;
	v21 =	vsel vm13, $0x3E4CCCCD, v27;
	v25 =	vimm.f32 $0.0e+00  }
0xd4: {  	v0 =	vadd.f32 $1.415801820e-04, v0;
	v23 =	vadd.f32 v23, v1;
	v1 =	vmax.f32 v3, $0.0e+00  }
0xd5: {  	v3 =	vmax.f32 v4, $0.0e+00;
	v4 =	vadd.f32 v11, v25;
	v11 =	vmul.f32 v15, v17  }
0xd6: {  	v15 =	vadd.f32 v24, v25;
	v18 =	vmul.f32 v18, v28;
	v16 =	vadd.f32 v20, v16  }
0xd7: {  	v20 =	vsel vm12, $0x3E4CCCCD, v27;
	v8 =	vadd.f32 $1.415801820e-04, v8;
	v1 =	vadd.f32 v0, v1  }
0xd8: {  	v24 =	vadd.f32 v11, v4;
	v4 =	vsel vm2, $0x3E4CCCCD, v27;
	v17 =	vadd.f32 v17, v15  }
0xd9: {  	v15 =	vsel vm4, $0x3E4CCCCD, v27;
	v8 =	vadd.f32 v8, v10;
	v10 =	vsel vm9, $0x3E4CCCCD, v27  }
0xda: {  	v18 =	vadd.f32 $1.415801820e-04, v18;
	v11 =	vmul.f32 v16, v21;
	v7 =	vmul.f32 v7, v10  }
0xdb: {  	v5 =	vmul.f32 v5, v4;
	v4 =	vadd.f32 v4, v25;
	v2 =	vmul.f32 v2, v15  }
0xdc: {  	v0 =	vadd.f32 v18, v3;
	v3 =	vsel vm1, $0x3E4CCCCD, v27;
	v7 =	vadd.f32 v7, v25  }
0xdd: {  	v10 =	vadd.f32 v10, v25;
	v5 =	vadd.f32 v5, v25;
	v6 =	vmul.f32 v6, v3  }
0xde: {  	[tilespmem:$0x1FEE0] =	vst v33;
	v3 =	vadd.f32 v3, v25;
	v28 =	vadd.f32 v11, v7;
	v7 =	vsel vm5, $0x3E4CCCCD, v27  }
0xdf: {  	[tilespmem:$0x1FEF0] =	vst v34;
	v6 =	vadd.f32 v6, v25;
	v11 =	vmul.f32 v12, v19;
	v12 =	vadd.f32 v21, v10  }
0xe0: {  	[tilespmem:$0x1FF00] =	vst v35;
	v10 =	vmul.f32 v13, v20;
	v13 =	vadd.f32 v19, v3;
	v19 =	vadd.f32 v20, v4  }
0xe1: {  	[tilespmem:$0x1FF10] =	vst v36;
	v4 =	vmul.f32 v9, v56;
	v9 =	vimm.f32 $0.0e+00;
	v21 =	vadd.f32 v11, v6  }
0xe2: {  	[tilespmem:$0x1FF20] =	vst v37;
	v3 =	vmul.f32 v26, v7;
	v29 =	vadd.f32 v10, v5;
	v6 =	vadd.f32 v2, v25  }
0xe3: {  	[tilespmem:$0x1FF30] =	vst v38;
	v10 =	vadd.f32 v15, v25;
	v11 =	vmul.f32 v23, v22;
	v2 =	vadd.f32 v7, v25  }
0xe4: {  	s20 =	simm.s32 $0x0;
	[tilespmem:$0x1FF40] =	vst v39;
	v5 =	vmul.f32 v8, v54;
	v15 =	vimm.f32 $0.0e+00;
	v3 =	vadd.f32 v3, v25  }
0xe5: {  	[tilespmem:$0x1FF50] =	vst v40;
	s21 =	simm.s32 $0x0;
	s19 =	simm.s32 $0x2020;
	s18 =	simm.s32 $0x0;
	v11 =	vadd.f32 v11, v6;
	v8 =	vadd.f32 v22, v10;
	v10 =	vimm.f32 $0.0e+00  }
.LBB2_6:
0xe6: {  	v6 =	vld [tilespmem:s19+$0x0]  }
0xe7: {  	v40 =	vld [tilespmem:$0x1FEF0]  }
0xe8: {  	v41 =	vld [tilespmem:$0x1FF00]  }
0xe9: {  	v42 =	vld [tilespmem:$0x1FF10];
	v3 =	vadd.f32 v5, v3  }
0xea: {  	[tilespmem:$0x1FE10] =	vst v12;
	v43 =	vld [tilespmem:$0x1FF20];
	v2 =	vadd.f32 v54, v2  }
0xeb: {  	v7 =	vmul.f32 v14, v55;
	v44 =	vld [tilespmem:$0x1FF30];
	[tilespmem:$0x1FEC0] =	vst v3  }
0xec: {  	v46 =	vld [tilespmem:$0x1FF50];
	[tilespmem:$0x1FED0] =	vst v2;
	v2 =	vadd.f32 v4, v25;
	v3 =	vadd.f32 v56, v9  }
0xed: {  	[tilespmem:$0x1FE00] =	vst v28;
	v4 =	vadd.f32 v7, v15;
	v5 =	vadd.f32 v55, v10  }
0xee: {  	[tilespmem:$0x1FDE0] =	vst v24;
	v1 =	vmul.f32 v1, v61;
	s17 =	sadd.s32 $0x100, s17;
	s20 =	sadd.s32 $0x20, s20;
	v14 =	vsub.f32 v40, v6;
	v15 =	vsub.f32 v41, v6  }
0xef: {  	v0 =	vmul.f32 v0, v58;
	[tilespmem:$0x1FDF0] =	vst v17;
	s22 =	sand.u32 $0x60, s20;
	s23 =	sand.u32 $0x3C00, s17;
	v16 =	vsub.f32 v42, v6;
	v17 =	vsub.f32 v43, v6  }
0xf0: {  	[tilespmem:$0x1FE30] =	vst v21;
	v39 =	vld [tilespmem:$0x1FEE0];
	s23 =	sadd.s32 $0x3080, s23;
	s24 =	sor.u32 $0x10, s22;
	v18 =	vsub.f32 v44, v6;
	v1 =	vadd.f32 v1, v2  }
0xf1: {  	v45 =	vld [tilespmem:$0x1FF40];
	[tilespmem:$0x1FE40] =	vst v13;
	s25 =	sor.u32 s24, s23;
	v0 =	vadd.f32 v0, v4;
	v4 =	vsub.f32 v46, v6  }
0xf2: {  	[tilespmem:$0x1FE90] =	vst v11;
	v7 =	vld [tilespmem:s25+$0x200];
	v20 =	vsub.f32 $0.0e+00, v14;
	v21 =	vsub.f32 $0.0e+00, v15  }
0xf3: {  	[tilespmem:$0x1FEA0] =	vst v8;
	s22 =	sor.u32 s22, s23;
	v8 =	vld [tilespmem:s25+$0x280];
	v24 =	vsub.f32 $0.0e+00, v16;
	v25 =	vsub.f32 $0.0e+00, v17  }
0xf4: {  	s26 =	sand.u32 $0x780, s20;
	v9 =	vld [tilespmem:s22+$0x0];
	v28 =	vsub.f32 $0.0e+00, v18;
	v11 =	vand.u32 $0x7FFFFFFF, v14;
	v13 =	vand.u32 $0x7FFFFFFF, v15;
	[tilespmem:$0x1FDD0] =	vst v1  }
0xf5: {  	s23 =	sor.u32 s24, s26;
	v12 =	vld [tilespmem:s22+$0x80];
	v22 =	vand.u32 $0x7FFFFFFF, v16;
	v1 =	vadd.f32 v61, v3;
	[tilespmem:$0x1FE80] =	vst v0;
	v0 =	vadd.f32 v58, v5  }
0xf6: {  	v34 =	vld [tilespmem:s23+$0x2000];
	v23 =	vand.u32 $0x7FFFFFFF, v17;
	v5 =	vsub.f32 v39, v6;
	v3 =	vsub.f32 v45, v6  }
0xf7: {  	v26 =	vld [tilespmem:s22+$0x100];
	v31 =	vand.u32 $0x7FFFFFFF, v18;
	v30 =	vsub.f32 $0.0e+00, v4;
	v36 =	vsub.f32 $0.0e+00, v11  }
0xf8: {  	v33 =	vand.u32 $0x7FFFFFFF, v4;
	v37 =	vsub.f32 $0.0e+00, v13;
	v38 =	vsub.f32 $0.0e+00, v22  }
0xf9: {  	v47 =	vsub.f32 $0.0e+00, v23;
	v31 =	vsub.f32 $0.0e+00, v31;
	vm1 =	veq.s32 v7, $0x0  }
0xfa: {  	v2 =	vld [tilespmem:s25+$0x100];
	vm4 =	veq.s32 v8, $0x0;
	vm6 =	veq.s32 v9, $0x0;
	v33 =	vsub.f32 $0.0e+00, v33  }
0xfb: {  	vm7 =	veq.s32 v12, $0x0;
	v7 =	vsub.f32 v40, v34;
	v22 =	vsub.f32 v43, v34  }
0xfc: {  	[tilespmem:$0x1FE50] =	vst v29;
	vm8 =	veq.s32 v26, $0x0;
	v23 =	vsub.f32 v44, v34;
	v26 =	vsub.f32 v46, v34  }
0xfd: {  	[tilespmem:$0x1FE60] =	vst v19;
	v6 =	vld [tilespmem:s25+$0x180];
	v19 =	vsub.f32 $0.0e+00, v5;
	v29 =	vsub.f32 $0.0e+00, v3;
	v10 =	vand.u32 $0x7FFFFFFF, v5  }
0xfe: {  	v8 =	vld [tilespmem:s22+$0x280];
	v32 =	vand.u32 $0x7FFFFFFF, v3;
	v15 =	vsel vm8, v15, v21;
	v50 =	vmul.f32 $1.442695020e+00, v47  }
0xff: {  	[tilespmem:$0x1FE70] =	vst v0;
	v0 =	vld [tilespmem:s25+$0x0];
	v31 =	vmul.f32 $1.442695020e+00, v31;
	vm0 =	veq.s32 v2, $0x0;
	v35 =	vsub.f32 $0.0e+00, v10  }
0x100: {  	[tilespmem:$0x1FE20] =	vst v1;
	v1 =	vld [tilespmem:s25+$0x80];
	v32 =	vsub.f32 $0.0e+00, v32;
	v33 =	vmul.f32 $1.442695020e+00, v33;
	v53 =	vand.u32 $0x7FFFFFFF, v7  }
0x101: {  	v47 =	vand.u32 $0x7FFFFFFF, v23;
	v5 =	vsel vm6, v5, v19;
	v19 =	vsel vm7, v14, v20  }
0x102: {  	v2 =	vld [tilespmem:s22+$0x200];
	v57 =	vsub.f32 $0.0e+00, v47;
	vm2 =	veq.s32 v6, $0x0;
	v6 =	vsub.f32 v39, v34  }
0x103: {  	s21 =	sadd.s32 $0x1, s21;
	v14 =	vmax.f32 v5, $0.0e+00;
	v19 =	vmax.f32 v19, $0.0e+00;
	v5 =	vmul.f32 $1.442695020e+00, v35  }
0x104: {  	s28 =	sand.u32 $0x3, s21;
	v35 =	vmul.f32 $1.442695020e+00, v38;
	v32 =	vmul.f32 $1.442695020e+00, v32;
	v38 =	vsub.f32 $0.0e+00, v26  }
0x105: {  	vm11 =	veq.s32 v8, $0x0;
	vm5 =	veq.s32 v0, $0x0;
	vm3 =	veq.s32 v1, $0x0;
	v0 =	vld [tilespmem:s22+$0x180];
	s22 =	sshll.u32 s28, $0x5  }
0x106: {  	v1 =	vsub.f32 v41, v34;
	v52 =	vand.u32 $0x7FFFFFFF, v6;
	(erf) = vpow2.f32 v5;
	s22 =	sadd.s32 s22, s17  }
0x107: {  	v5 =	vand.u32 $0x7FFFFFFF, v22;
	vm10 =	veq.s32 v2, $0x0;
	v2 =	vsub.f32 v42, v34;
	s29 =	sor.u32 $0x300, s22  }
0x108: {  	s30 =	sor.u32 $0x380, s22;
	s22 =	sadd.s32 $0x10, s22;
	v21 =	vsel vm10, v17, v25;
	v25 =	vsel vm11, v18, v28;
	v17 =	vmax.f32 v15, $0.0e+00;
	v48 =	vld [tilespmem:s29+$0x3080]  }
0x109: {  	v28 =	vsub.f32 $0.0e+00, v1;
	v49 =	vld [tilespmem:s30+$0x3080];
	s31 =	sor.u32 $0x300, s22;
	v15 =	vmax.f32 v21, $0.0e+00;
	v21 =	vmul.f32 $1.442695020e+00, v37  }
0x10a: {  	v46 =	vand.u32 $0x7FFFFFFF, v2;
	v20 =	vld [tilespmem:s31+$0x3080];
	vm9 =	veq.s32 v0, $0x0;
	v0 =	vsub.f32 v45, v34  }
0x10b: {  	v34 =	vsub.f32 $0.0e+00, v23;
	v45 =	vand.u32 $0x7FFFFFFF, v1;
	v16 =	vsel vm9, v16, v24  }
0x10c: {  	s22 =	sor.u32 $0x380, s22;
	v1 =	vsel vm0, v1, v28;
	v18 =	vmax.f32 v16, $0.0e+00;
	v16 =	vmax.f32 v25, $0.0e+00  }
0x10d: {  	v24 =	vld [tilespmem:s22+$0x3080];
	v25 =	vsub.f32 $0.0e+00, v6;
	v37 =	vsub.f32 $0.0e+00, v0;
	vm12 =	veq.s32 v48, $0x0  }
0x10e: {  	vm13 =	veq.s32 v49, $0x0;
	v48 =	vand.u32 $0x7FFFFFFF, v0;
	v49 =	vand.u32 $0x7FFFFFFF, v26  }
0x10f: {  	vm14 =	veq.s32 v20, $0x0;
	v3 =	vsel vm12, v3, v29;
	v4 =	vsel vm13, v4, v30  }
0x110: {  	v29 =	vsub.f32 $0.0e+00, v2;
	v30 =	vsub.f32 $0.0e+00, v22;
	v20 =	vmul.f32 $1.442695020e+00, v36  }
0x111: {  	v41 =	vsub.f32 $0.0e+00, v48;
	v42 =	vsub.f32 $0.0e+00, v49;
	v43 =	vsel vm5, v6, v25  }
0x112: {  	vm15 =	veq.s32 v24, $0x0;
	(erf) = vpow2.f32 v20;
	v20 =	vmax.f32 v3, $0.0e+00  }
0x113: {  	v3 =	vsub.f32 $0.0e+00, v52;
	v25 =	vmul.f32 $1.442695020e+00, v41;
	(erf) = vpow2.f32 v21  }
0x114: {  	v21 =	vmax.f32 v4, $0.0e+00;
	v4 =	vsub.f32 $0.0e+00, v53;
	(erf) = vpow2.f32 v35  }
0x115: {  	v53 =	vsub.f32 $0.0e+00, v5;
	(erf) = vpow2.f32 v50;
	v50 =	vmul.f32 $1.442695020e+00, v3  }
0x116: {  	v24 =	vsub.f32 $0.0e+00, v7;
	v51 =	vmul.f32 $1.442695020e+00, v4;
	(erf) = vpow2.f32 v31  }
0x117: {  	v40 =	vmul.f32 $1.442695020e+00, v53;
	v31 =	vsub.f32 $0.0e+00, v45;
	v3 =	vpop (erf);
	(erf) = vpow2.f32 v32  }
0x118: {  	v52 =	vsub.f32 $0.0e+00, v46;
	v45 =	vmul.f32 $5.486231300e-02, v3;
	(erf) = vpow2.f32 v33  }
0x119: {  	v2 =	vsel vm2, v2, v29;
	v31 =	vmul.f32 $1.442695020e+00, v31;
	(erf) = vpow2.f32 v50  }
0x11a: {  	v33 =	vmul.f32 $1.442695020e+00, v42;
	v42 =	vsub.f32 $2.164085810e-01, v45;
	(erf) = vpow2.f32 v51  }
0x11b: {  	v44 =	vsel vm3, v7, v24;
	v32 =	vmul.f32 $1.442695020e+00, v52;
	v4 =	vpop (erf);
	(erf) = vpow2.f32 v31  }
0x11c: {  	v24 =	vsel vm4, v23, v34;
	v31 =	vmul.f32 $1.442695020e+00, v57;
	v42 =	vmul.f32 v42, v3  }
0x11d: {  	v23 =	vsel vm14, v0, v37;
	v5 =	vpop (erf);
	(erf) = vpow2.f32 v32;
	v46 =	vmul.f32 $5.486231300e-02, v4  }
0x11e: {  	v0 =	vmax.f32 v44, $0.0e+00;
	v6 =	vpop (erf);
	(erf) = vpow2.f32 v40;
	v47 =	vmul.f32 $5.486231300e-02, v5  }
0x11f: {  	v42 =	vadd.f32 $-4.640707080e-01, v42;
	v7 =	vpop (erf);
	(erf) = vpow2.f32 v31;
	v48 =	vmul.f32 $5.486231300e-02, v6  }
0x120: {  	v28 =	vpop (erf);
	(erf) = vpow2.f32 v25;
	v25 =	vsel vm1, v22, v30;
	v22 =	vsel vm15, v26, v38  }
0x121: {  	v26 =	vmax.f32 v43, $0.0e+00;
	v49 =	vmul.f32 $5.486231300e-02, v7;
	v43 =	vsub.f32 $2.164085810e-01, v46  }
0x122: {  	v53 =	vsub.f32 $2.164085810e-01, v47;
	v42 =	vmul.f32 v42, v3;
	v29 =	vpop (erf);
	(erf) = vpow2.f32 v33  }
0x123: {  	v50 =	vmul.f32 $5.486231300e-02, v28;
	v44 =	vsub.f32 $2.164085810e-01, v48;
	v57 =	vmul.f32 $5.486231300e-02, v29  }
0x124: {  	v31 =	vpop (erf);
	v39 =	vsub.f32 $2.164085810e-01, v49;
	v43 =	vmul.f32 v43, v4;
	v53 =	vmul.f32 v53, v5  }
0x125: {  	v42 =	vadd.f32 $9.954266540e-01, v42;
	v30 =	vpop (erf);
	v52 =	vmul.f32 $5.486231300e-02, v31;
	v40 =	vsub.f32 $2.164085810e-01, v50  }
0x126: {  	v44 =	vmul.f32 v44, v6;
	v45 =	vmul.f32 $5.486231300e-02, v30;
	v41 =	vsub.f32 $2.164085810e-01, v57  }
0x127: {  	v32 =	vpop (erf);
	v39 =	vmul.f32 v39, v7;
	v43 =	vadd.f32 $-4.640707080e-01, v43;
	v53 =	vadd.f32 $-4.640707080e-01, v53  }
0x128: {  	v3 =	vmul.f32 v42, v3;
	v33 =	vpop (erf);
	v46 =	vmul.f32 $5.486231300e-02, v32;
	v52 =	vsub.f32 $2.164085810e-01, v52  }
0x129: {  	v40 =	vmul.f32 v40, v28;
	v44 =	vadd.f32 $-4.640707080e-01, v44;
	v47 =	vmul.f32 $5.486231300e-02, v33  }
0x12a: {  	v45 =	vsub.f32 $2.164085810e-01, v45;
	v41 =	vmul.f32 v41, v29;
	v39 =	vadd.f32 $-4.640707080e-01, v39  }
0x12b: {  	v34 =	vpop (erf);
	v43 =	vmul.f32 v43, v4;
	v53 =	vmul.f32 v53, v5;
	v3 =	vadd.f32 $1.415801820e-04, v3  }
0x12c: {  	v48 =	vmul.f32 $5.486231300e-02, v34;
	v46 =	vsub.f32 $2.164085810e-01, v46;
	v52 =	vmul.f32 v52, v31  }
0x12d: {  	v40 =	vadd.f32 $-4.640707080e-01, v40;
	v44 =	vmul.f32 v44, v6;
	v47 =	vsub.f32 $2.164085810e-01, v47  }
0x12e: {  	v35 =	vpop (erf);
	v45 =	vmul.f32 v45, v30;
	v41 =	vadd.f32 $-4.640707080e-01, v41;
	v43 =	vadd.f32 $9.954266540e-01, v43  }
0x12f: {  	v36 =	vpop (erf);
	v39 =	vmul.f32 v39, v7;
	v53 =	vadd.f32 $9.954266540e-01, v53;
	v3 =	vadd.f32 v3, v14  }
0x130: {  	v37 =	vpop (erf);
	v48 =	vsub.f32 $2.164085810e-01, v48;
	v46 =	vmul.f32 v46, v32;
	v52 =	vadd.f32 $-4.640707080e-01, v52  }
0x131: {  	v40 =	vmul.f32 v40, v28;
	v44 =	vadd.f32 $9.954266540e-01, v44;
	v57 =	vmul.f32 $5.486231300e-02, v37  }
0x132: {  	v47 =	vmul.f32 v47, v33;
	v45 =	vadd.f32 $-4.640707080e-01, v45;
	v41 =	vmul.f32 v41, v29  }
0x133: {  	v38 =	vpop (erf);
	v39 =	vadd.f32 $9.954266540e-01, v39;
	v4 =	vmul.f32 v43, v4;
	v5 =	vmul.f32 v53, v5  }
0x134: {  	v51 =	vmul.f32 $5.486231300e-02, v38;
	v48 =	vmul.f32 v48, v34;
	v46 =	vadd.f32 $-4.640707080e-01, v46  }
0x135: {  	v52 =	vmul.f32 v52, v31;
	v40 =	vadd.f32 $9.954266540e-01, v40;
	v57 =	vsub.f32 $2.164085810e-01, v57  }
0x136: {  	v6 =	vmul.f32 v44, v6;
	v47 =	vadd.f32 $-4.640707080e-01, v47;
	v41 =	vadd.f32 $9.954266540e-01, v41  }
0x137: {  	v45 =	vmul.f32 v45, v30;
	v4 =	vadd.f32 $1.415801820e-04, v4;
	v5 =	vadd.f32 $1.415801820e-04, v5  }
0x138: {  	v7 =	vmul.f32 v39, v7;
	v51 =	vsub.f32 $2.164085810e-01, v51;
	v48 =	vadd.f32 $-4.640707080e-01, v48  }
0x139: {  	v46 =	vmul.f32 v46, v32;
	v52 =	vadd.f32 $9.954266540e-01, v52;
	v28 =	vmul.f32 v40, v28  }
0x13a: {  	v6 =	vadd.f32 $1.415801820e-04, v6;
	v57 =	vmul.f32 v57, v37;
	v42 =	vadd.f32 $9.954266540e-01, v45  }
0x13b: {  	v47 =	vmul.f32 v47, v33;
	v7 =	vadd.f32 $1.415801820e-04, v7;
	v4 =	vadd.f32 v4, v19  }
0x13c: {  	v29 =	vmul.f32 v41, v29;
	v5 =	vadd.f32 v5, v17;
	v43 =	vadd.f32 $9.954266540e-01, v46  }
0x13d: {  	v51 =	vmul.f32 v51, v38;
	v28 =	vadd.f32 $1.415801820e-04, v28;
	v6 =	vadd.f32 v6, v18  }
0x13e: {  	v48 =	vmul.f32 v48, v34;
	v57 =	vadd.f32 $-4.640707080e-01, v57;
	v45 =	vadd.f32 $9.954266540e-01, v47  }
0x13f: {  	v31 =	vmul.f32 v52, v31;
	v29 =	vadd.f32 $1.415801820e-04, v29;
	v7 =	vadd.f32 v7, v15  }
0x140: {  	v30 =	vmul.f32 v42, v30;
	v51 =	vadd.f32 $-4.640707080e-01, v51;
	v48 =	vadd.f32 $9.954266540e-01, v48  }
0x141: {  	v31 =	vadd.f32 $1.415801820e-04, v31;
	v32 =	vmul.f32 v43, v32;
	v15 =	vadd.f32 v28, v16  }
0x142: {  	v57 =	vmul.f32 v57, v37;
	v18 =	vadd.f32 v29, v20;
	v51 =	vmul.f32 v51, v38  }
0x143: {  	v19 =	vmul.f32 v45, v33;
	v14 =	vadd.f32 v31, v21;
	v21 =	vadd.f32 $1.415801820e-04, v30  }
0x144: {  	v17 =	vmul.f32 v48, v34;
	v53 =	vadd.f32 $9.954266540e-01, v57;
	v57 =	vadd.f32 $9.954266540e-01, v51  }
0x145: {  	v1 =	vmax.f32 v1, $0.0e+00;
	v28 =	vadd.f32 $1.415801820e-04, v32;
	v19 =	vadd.f32 $1.415801820e-04, v19  }
0x146: {  	v17 =	vadd.f32 $1.415801820e-04, v17;
	v29 =	vmul.f32 v53, v37;
	v30 =	vmul.f32 v57, v38  }
0x147: {  	v2 =	vmax.f32 v2, $0.0e+00;
	v21 =	vadd.f32 v21, v26;
	v26 =	vadd.f32 v28, v0  }
0x148: {  	v0 =	vmax.f32 v23, $0.0e+00;
	v29 =	vadd.f32 $1.415801820e-04, v29;
	v30 =	vadd.f32 $1.415801820e-04, v30  }
0x149: {  	v19 =	vadd.f32 v19, v1;
	v2 =	vadd.f32 v17, v2;
	v17 =	vmax.f32 v22, $0.0e+00  }
0x14a: {  	v1 =	vadd.f32 v29, v0;
	v0 =	vadd.f32 v30, v17;
	v17 =	vld [tilespmem:$0x1FDE0];
	_ =	sdelay $0x1  }
0x14b: {  	v13 =	vsel vm6, $0x3E4CCCCD, v27  }
0x14c: {  	v3 =	vmul.f32 v3, v13;
	_ =	sdelay $0x1  }
0x14d: {  	v3 =	vadd.f32 v3, v17;
	v17 =	vld [tilespmem:$0x1FDF0];
	_ =	sdelay $0x3  }
0x14e: {  	v9 =	vsel vm5, $0x3E4CCCCD, v27;
	v50 =	vmul.f32 $5.486231300e-02, v36  }
0x14f: {  	v13 =	vadd.f32 v13, v17;
	v17 =	vmul.f32 v21, v9;
	v21 =	vld [tilespmem:$0x1FE00]  }
0x150: {  	v50 =	vsub.f32 $2.164085810e-01, v50  }
0x151: {  	v12 =	vsel vm7, $0x3E4CCCCD, v27  }
0x152: {  	v50 =	vmul.f32 v50, v36;
	v4 =	vmul.f32 v4, v12;
	_ =	sdelay $0x1  }
0x153: {  	v50 =	vadd.f32 $-4.640707080e-01, v50;
	v4 =	vadd.f32 v4, v21;
	v21 =	vld [tilespmem:$0x1FE10];
	_ =	sdelay $0x1  }
0x154: {  	v50 =	vmul.f32 v50, v36;
	_ =	sdelay $0x1  }
0x155: {  	v50 =	vadd.f32 $9.954266540e-01, v50  }
0x156: {  	v12 =	vadd.f32 v12, v21  }
0x157: {  	v8 =	vsel vm3, $0x3E4CCCCD, v27;
	v20 =	vmul.f32 v50, v36  }
0x158: {  	v21 =	vmul.f32 v26, v8;
	v12 =	vadd.f32 v8, v12;
	v8 =	vld [tilespmem:$0x1FE50]  }
0x159: {  	v10 =	vsel vm1, $0x3E4CCCCD, v27;
	v20 =	vadd.f32 $1.415801820e-04, v20  }
0x15a: {  	[tilespmem:$0x1FEB0] =	vst v10;
	v10 =	vsel vm9, $0x3E4CCCCD, v27;
	v24 =	vmax.f32 v24, $0.0e+00  }
0x15b: {  	v20 =	vadd.f32 v20, v24;
	v24 =	vadd.f32 v17, v3;
	v3 =	vmul.f32 v6, v10  }
0x15c: {  	v59 =	vsel vm2, $0x3E4CCCCD, v27;
	v49 =	vmul.f32 $5.486231300e-02, v35  }
0x15d: {  	v2 =	vmul.f32 v2, v59;
	v28 =	vadd.f32 v21, v4;
	v4 =	vld [tilespmem:$0x1FE30];
	v3 =	vadd.f32 v3, v8;
	_ =	sdelay $0x1  }
0x15e: {  	v11 =	vsel vm8, $0x3E4CCCCD, v27;
	v49 =	vsub.f32 $2.164085810e-01, v49;
	v29 =	vadd.f32 v2, v3;
	v2 =	vld [tilespmem:$0x1FE90]  }
0x15f: {  	v5 =	vmul.f32 v5, v11  }
0x160: {  	v60 =	vsel vm0, $0x3E4CCCCD, v27;
	v62 =	vsel vm10, $0x3E4CCCCD, v27;
	v49 =	vmul.f32 v49, v35  }
0x161: {  	v7 =	vmul.f32 v7, v62;
	v6 =	vmul.f32 v19, v60;
	v4 =	vadd.f32 v5, v4  }
0x162: {  	v49 =	vadd.f32 $-4.640707080e-01, v49  }
0x163: {  	v21 =	vadd.f32 v6, v4;
	v6 =	vadd.f32 v7, v2;
	v2 =	vld [tilespmem:$0x1FEA0]  }
0x164: {  	v49 =	vmul.f32 v49, v35;
	_ =	sdelay $0x1  }
0x165: {  	v49 =	vadd.f32 $9.954266540e-01, v49  }
0x166: {  	v8 =	vld [tilespmem:$0x1FE60]  }
0x167: {  	v16 =	vmul.f32 v49, v35;
	v7 =	vadd.f32 v62, v2;
	v2 =	vld [tilespmem:$0x1FEC0]  }
0x168: {  	v22 =	vld [tilespmem:$0x1FEB0]  }
0x169: {  	v63 =	vsel vm11, $0x3E4CCCCD, v27;
	v16 =	vadd.f32 $1.415801820e-04, v16;
	v5 =	vld [tilespmem:$0x1FE40]  }
0x16a: {  	v25 =	vmax.f32 v25, $0.0e+00;
	v4 =	vmul.f32 v15, v63  }
0x16b: {  	s18 =	sadd.s32 $0x2, s18;
	v16 =	vadd.f32 v16, v25  }
0x16c: {  	p0 =	slt.u32 s18, $0x7E;
	v8 =	vadd.f32 v10, v8;
	v3 =	vadd.f32 v4, v2;
	v2 =	vld [tilespmem:$0x1FED0]  }
.Ltmp2:
0x16d: {  	v54 =	vsel vm4, $0x3E4CCCCD, v27;
	v56 =	vsel vm12, $0x3E4CCCCD, v27;
	v55 =	vsel vm13, $0x3E4CCCCD, v27;
	(pc) =	sbr.rel @p0 .LBB2_6-.Ltmp2, $4  }
0x16e: {  	v25 =	vld [tilespmem:$0x1FDD0];
	v5 =	vadd.f32 v11, v5;
	v19 =	vadd.f32 v59, v8;
	v8 =	vmul.f32 v16, v22  }
0x16f: {  	v61 =	vsel vm14, $0x3E4CCCCD, v27;
	v58 =	vsel vm15, $0x3E4CCCCD, v27;
	v17 =	vadd.f32 v9, v13;
	v9 =	vld [tilespmem:$0x1FE20]  }
0x170: {  	v15 =	vld [tilespmem:$0x1FE80];
	v13 =	vadd.f32 v60, v5;
	v5 =	vmul.f32 v20, v54;
	v11 =	vadd.f32 v8, v6  }
0x171: {  	s19 =	sadd.s32 $0x20, s19;
	v10 =	vld [tilespmem:$0x1FE70];
	v8 =	vadd.f32 v22, v7;
	v4 =	vmul.f32 v18, v56;
	v2 =	vadd.f32 v63, v2  }
0x172: {  	v6 =	vadd.f32 v28, v24;
	_ =	sdelay $0x1  }
0x173: {  	v6 =	vadd.f32 v21, v6;
	_ =	sdelay $0x1  }
0x174: {  	v6 =	vadd.f32 v29, v6  }
0x175: {  	v7 =	vmul.f32 v14, v55;
	v3 =	vadd.f32 v5, v3;
	v5 =	vadd.f32 v12, v17  }
0x176: {  	v1 =	vmul.f32 v1, v61;
	v4 =	vadd.f32 v4, v25;
	v6 =	vadd.f32 v11, v6  }
0x177: {  	v5 =	vadd.f32 v13, v5;
	v7 =	vadd.f32 v7, v15  }
0x178: {  	v0 =	vmul.f32 v0, v58;
	v1 =	vadd.f32 v1, v4;
	v3 =	vadd.f32 v3, v6  }
0x179: {  	v2 =	vadd.f32 v54, v2;
	v4 =	vadd.f32 v19, v5  }
0x17a: {  	v0 =	vadd.f32 v0, v7;
	v1 =	vadd.f32 v1, v3  }
0x17b: {  	v4 =	vadd.f32 v8, v4;
	v3 =	vadd.f32 v56, v9  }
0x17c: {  	v5 =	vadd.f32 v55, v10;
	v0 =	vadd.f32 v0, v1  }
0x17d: {  	v2 =	vadd.f32 v2, v4;
	v1 =	vadd.f32 v61, v3  }
0x17e: {  	s17 =	simm.s32 $0x0;
	[tilespmem:$0x7080] =	vst v0  }
0x17f: {  	v0 =	vadd.f32 v58, v5;
	v1 =	vadd.f32 v1, v2;
	[hbm4b:s6+s17] =	stream.linear.scatter [tilespmem:s15], [sflag:$0x1], $0x80, $0x38;
	[tilespmem:$0x7100] =	vst v63  }
0x180: {  	_ =	swait.ge [sflag:s12], $0x80  }
0x181: {  	v0 =	vadd.f32 v0, v1;
	[sflag:s12] =	ssyncset.done $0x0  }
0x182: {  	[sflag:s12] =	ssyncadd.s32 $0xFFFFFF80  }
0x183: {  	[tilespmem:$0x7080] =	vst v0  }
0x184: {  	[hbm4b:s7+s17] =	stream.linear.scatter [tilespmem:s15], [sflag:$0x1], $0x80, $0x38;
	[tilespmem:$0x7100] =	vst v63  }
0x185: {  	_ =	swait.ge [sflag:s12], $0x80  }
0x186: {  	[sflag:s12] =	ssyncset.done $0x0  }
0x187: {  	[sflag:s12] =	ssyncadd.s32 $0xFFFFFF80  }
0x188: {  	[tilespmem:s14], [sflag:$0x1] =	stream.linear.gather [hbm4b:s8+s17], $0x4000, $0x38;
	[tilespmem:$0x7100] =	vst v63  }
0x189: {  	_ =	swait.ge [sflag:s12], $0x4000  }
0x18a: {  	v0 =	vld [tilespmem:$0x1FF80]  }
0x18b: {  	v1 =	vld [tilespmem:$0x1FF90]  }
0x18c: {  	v2 =	vld [tilespmem:$0x1FFA0]  }
0x18d: {  	v7 =	vld [tilespmem:$0x1FF60]  }
0x18e: {  	v8 =	vld [tilespmem:$0x1FF70]  }
0x18f: {  	v3 =	vld [tilespmem:$0x1FFB0]  }
0x190: {  	v4 =	vld [tilespmem:$0x1FFC0]  }
0x191: {  	v5 =	vld [tilespmem:$0x1FFD0]  }
0x192: {  	[sflag:s12] =	ssyncset.done $0x0;
	v6 =	vld [tilespmem:$0x1FFE0]  }
0x193: {  	s18 =	simm.s32 $0x2800;
	[sflag:s12] =	ssyncadd.s32 $0xFFFFC000;
	v7 =	vsub.f32 v7, v8;
	v8 =	vld [tilespmem:$0x1FFF0]  }
0x194: {  	v0 =	vld.idx.msk [tilespmem:v0+s18+$0x0], $0xffff  }
0x195: {  	v1 =	vld.idx.msk [tilespmem:v1+s18+$0x0], $0xffff  }
0x196: {  	v2 =	vld.idx.msk [tilespmem:v2+s18+$0x0], $0xffff  }
0x197: {  	v3 =	vld.idx.msk [tilespmem:v3+s18+$0x0], $0xffff  }
0x198: {  	v4 =	vld.idx.msk [tilespmem:v4+s18+$0x0], $0xffff  }
0x199: {  	s24 =	sand.u32 $0x60, s17;
	s19 =	sand.u32 $0x3C00, s17;
	v5 =	vld.idx.msk [tilespmem:v5+s18+$0x0], $0xffff  }
0x19a: {  	s19 =	sadd.s32 $0x3080, s19;
	s20 =	sor.u32 $0x10, s24;
	v6 =	vld.idx.msk [tilespmem:v6+s18+$0x0], $0xffff  }
0x19b: {  	s21 =	sor.u32 s20, s19;
	v9 =	vld [tilespmem:s18+$0x0]  }
0x19c: {  	v15 =	vld [tilespmem:s21+$0x200];
	v33 =	vadd.f32 v0, v7  }
0x19d: {  	v18 =	vld [tilespmem:s21+$0x280];
	v34 =	vadd.f32 v1, v7;
	v35 =	vadd.f32 v2, v7  }
0x19e: {  	v36 =	vadd.f32 v3, v7;
	v37 =	vadd.f32 v4, v7  }
0x19f: {  	v8 =	vld.idx.msk [tilespmem:v8+s18+$0x0], $0xffff;
	v38 =	vadd.f32 v5, v7;
	v39 =	vadd.f32 v6, v7  }
0x1a0: {  	v3 =	vld [tilespmem:s21+$0x0];
	v0 =	vsub.f32 v33, v9;
	v1 =	vsub.f32 v34, v9  }
0x1a1: {  	vm3 =	veq.s32 v15, $0x0;
	v5 =	vld [tilespmem:s21+$0x80];
	v2 =	vsub.f32 v35, v9;
	v4 =	vsub.f32 v36, v9  }
0x1a2: {  	vm0 =	veq.s32 v18, $0x0;
	v6 =	vld [tilespmem:s21+$0x100];
	s18 =	sor.u32 s24, s19;
	v10 =	vsub.f32 v39, v9;
	v11 =	vsub.f32 $0.0e+00, v0  }
0x1a3: {  	v52 =	vsel vm0, $0x3E4CCCCD, v27;
	v21 =	vld [tilespmem:s18+$0x0];
	v13 =	vsub.f32 $0.0e+00, v1;
	v14 =	vsub.f32 $0.0e+00, v2  }
0x1a4: {  	v25 =	vld [tilespmem:s18+$0x80];
	v16 =	vsub.f32 $0.0e+00, v4;
	v20 =	vsub.f32 $0.0e+00, v10;
	v22 =	vand.u32 $0x7FFFFFFF, v0  }
0x1a5: {  	v30 =	vld [tilespmem:s18+$0x100];
	v23 =	vand.u32 $0x7FFFFFFF, v1;
	v26 =	vand.u32 $0x7FFFFFFF, v2;
	v28 =	vand.u32 $0x7FFFFFFF, v4  }
0x1a6: {  	v18 =	vld [tilespmem:s18+$0x280];
	v32 =	vand.u32 $0x7FFFFFFF, v10;
	v40 =	vadd.f32 v8, v7;
	v7 =	vsub.f32 v37, v9  }
0x1a7: {  	v8 =	vsub.f32 v38, v9;
	vm15 =	veq.s32 v3, $0x0;
	vm13 =	veq.s32 v5, $0x0  }
0x1a8: {  	s25 =	sand.u32 $0x780, s17;
	vm11 =	veq.s32 v6, $0x0;
	v22 =	vsub.f32 $0.0e+00, v22;
	v15 =	vsub.f32 $0.0e+00, v23  }
0x1a9: {  	s19 =	sor.u32 s20, s25;
	v23 =	vsub.f32 $0.0e+00, v26;
	vm6 =	veq.s32 v21, $0x0;
	v21 =	vsub.f32 $0.0e+00, v28  }
0x1aa: {  	v3 =	vld [tilespmem:s19+$0x2800];
	vm9 =	veq.s32 v25, $0x0;
	v28 =	vsub.f32 $0.0e+00, v32;
	vm1 =	veq.s32 v30, $0x0  }
0x1ab: {  	v6 =	vld [tilespmem:s18+$0x180];
	vm5 =	veq.s32 v18, $0x0;
	v12 =	vsub.f32 v40, v9;
	v17 =	vsub.f32 $0.0e+00, v7  }
0x1ac: {  	v9 =	vld [tilespmem:s21+$0x180];
	v19 =	vsub.f32 $0.0e+00, v8;
	v29 =	vand.u32 $0x7FFFFFFF, v7;
	v31 =	vand.u32 $0x7FFFFFFF, v8  }
0x1ad: {  	v11 =	vsel vm6, v0, v11;
	v60 =	vsel vm9, v1, v13;
	v26 =	vsub.f32 $0.0e+00, v29  }
0x1ae: {  	v25 =	vsub.f32 $0.0e+00, v31;
	v11 =	vmax.f32 v11, $0.0e+00;
	v62 =	vmax.f32 v60, $0.0e+00  }
0x1af: {  	s26 =	sand.u32 $0x3, s17;
	v24 =	vsub.f32 $0.0e+00, v12;
	v5 =	vand.u32 $0x7FFFFFFF, v12;
	v0 =	vsel vm5, v8, v19  }
0x1b0: {  	s28 =	sshll.u32 s26, $0x5;
	v29 =	vsub.f32 $0.0e+00, v5;
	v30 =	vsub.f32 v33, v3;
	vm2 =	veq.s32 v6, $0x0  }
0x1b1: {  	v56 =	vsub.f32 v34, v3;
	v57 =	vsub.f32 v35, v3;
	vm12 =	veq.s32 v9, $0x0;
	v9 =	vld [tilespmem:s18+$0x200];
	s18 =	sadd.s32 $0x0, s28  }
0x1b2: {  	v58 =	vsub.f32 v36, v3;
	v59 =	vsub.f32 v37, v3;
	v6 =	vsel vm1, v2, v14;
	s29 =	sor.u32 $0x300, s18;
	s30 =	sor.u32 $0x380, s18;
	s18 =	sadd.s32 $0x10, s18  }
0x1b3: {  	v14 =	vsub.f32 v38, v3;
	v61 =	vsub.f32 v40, v3;
	v19 =	vmul.f32 $1.442695020e+00, v26;
	v31 =	vld [tilespmem:s29+$0x3080];
	s31 =	sor.u32 $0x300, s18  }
0x1b4: {  	v0 =	vmax.f32 v0, $0.0e+00;
	v5 =	vsel vm2, v4, v16;
	v13 =	vsub.f32 $0.0e+00, v58;
	s18 =	sor.u32 $0x380, s18;
	v18 =	vld [tilespmem:s31+$0x3080]  }
0x1b5: {  	v4 =	vsub.f32 v39, v3;
	v16 =	vmul.f32 $1.442695020e+00, v21;
	v21 =	vmul.f32 $1.442695020e+00, v25;
	v1 =	vld [tilespmem:s18+$0x3080]  }
0x1b6: {  	v6 =	vmax.f32 v6, $0.0e+00;
	v13 =	vsel vm12, v58, v13;
	vm4 =	veq.s32 v9, $0x0;
	v9 =	vld [tilespmem:s30+$0x3080]  }
0x1b7: {  	v3 =	vsub.f32 $0.0e+00, v30;
	v5 =	vmax.f32 v5, $0.0e+00;
	v13 =	vmax.f32 v13, $0.0e+00  }
0x1b8: {  	v2 =	vsel vm4, v7, v17;
	v7 =	vsub.f32 $0.0e+00, v57;
	v17 =	vsub.f32 $0.0e+00, v59  }
0x1b9: {  	vm14 =	veq.s32 v31, $0x0;
	v2 =	vmax.f32 v2, $0.0e+00;
	vm7 =	veq.s32 v18, $0x0  }
0x1ba: {  	vm8 =	veq.s32 v1, $0x0;
	v1 =	vsub.f32 $0.0e+00, v56;
	v18 =	vsub.f32 $0.0e+00, v14  }
0x1bb: {  	v54 =	vsel vm14, $0x3E4CCCCD, v27;
	vm10 =	veq.s32 v9, $0x0;
	v9 =	vsel vm14, v10, v20  }
0x1bc: {  	v10 =	vmul.f32 $1.442695020e+00, v22;
	v20 =	vsub.f32 $0.0e+00, v4;
	v22 =	vsub.f32 $0.0e+00, v61  }
0x1bd: {  	v8 =	vsel vm10, v12, v24;
	v12 =	vmul.f32 $1.442695020e+00, v15;
	v15 =	vmul.f32 $1.442695020e+00, v23  }
0x1be: {  	v23 =	vand.u32 $0x7FFFFFFF, v30;
	v24 =	vand.u32 $0x7FFFFFFF, v57;
	v9 =	vmax.f32 v9, $0.0e+00  }
0x1bf: {  	v53 =	vsel vm10, $0x3E4CCCCD, v27;
	(erf) = vpow2.f32 v10;
	v10 =	vmul.f32 $1.442695020e+00, v28  }
0x1c0: {  	v23 =	vsub.f32 $0.0e+00, v23;
	v24 =	vsub.f32 $0.0e+00, v24;
	(erf) = vpow2.f32 v12  }
0x1c1: {  	v8 =	vmax.f32 v8, $0.0e+00;
	v12 =	vmul.f32 $1.442695020e+00, v29;
	(erf) = vpow2.f32 v15  }
0x1c2: {  	v15 =	vand.u32 $0x7FFFFFFF, v56;
	v23 =	vmul.f32 $1.442695020e+00, v23;
	v24 =	vmul.f32 $1.442695020e+00, v24  }
0x1c3: {  	(erf) = vpow2.f32 v16;
	v16 =	vand.u32 $0x7FFFFFFF, v58;
	v15 =	vsub.f32 $0.0e+00, v15  }
0x1c4: {  	(erf) = vpow2.f32 v19;
	v19 =	vand.u32 $0x7FFFFFFF, v59;
	v16 =	vsub.f32 $0.0e+00, v16  }
0x1c5: {  	(erf) = vpow2.f32 v21;
	v21 =	vand.u32 $0x7FFFFFFF, v14;
	v15 =	vmul.f32 $1.442695020e+00, v15  }
0x1c6: {  	v19 =	vsub.f32 $0.0e+00, v19;
	(erf) = vpow2.f32 v10;
	v10 =	vand.u32 $0x7FFFFFFF, v4  }
0x1c7: {  	v16 =	vmul.f32 $1.442695020e+00, v16;
	v21 =	vsub.f32 $0.0e+00, v21;
	(erf) = vpow2.f32 v12  }
0x1c8: {  	v12 =	vand.u32 $0x7FFFFFFF, v61;
	v19 =	vmul.f32 $1.442695020e+00, v19;
	v10 =	vsub.f32 $0.0e+00, v10  }
0x1c9: {  	(erf) = vpow2.f32 v23;
	v21 =	vmul.f32 $1.442695020e+00, v21;
	v12 =	vsub.f32 $0.0e+00, v12  }
0x1ca: {  	(erf) = vpow2.f32 v15;
	v15 =	vsel vm15, v30, v3;
	v3 =	vmul.f32 $1.442695020e+00, v10  }
0x1cb: {  	v10 =	vsel vm0, v14, v18;
	(erf) = vpow2.f32 v24;
	v24 =	vmul.f32 $1.442695020e+00, v12  }
0x1cc: {  	v23 =	vpop (erf);
	v12 =	vsel vm11, v57, v7;
	v15 =	vmax.f32 v15, $0.0e+00;
	(erf) = vpow2.f32 v16  }
0x1cd: {  	v10 =	vmax.f32 v10, $0.0e+00;
	v16 =	vsel vm13, v56, v1;
	(erf) = vpow2.f32 v19;
	v19 =	vpop (erf)  }
0x1ce: {  	v1 =	vmul.f32 $5.486231300e-02, v23;
	v12 =	vmax.f32 v12, $0.0e+00;
	v25 =	vpop (erf);
	(erf) = vpow2.f32 v21  }
0x1cf: {  	v56 =	vsel vm8, $0x3E4CCCCD, v27;
	v7 =	vmul.f32 $5.486231300e-02, v19;
	(erf) = vpow2.f32 v3  }
0x1d0: {  	v3 =	vsub.f32 $2.164085810e-01, v1;
	v21 =	vpop (erf);
	v1 =	vsel vm3, v59, v17;
	v17 =	vmul.f32 $5.486231300e-02, v25  }
0x1d1: {  	v16 =	vmax.f32 v16, $0.0e+00;
	v7 =	vsub.f32 $2.164085810e-01, v7;
	v14 =	vmul.f32 $5.486231300e-02, v21  }
0x1d2: {  	(erf) = vpow2.f32 v24;
	v24 =	vpop (erf);
	v18 =	vmul.f32 v3, v23;
	v17 =	vsub.f32 $2.164085810e-01, v17  }
0x1d3: {  	v3 =	vsel vm7, v4, v20;
	v20 =	vmul.f32 $5.486231300e-02, v24;
	v26 =	vpop (erf);
	v4 =	vsel vm8, v61, v22  }
0x1d4: {  	v7 =	vmul.f32 v7, v19;
	v14 =	vsub.f32 $2.164085810e-01, v14;
	v22 =	vpop (erf);
	v28 =	vmul.f32 $5.486231300e-02, v26  }
0x1d5: {  	v18 =	vadd.f32 $-4.640707080e-01, v18;
	v17 =	vmul.f32 v17, v25;
	v30 =	vmul.f32 $5.486231300e-02, v22  }
0x1d6: {  	v29 =	vpop (erf);
	v20 =	vsub.f32 $2.164085810e-01, v20;
	v7 =	vadd.f32 $-4.640707080e-01, v7;
	v14 =	vmul.f32 v14, v21  }
0x1d7: {  	v31 =	vmul.f32 $5.486231300e-02, v29;
	v28 =	vsub.f32 $2.164085810e-01, v28;
	v18 =	vmul.f32 v18, v23  }
0x1d8: {  	v17 =	vadd.f32 $-4.640707080e-01, v17;
	v20 =	vmul.f32 v20, v24;
	v30 =	vsub.f32 $2.164085810e-01, v30  }
0x1d9: {  	v7 =	vmul.f32 v7, v19;
	v14 =	vadd.f32 $-4.640707080e-01, v14;
	v28 =	vmul.f32 v28, v26  }
0x1da: {  	v31 =	vsub.f32 $2.164085810e-01, v31;
	v18 =	vadd.f32 $9.954266540e-01, v18;
	v17 =	vmul.f32 v17, v25  }
0x1db: {  	v20 =	vadd.f32 $-4.640707080e-01, v20;
	v30 =	vmul.f32 v30, v22;
	v7 =	vadd.f32 $9.954266540e-01, v7  }
0x1dc: {  	v14 =	vmul.f32 v14, v21;
	v28 =	vadd.f32 $-4.640707080e-01, v28;
	v31 =	vmul.f32 v31, v29  }
0x1dd: {  	v18 =	vmul.f32 v18, v23;
	v23 =	vpop (erf);
	v17 =	vadd.f32 $9.954266540e-01, v17;
	v20 =	vmul.f32 v20, v24  }
0x1de: {  	v30 =	vadd.f32 $-4.640707080e-01, v30;
	v7 =	vmul.f32 v7, v19;
	v19 =	vmul.f32 $5.486231300e-02, v23  }
0x1df: {  	v14 =	vadd.f32 $9.954266540e-01, v14;
	v28 =	vmul.f32 v28, v26;
	v31 =	vadd.f32 $-4.640707080e-01, v31  }
0x1e0: {  	v17 =	vmul.f32 v17, v25;
	v20 =	vadd.f32 $9.954266540e-01, v20;
	v30 =	vmul.f32 v30, v22  }
0x1e1: {  	v25 =	vpop (erf);
	v18 =	vadd.f32 $1.415801820e-04, v18;
	v14 =	vmul.f32 v14, v21;
	v19 =	vsub.f32 $2.164085810e-01, v19  }
0x1e2: {  	v21 =	vmul.f32 $5.486231300e-02, v25;
	v28 =	vadd.f32 $9.954266540e-01, v28;
	v7 =	vadd.f32 $1.415801820e-04, v7  }
0x1e3: {  	v31 =	vmul.f32 v31, v29;
	v30 =	vadd.f32 $9.954266540e-01, v30;
	v17 =	vadd.f32 $1.415801820e-04, v17  }
0x1e4: {  	v20 =	vmul.f32 v20, v24;
	v11 =	vadd.f32 v18, v11;
	v21 =	vsub.f32 $2.164085810e-01, v21  }
0x1e5: {  	v24 =	vpop (erf);
	v19 =	vmul.f32 v19, v23;
	v26 =	vmul.f32 v28, v26;
	v31 =	vadd.f32 $9.954266540e-01, v31  }
0x1e6: {  	v28 =	vmul.f32 $5.486231300e-02, v24;
	v7 =	vadd.f32 v7, v62;
	v14 =	vadd.f32 $1.415801820e-04, v14  }
0x1e7: {  	v6 =	vadd.f32 v17, v6;
	v20 =	vadd.f32 $1.415801820e-04, v20;
	v21 =	vmul.f32 v21, v25  }
0x1e8: {  	v22 =	vmul.f32 v30, v22;
	v19 =	vadd.f32 $-4.640707080e-01, v19;
	v28 =	vsub.f32 $2.164085810e-01, v28  }
0x1e9: {  	v29 =	vmul.f32 v31, v29;
	v5 =	vadd.f32 v14, v5;
	v30 =	vpop (erf);
	v21 =	vadd.f32 $-4.640707080e-01, v21  }
0x1ea: {  	v26 =	vadd.f32 $1.415801820e-04, v26;
	v31 =	vmul.f32 $5.486231300e-02, v30;
	v28 =	vmul.f32 v28, v24  }
0x1eb: {  	v2 =	vadd.f32 v20, v2;
	v19 =	vmul.f32 v19, v23;
	v21 =	vmul.f32 v21, v25  }
0x1ec: {  	v59 =	vsel vm7, $0x3E4CCCCD, v27;
	v31 =	vsub.f32 $2.164085810e-01, v31;
	v28 =	vadd.f32 $-4.640707080e-01, v28  }
0x1ed: {  	v1 =	vmax.f32 v1, $0.0e+00;
	v19 =	vadd.f32 $9.954266540e-01, v19;
	v21 =	vadd.f32 $9.954266540e-01, v21  }
0x1ee: {  	v22 =	vadd.f32 $1.415801820e-04, v22;
	v28 =	vmul.f32 v28, v24;
	v31 =	vmul.f32 v31, v30  }
0x1ef: {  	v26 =	vadd.f32 v26, v0;
	v19 =	vmul.f32 v19, v23;
	v23 =	vpop (erf);
	v21 =	vmul.f32 v21, v25  }
0x1f0: {  	v18 =	vpop (erf);
	v25 =	vmul.f32 $5.486231300e-02, v23;
	v28 =	vadd.f32 $9.954266540e-01, v28;
	v31 =	vadd.f32 $-4.640707080e-01, v31  }
0x1f1: {  	v9 =	vadd.f32 v22, v9;
	v63 =	vmul.f32 $5.486231300e-02, v18;
	v17 =	vpop (erf);
	v19 =	vadd.f32 $1.415801820e-04, v19  }
0x1f2: {  	v14 =	vmul.f32 $5.486231300e-02, v17;
	v25 =	vsub.f32 $2.164085810e-01, v25;
	v31 =	vmul.f32 v31, v30  }
0x1f3: {  	v24 =	vmul.f32 v28, v24;
	v32 =	vsub.f32 $2.164085810e-01, v63;
	v15 =	vadd.f32 v19, v15  }
0x1f4: {  	v14 =	vsub.f32 $2.164085810e-01, v14;
	v25 =	vmul.f32 v25, v23;
	v28 =	vpop (erf);
	v31 =	vadd.f32 $9.954266540e-01, v31  }
0x1f5: {  	v32 =	vmul.f32 v32, v18;
	v22 =	vadd.f32 $1.415801820e-04, v24;
	v20 =	vmul.f32 $5.486231300e-02, v28  }
0x1f6: {  	v14 =	vmul.f32 v14, v17;
	v25 =	vadd.f32 $-4.640707080e-01, v25;
	v30 =	vmul.f32 v31, v30  }
0x1f7: {  	v19 =	vsel vm11, $0x3E4CCCCD, v27;
	v32 =	vadd.f32 $-4.640707080e-01, v32;
	v20 =	vsub.f32 $2.164085810e-01, v20  }
0x1f8: {  	v0 =	vadd.f32 $-4.640707080e-01, v14;
	v25 =	vmul.f32 v25, v23;
	v24 =	vadd.f32 $1.415801820e-04, v30  }
0x1f9: {  	v12 =	vadd.f32 v22, v12;
	v22 =	vsel vm3, $0x3E4CCCCD, v27;
	v20 =	vmul.f32 v20, v28  }
0x1fa: {  	v0 =	vmul.f32 v0, v17;
	v25 =	vadd.f32 $9.954266540e-01, v25;
	v13 =	vadd.f32 v24, v13  }
0x1fb: {  	v24 =	vsel vm6, $0x3E4CCCCD, v27;
	v14 =	vadd.f32 $-4.640707080e-01, v20;
	v20 =	vmul.f32 v32, v18  }
0x1fc: {  	v0 =	vadd.f32 $9.954266540e-01, v0;
	v11 =	vmul.f32 v11, v24;
	v23 =	vmul.f32 v25, v23  }
0x1fd: {  	v25 =	vmul.f32 v14, v28;
	v20 =	vadd.f32 $9.954266540e-01, v20;
	v14 =	vadd.f32 $1.415801820e-04, v29  }
0x1fe: {  	v0 =	vmul.f32 v0, v17;
	v17 =	vsel vm15, $0x3E4CCCCD, v27;
	v23 =	vadd.f32 $1.415801820e-04, v23  }
0x1ff: {  	v14 =	vadd.f32 v14, v8;
	v8 =	vmul.f32 v20, v18;
	v18 =	vadd.f32 $9.954266540e-01, v25  }
0x200: {  	v20 =	vadd.f32 $1.415801820e-04, v21;
	v21 =	vsel vm13, $0x3E4CCCCD, v27;
	v25 =	vimm.f32 $0.0e+00  }
0x201: {  	v0 =	vadd.f32 $1.415801820e-04, v0;
	v23 =	vadd.f32 v23, v1;
	v1 =	vmax.f32 v3, $0.0e+00  }
0x202: {  	v3 =	vmax.f32 v4, $0.0e+00;
	v4 =	vadd.f32 v11, v25;
	v11 =	vmul.f32 v15, v17  }
0x203: {  	v15 =	vadd.f32 v24, v25;
	v18 =	vmul.f32 v18, v28;
	v16 =	vadd.f32 v20, v16  }
0x204: {  	v20 =	vsel vm12, $0x3E4CCCCD, v27;
	v8 =	vadd.f32 $1.415801820e-04, v8;
	v1 =	vadd.f32 v0, v1  }
0x205: {  	v24 =	vadd.f32 v11, v4;
	v4 =	vsel vm2, $0x3E4CCCCD, v27;
	v17 =	vadd.f32 v17, v15  }
0x206: {  	v15 =	vsel vm4, $0x3E4CCCCD, v27;
	v8 =	vadd.f32 v8, v10;
	v10 =	vsel vm9, $0x3E4CCCCD, v27  }
0x207: {  	v18 =	vadd.f32 $1.415801820e-04, v18;
	v11 =	vmul.f32 v16, v21;
	v7 =	vmul.f32 v7, v10  }
0x208: {  	v5 =	vmul.f32 v5, v4;
	v4 =	vadd.f32 v4, v25;
	v2 =	vmul.f32 v2, v15  }
0x209: {  	v0 =	vadd.f32 v18, v3;
	v3 =	vsel vm1, $0x3E4CCCCD, v27;
	v7 =	vadd.f32 v7, v25  }
0x20a: {  	v10 =	vadd.f32 v10, v25;
	v5 =	vadd.f32 v5, v25;
	v6 =	vmul.f32 v6, v3  }
0x20b: {  	[tilespmem:$0x1FD50] =	vst v33;
	v3 =	vadd.f32 v3, v25;
	v28 =	vadd.f32 v11, v7;
	v7 =	vsel vm5, $0x3E4CCCCD, v27  }
0x20c: {  	[tilespmem:$0x1FD60] =	vst v34;
	v6 =	vadd.f32 v6, v25;
	v11 =	vmul.f32 v12, v19;
	v12 =	vadd.f32 v21, v10  }
0x20d: {  	[tilespmem:$0x1FD70] =	vst v35;
	v10 =	vmul.f32 v13, v20;
	v13 =	vadd.f32 v19, v3;
	v19 =	vadd.f32 v20, v4  }
0x20e: {  	[tilespmem:$0x1FD80] =	vst v36;
	v4 =	vmul.f32 v9, v54;
	v9 =	vimm.f32 $0.0e+00;
	v21 =	vadd.f32 v11, v6  }
0x20f: {  	[tilespmem:$0x1FD90] =	vst v37;
	v3 =	vmul.f32 v26, v7;
	v29 =	vadd.f32 v10, v5;
	v6 =	vadd.f32 v2, v25  }
0x210: {  	[tilespmem:$0x1FDA0] =	vst v38;
	v10 =	vadd.f32 v15, v25;
	v11 =	vmul.f32 v23, v22;
	v2 =	vadd.f32 v7, v25  }
0x211: {  	s20 =	simm.s32 $0x0;
	[tilespmem:$0x1FDB0] =	vst v39;
	v5 =	vmul.f32 v8, v52;
	v15 =	vimm.f32 $0.0e+00;
	v3 =	vadd.f32 v3, v25  }
0x212: {  	s19 =	simm.s32 $0x2820;
	[tilespmem:$0x1FDC0] =	vst v40;
	s21 =	simm.s32 $0x0;
	s18 =	simm.s32 $0x0;
	v11 =	vadd.f32 v11, v6;
	v8 =	vadd.f32 v22, v10;
	v10 =	vimm.f32 $0.0e+00  }
.LBB2_8:
0x213: {  	v6 =	vld [tilespmem:s19+$0x0]  }
0x214: {  	v38 =	vld [tilespmem:$0x1FD60]  }
0x215: {  	v39 =	vld [tilespmem:$0x1FD70]  }
0x216: {  	v40 =	vld [tilespmem:$0x1FD80]  }
0x217: {  	v41 =	vld [tilespmem:$0x1FD90];
	v2 =	vadd.f32 v52, v2  }
0x218: {  	v7 =	vmul.f32 v14, v53;
	v42 =	vld [tilespmem:$0x1FDA0];
	v3 =	vadd.f32 v5, v3  }
0x219: {  	[tilespmem:$0x1FD40] =	vst v2;
	v2 =	vadd.f32 v4, v25  }
0x21a: {  	v44 =	vld [tilespmem:$0x1FDC0];
	[tilespmem:$0x1FD30] =	vst v3;
	v3 =	vadd.f32 v54, v9;
	v4 =	vadd.f32 v7, v15  }
0x21b: {  	[tilespmem:$0x1FC70] =	vst v28;
	v1 =	vmul.f32 v1, v59;
	v5 =	vadd.f32 v53, v10;
	v14 =	vsub.f32 v38, v6  }
0x21c: {  	[tilespmem:$0x1FC50] =	vst v24;
	v0 =	vmul.f32 v0, v56;
	s17 =	sadd.s32 $0x100, s17;
	s20 =	sadd.s32 $0x20, s20;
	v15 =	vsub.f32 v39, v6;
	v16 =	vsub.f32 v40, v6  }
0x21d: {  	[tilespmem:$0x1FC60] =	vst v17;
	s22 =	sand.u32 $0x60, s20;
	s23 =	sand.u32 $0x3C00, s17;
	v17 =	vsub.f32 v41, v6;
	v18 =	vsub.f32 v42, v6  }
0x21e: {  	[tilespmem:$0x1FCA0] =	vst v21;
	v37 =	vld [tilespmem:$0x1FD50];
	s23 =	sadd.s32 $0x3080, s23;
	s24 =	sor.u32 $0x10, s22;
	v1 =	vadd.f32 v1, v2;
	v0 =	vadd.f32 v0, v4  }
0x21f: {  	v43 =	vld [tilespmem:$0x1FDB0];
	[tilespmem:$0x1FCB0] =	vst v13;
	s25 =	sor.u32 s24, s23;
	v4 =	vsub.f32 v44, v6;
	v20 =	vsub.f32 $0.0e+00, v14  }
0x220: {  	[tilespmem:$0x1FD00] =	vst v11;
	v7 =	vld [tilespmem:s25+$0x200];
	v21 =	vsub.f32 $0.0e+00, v15;
	v24 =	vsub.f32 $0.0e+00, v16  }
0x221: {  	[tilespmem:$0x1FD10] =	vst v8;
	s26 =	sand.u32 $0x780, s20;
	s22 =	sor.u32 s22, s23;
	v8 =	vld [tilespmem:s25+$0x280];
	v25 =	vsub.f32 $0.0e+00, v17;
	v28 =	vsub.f32 $0.0e+00, v18  }
0x222: {  	s23 =	sor.u32 s24, s26;
	v9 =	vld [tilespmem:s22+$0x0];
	v11 =	vand.u32 $0x7FFFFFFF, v14;
	v13 =	vand.u32 $0x7FFFFFFF, v15;
	[tilespmem:$0x1FC40] =	vst v1;
	v1 =	vadd.f32 v59, v3  }
0x223: {  	v34 =	vld [tilespmem:s23+$0x2800];
	v22 =	vand.u32 $0x7FFFFFFF, v16;
	[tilespmem:$0x1FCF0] =	vst v0;
	v0 =	vadd.f32 v56, v5;
	v5 =	vsub.f32 v37, v6  }
0x224: {  	[tilespmem:$0x1FC80] =	vst v12;
	v12 =	vld [tilespmem:s22+$0x80];
	v23 =	vand.u32 $0x7FFFFFFF, v17;
	v3 =	vsub.f32 v43, v6;
	v30 =	vsub.f32 $0.0e+00, v4  }
0x225: {  	v26 =	vld [tilespmem:s22+$0x100];
	v31 =	vand.u32 $0x7FFFFFFF, v18;
	v36 =	vsub.f32 $0.0e+00, v11;
	v49 =	vsub.f32 $0.0e+00, v13  }
0x226: {  	v33 =	vand.u32 $0x7FFFFFFF, v4;
	v50 =	vsub.f32 $0.0e+00, v22;
	v62 =	vsub.f32 $0.0e+00, v23  }
0x227: {  	v31 =	vsub.f32 $0.0e+00, v31;
	vm1 =	veq.s32 v7, $0x0;
	vm4 =	veq.s32 v8, $0x0  }
0x228: {  	v2 =	vld [tilespmem:s25+$0x100];
	vm6 =	veq.s32 v9, $0x0;
	v33 =	vsub.f32 $0.0e+00, v33;
	v7 =	vsub.f32 v38, v34  }
0x229: {  	vm7 =	veq.s32 v12, $0x0;
	v22 =	vsub.f32 v41, v34;
	v23 =	vsub.f32 v42, v34  }
0x22a: {  	[tilespmem:$0x1FCD0] =	vst v19;
	v6 =	vld [tilespmem:s25+$0x180];
	vm8 =	veq.s32 v26, $0x0;
	v26 =	vsub.f32 v44, v34;
	v19 =	vsub.f32 $0.0e+00, v5  }
0x22b: {  	[tilespmem:$0x1FCC0] =	vst v29;
	v8 =	vld [tilespmem:s22+$0x280];
	v29 =	vsub.f32 $0.0e+00, v3;
	v10 =	vand.u32 $0x7FFFFFFF, v5;
	v32 =	vand.u32 $0x7FFFFFFF, v3  }
0x22c: {  	[tilespmem:$0x1FCE0] =	vst v0;
	v0 =	vld [tilespmem:s25+$0x0];
	v15 =	vsel vm8, v15, v21;
	v46 =	vmul.f32 $1.442695020e+00, v62;
	v31 =	vmul.f32 $1.442695020e+00, v31  }
0x22d: {  	[tilespmem:$0x1FC90] =	vst v1;
	v1 =	vld [tilespmem:s25+$0x80];
	vm0 =	veq.s32 v2, $0x0;
	v35 =	vsub.f32 $0.0e+00, v10;
	v32 =	vsub.f32 $0.0e+00, v32  }
0x22e: {  	v51 =	vsub.f32 $0.0e+00, v26;
	v33 =	vmul.f32 $1.442695020e+00, v33;
	v63 =	vand.u32 $0x7FFFFFFF, v7  }
0x22f: {  	v2 =	vld [tilespmem:s22+$0x200];
	v5 =	vsel vm6, v5, v19;
	v19 =	vsel vm7, v14, v20;
	vm2 =	veq.s32 v6, $0x0  }
0x230: {  	v6 =	vsub.f32 v37, v34;
	v14 =	vmax.f32 v5, $0.0e+00;
	v5 =	vmul.f32 $1.442695020e+00, v35  }
0x231: {  	s21 =	sadd.s32 $0x1, s21;
	v19 =	vmax.f32 v19, $0.0e+00;
	v35 =	vmul.f32 $1.442695020e+00, v50;
	v32 =	vmul.f32 $1.442695020e+00, v32  }
0x232: {  	s28 =	sand.u32 $0x3, s21;
	vm11 =	veq.s32 v8, $0x0;
	vm5 =	veq.s32 v0, $0x0;
	vm3 =	veq.s32 v1, $0x0  }
0x233: {  	v0 =	vld [tilespmem:s22+$0x180];
	s22 =	sshll.u32 s28, $0x5;
	v1 =	vsub.f32 v39, v34;
	v47 =	vand.u32 $0x7FFFFFFF, v6;
	(erf) = vpow2.f32 v5  }
0x234: {  	v5 =	vand.u32 $0x7FFFFFFF, v22;
	v39 =	vand.u32 $0x7FFFFFFF, v23;
	s22 =	sadd.s32 s22, s17;
	vm10 =	veq.s32 v2, $0x0  }
0x235: {  	v2 =	vsub.f32 v40, v34;
	v55 =	vsub.f32 $0.0e+00, v39;
	s29 =	sor.u32 $0x300, s22;
	s30 =	sor.u32 $0x380, s22;
	s22 =	sadd.s32 $0x10, s22;
	v21 =	vsel vm10, v17, v25  }
0x236: {  	v25 =	vsel vm11, v18, v28;
	v17 =	vmax.f32 v15, $0.0e+00;
	v28 =	vsub.f32 $0.0e+00, v1;
	v45 =	vld [tilespmem:s30+$0x3080];
	s31 =	sor.u32 $0x300, s22  }
0x237: {  	v48 =	vand.u32 $0x7FFFFFFF, v1;
	v15 =	vmax.f32 v21, $0.0e+00;
	v21 =	vmul.f32 $1.442695020e+00, v49;
	v20 =	vld [tilespmem:s31+$0x3080]  }
0x238: {  	v49 =	vand.u32 $0x7FFFFFFF, v2;
	vm9 =	veq.s32 v0, $0x0;
	v0 =	vsub.f32 v43, v34;
	v43 =	vld [tilespmem:s29+$0x3080]  }
0x239: {  	v1 =	vsel vm0, v1, v28;
	v34 =	vsub.f32 $0.0e+00, v23;
	v16 =	vsel vm9, v16, v24  }
0x23a: {  	v18 =	vmax.f32 v16, $0.0e+00;
	v16 =	vmax.f32 v25, $0.0e+00;
	v25 =	vsub.f32 $0.0e+00, v6  }
0x23b: {  	v50 =	vsub.f32 $0.0e+00, v0;
	v44 =	vand.u32 $0x7FFFFFFF, v0;
	vm13 =	veq.s32 v45, $0x0  }
0x23c: {  	v45 =	vand.u32 $0x7FFFFFFF, v26;
	vm14 =	veq.s32 v20, $0x0;
	v20 =	vmul.f32 $1.442695020e+00, v36  }
0x23d: {  	v4 =	vsel vm13, v4, v30;
	v30 =	vsub.f32 $0.0e+00, v22;
	vm12 =	veq.s32 v43, $0x0  }
0x23e: {  	s22 =	sor.u32 $0x380, s22;
	v40 =	vsub.f32 $0.0e+00, v45;
	v3 =	vsel vm12, v3, v29;
	(erf) = vpow2.f32 v20  }
0x23f: {  	v24 =	vld [tilespmem:s22+$0x3080];
	(erf) = vpow2.f32 v21;
	v20 =	vmax.f32 v3, $0.0e+00;
	v3 =	vsub.f32 $0.0e+00, v47  }
0x240: {  	v21 =	vmax.f32 v4, $0.0e+00;
	v4 =	vsub.f32 $0.0e+00, v63;
	(erf) = vpow2.f32 v35  }
0x241: {  	v41 =	vsel vm5, v6, v25;
	(erf) = vpow2.f32 v46;
	v46 =	vmul.f32 $1.442695020e+00, v3  }
0x242: {  	v63 =	vsub.f32 $0.0e+00, v44;
	v47 =	vmul.f32 $1.442695020e+00, v4;
	(erf) = vpow2.f32 v31  }
0x243: {  	v31 =	vsub.f32 $0.0e+00, v48;
	v48 =	vsub.f32 $0.0e+00, v49;
	(erf) = vpow2.f32 v32  }
0x244: {  	vm15 =	veq.s32 v24, $0x0;
	v25 =	vmul.f32 $1.442695020e+00, v63;
	(erf) = vpow2.f32 v33  }
0x245: {  	v49 =	vsub.f32 $0.0e+00, v5;
	v3 =	vpop (erf);
	v31 =	vmul.f32 $1.442695020e+00, v31;
	v32 =	vmul.f32 $1.442695020e+00, v48  }
0x246: {  	v24 =	vsub.f32 $0.0e+00, v7;
	v43 =	vmul.f32 $5.486231300e-02, v3;
	(erf) = vpow2.f32 v46  }
0x247: {  	v29 =	vsub.f32 $0.0e+00, v2;
	v62 =	vmul.f32 $1.442695020e+00, v49;
	(erf) = vpow2.f32 v47  }
0x248: {  	v33 =	vmul.f32 $1.442695020e+00, v40;
	v40 =	vsub.f32 $2.164085810e-01, v43;
	v4 =	vpop (erf);
	(erf) = vpow2.f32 v31  }
0x249: {  	v42 =	vsel vm3, v7, v24;
	v31 =	vmul.f32 $1.442695020e+00, v55;
	v5 =	vpop (erf);
	(erf) = vpow2.f32 v32  }
0x24a: {  	v2 =	vsel vm2, v2, v29;
	v44 =	vmul.f32 $5.486231300e-02, v4;
	v40 =	vmul.f32 v40, v3  }
0x24b: {  	v24 =	vsel vm4, v23, v34;
	v6 =	vpop (erf);
	(erf) = vpow2.f32 v62;
	v45 =	vmul.f32 $5.486231300e-02, v5  }
0x24c: {  	v23 =	vsel vm14, v0, v50;
	v7 =	vpop (erf);
	(erf) = vpow2.f32 v31;
	v46 =	vmul.f32 $5.486231300e-02, v6  }
0x24d: {  	v40 =	vadd.f32 $-4.640707080e-01, v40;
	v62 =	vpop (erf);
	(erf) = vpow2.f32 v25;
	v25 =	vsel vm1, v22, v30  }
0x24e: {  	v22 =	vsel vm15, v26, v51;
	v26 =	vmax.f32 v41, $0.0e+00;
	v41 =	vsub.f32 $2.164085810e-01, v44  }
0x24f: {  	v51 =	vsub.f32 $2.164085810e-01, v45;
	v63 =	vpop (erf);
	(erf) = vpow2.f32 v33;
	v35 =	vmul.f32 $5.486231300e-02, v62  }
0x250: {  	v37 =	vsub.f32 $2.164085810e-01, v46;
	v40 =	vmul.f32 v40, v3;
	v55 =	vmul.f32 $5.486231300e-02, v63  }
0x251: {  	v0 =	vmax.f32 v42, $0.0e+00;
	v29 =	vpop (erf);
	v41 =	vmul.f32 v41, v4;
	v51 =	vmul.f32 v51, v5  }
0x252: {  	v28 =	vpop (erf);
	v50 =	vmul.f32 $5.486231300e-02, v29;
	v45 =	vsub.f32 $2.164085810e-01, v35;
	v37 =	vmul.f32 v37, v6  }
0x253: {  	v40 =	vadd.f32 $9.954266540e-01, v40;
	v30 =	vpop (erf);
	v42 =	vmul.f32 $5.486231300e-02, v28;
	v39 =	vsub.f32 $2.164085810e-01, v55  }
0x254: {  	v41 =	vadd.f32 $-4.640707080e-01, v41;
	v51 =	vadd.f32 $-4.640707080e-01, v51;
	v43 =	vmul.f32 $5.486231300e-02, v30  }
0x255: {  	v31 =	vpop (erf);
	v50 =	vsub.f32 $2.164085810e-01, v50;
	v45 =	vmul.f32 v45, v62;
	v3 =	vmul.f32 v40, v3  }
0x256: {  	v37 =	vadd.f32 $-4.640707080e-01, v37;
	v32 =	vpop (erf);
	v44 =	vmul.f32 $5.486231300e-02, v31;
	v41 =	vmul.f32 v41, v4  }
0x257: {  	v42 =	vsub.f32 $2.164085810e-01, v42;
	v51 =	vmul.f32 v51, v5;
	v46 =	vmul.f32 $5.486231300e-02, v32  }
0x258: {  	v43 =	vsub.f32 $2.164085810e-01, v43;
	v50 =	vmul.f32 v50, v29;
	v45 =	vadd.f32 $-4.640707080e-01, v45  }
0x259: {  	v33 =	vpop (erf);
	v37 =	vmul.f32 v37, v6;
	v3 =	vadd.f32 $1.415801820e-04, v3;
	v44 =	vsub.f32 $2.164085810e-01, v44  }
0x25a: {  	v34 =	vpop (erf);
	v42 =	vmul.f32 v42, v28;
	v41 =	vadd.f32 $9.954266540e-01, v41;
	v51 =	vadd.f32 $9.954266540e-01, v51  }
0x25b: {  	v35 =	vpop (erf);
	v46 =	vsub.f32 $2.164085810e-01, v46;
	v43 =	vmul.f32 v43, v30;
	v50 =	vadd.f32 $-4.640707080e-01, v50  }
0x25c: {  	v45 =	vmul.f32 v45, v62;
	v37 =	vadd.f32 $9.954266540e-01, v37;
	v55 =	vmul.f32 $5.486231300e-02, v35  }
0x25d: {  	v3 =	vadd.f32 v3, v14;
	v36 =	vpop (erf);
	v44 =	vmul.f32 v44, v31;
	v4 =	vmul.f32 v41, v4  }
0x25e: {  	v42 =	vadd.f32 $-4.640707080e-01, v42;
	v5 =	vmul.f32 v51, v5;
	v49 =	vmul.f32 $5.486231300e-02, v36  }
0x25f: {  	v46 =	vmul.f32 v46, v32;
	v43 =	vadd.f32 $-4.640707080e-01, v43;
	v45 =	vadd.f32 $9.954266540e-01, v45  }
0x260: {  	v50 =	vmul.f32 v50, v29;
	v55 =	vsub.f32 $2.164085810e-01, v55;
	v44 =	vadd.f32 $-4.640707080e-01, v44  }
0x261: {  	v6 =	vmul.f32 v37, v6;
	v4 =	vadd.f32 $1.415801820e-04, v4;
	v5 =	vadd.f32 $1.415801820e-04, v5  }
0x262: {  	v42 =	vmul.f32 v42, v28;
	v49 =	vsub.f32 $2.164085810e-01, v49;
	v46 =	vadd.f32 $-4.640707080e-01, v46  }
0x263: {  	v43 =	vmul.f32 v43, v30;
	v50 =	vadd.f32 $9.954266540e-01, v50;
	v45 =	vmul.f32 v45, v62  }
0x264: {  	v55 =	vmul.f32 v55, v35;
	v44 =	vmul.f32 v44, v31;
	v40 =	vadd.f32 $9.954266540e-01, v42  }
0x265: {  	v4 =	vadd.f32 v4, v19;
	v5 =	vadd.f32 v5, v17;
	v49 =	vmul.f32 v49, v36  }
0x266: {  	v41 =	vadd.f32 $9.954266540e-01, v43;
	v29 =	vmul.f32 v50, v29;
	v55 =	vadd.f32 $-4.640707080e-01, v55  }
0x267: {  	v46 =	vmul.f32 v46, v32;
	v42 =	vadd.f32 $9.954266540e-01, v44;
	v49 =	vadd.f32 $-4.640707080e-01, v49  }
0x268: {  	v28 =	vmul.f32 v40, v28;
	v29 =	vadd.f32 $1.415801820e-04, v29;
	v30 =	vmul.f32 v41, v30  }
0x269: {  	v37 =	vadd.f32 $9.954266540e-01, v46;
	v55 =	vmul.f32 v55, v35;
	v49 =	vmul.f32 v49, v36  }
0x26a: {  	v19 =	vmul.f32 v42, v31;
	v14 =	vadd.f32 v29, v21;
	v21 =	vadd.f32 $1.415801820e-04, v28  }
0x26b: {  	v17 =	vmul.f32 v37, v32;
	v55 =	vadd.f32 $9.954266540e-01, v55;
	v62 =	vadd.f32 $9.954266540e-01, v49  }
0x26c: {  	v1 =	vmax.f32 v1, $0.0e+00;
	v28 =	vadd.f32 $1.415801820e-04, v30;
	v19 =	vadd.f32 $1.415801820e-04, v19  }
0x26d: {  	v17 =	vadd.f32 $1.415801820e-04, v17;
	v29 =	vmul.f32 v55, v35;
	v30 =	vmul.f32 v62, v36  }
0x26e: {  	v2 =	vmax.f32 v2, $0.0e+00;
	v21 =	vadd.f32 v21, v26;
	v26 =	vadd.f32 v28, v0  }
0x26f: {  	v0 =	vmax.f32 v23, $0.0e+00;
	v29 =	vadd.f32 $1.415801820e-04, v29;
	v30 =	vadd.f32 $1.415801820e-04, v30  }
0x270: {  	v19 =	vadd.f32 v19, v1;
	v2 =	vadd.f32 v17, v2;
	v17 =	vmax.f32 v22, $0.0e+00  }
0x271: {  	v1 =	vadd.f32 v29, v0;
	v0 =	vadd.f32 v30, v17;
	v17 =	vld [tilespmem:$0x1FC50];
	_ =	sdelay $0x1  }
0x272: {  	v13 =	vsel vm6, $0x3E4CCCCD, v27  }
0x273: {  	v3 =	vmul.f32 v3, v13;
	_ =	sdelay $0x1  }
0x274: {  	v3 =	vadd.f32 v3, v17;
	v17 =	vld [tilespmem:$0x1FC60];
	_ =	sdelay $0x2  }
0x275: {  	v39 =	vmul.f32 v39, v63  }
0x276: {  	v9 =	vsel vm5, $0x3E4CCCCD, v27;
	v48 =	vmul.f32 $5.486231300e-02, v34  }
0x277: {  	v39 =	vadd.f32 $-4.640707080e-01, v39;
	v13 =	vadd.f32 v13, v17;
	v17 =	vmul.f32 v21, v9;
	v21 =	vld [tilespmem:$0x1FC70]  }
0x278: {  	v48 =	vsub.f32 $2.164085810e-01, v48  }
0x279: {  	v12 =	vsel vm7, $0x3E4CCCCD, v27;
	v39 =	vmul.f32 v39, v63  }
0x27a: {  	v48 =	vmul.f32 v48, v34;
	v4 =	vmul.f32 v4, v12  }
0x27b: {  	v47 =	vmul.f32 $5.486231300e-02, v7;
	v39 =	vadd.f32 $9.954266540e-01, v39  }
0x27c: {  	v48 =	vadd.f32 $-4.640707080e-01, v48;
	v4 =	vadd.f32 v4, v21;
	v21 =	vld [tilespmem:$0x1FC80]  }
0x27d: {  	v38 =	vsub.f32 $2.164085810e-01, v47  }
0x27e: {  	v39 =	vmul.f32 v39, v63;
	v48 =	vmul.f32 v48, v34  }
0x27f: {  	v38 =	vmul.f32 v38, v7;
	v6 =	vadd.f32 $1.415801820e-04, v6  }
0x280: {  	v39 =	vadd.f32 $1.415801820e-04, v39;
	v51 =	vadd.f32 $9.954266540e-01, v48  }
0x281: {  	v8 =	vsel vm3, $0x3E4CCCCD, v27;
	v38 =	vadd.f32 $-4.640707080e-01, v38;
	v12 =	vadd.f32 v12, v21  }
0x282: {  	v6 =	vadd.f32 v6, v18;
	v18 =	vadd.f32 v39, v20;
	v20 =	vmul.f32 v51, v34  }
0x283: {  	v38 =	vmul.f32 v38, v7;
	v21 =	vmul.f32 v26, v8;
	v12 =	vadd.f32 v8, v12;
	v8 =	vld [tilespmem:$0x1FCC0]  }
0x284: {  	v10 =	vsel vm1, $0x3E4CCCCD, v27;
	v20 =	vadd.f32 $1.415801820e-04, v20  }
0x285: {  	[tilespmem:$0x1FD20] =	vst v10;
	v10 =	vsel vm9, $0x3E4CCCCD, v27;
	v24 =	vmax.f32 v24, $0.0e+00;
	v38 =	vadd.f32 $9.954266540e-01, v38  }
0x286: {  	v20 =	vadd.f32 v20, v24;
	v24 =	vadd.f32 v17, v3;
	v3 =	vmul.f32 v6, v10  }
0x287: {  	v57 =	vsel vm2, $0x3E4CCCCD, v27;
	v47 =	vmul.f32 $5.486231300e-02, v33;
	v7 =	vmul.f32 v38, v7  }
0x288: {  	v2 =	vmul.f32 v2, v57;
	v28 =	vadd.f32 v21, v4;
	v4 =	vld [tilespmem:$0x1FCA0];
	v3 =	vadd.f32 v3, v8  }
0x289: {  	v7 =	vadd.f32 $1.415801820e-04, v7  }
0x28a: {  	v11 =	vsel vm8, $0x3E4CCCCD, v27;
	v47 =	vsub.f32 $2.164085810e-01, v47;
	v29 =	vadd.f32 v2, v3;
	v2 =	vld [tilespmem:$0x1FD00]  }
0x28b: {  	v7 =	vadd.f32 v7, v15;
	v5 =	vmul.f32 v5, v11  }
0x28c: {  	v58 =	vsel vm0, $0x3E4CCCCD, v27;
	v60 =	vsel vm10, $0x3E4CCCCD, v27;
	v47 =	vmul.f32 v47, v33  }
0x28d: {  	v7 =	vmul.f32 v7, v60;
	v6 =	vmul.f32 v19, v58;
	v4 =	vadd.f32 v5, v4  }
0x28e: {  	v47 =	vadd.f32 $-4.640707080e-01, v47  }
0x28f: {  	v21 =	vadd.f32 v6, v4;
	v6 =	vadd.f32 v7, v2;
	v2 =	vld [tilespmem:$0x1FD10]  }
0x290: {  	v47 =	vmul.f32 v47, v33;
	_ =	sdelay $0x1  }
0x291: {  	v45 =	vadd.f32 $1.415801820e-04, v45;
	v43 =	vadd.f32 $9.954266540e-01, v47  }
0x292: {  	v8 =	vld [tilespmem:$0x1FCD0]  }
0x293: {  	v15 =	vadd.f32 v45, v16;
	v16 =	vmul.f32 v43, v33;
	v7 =	vadd.f32 v60, v2;
	v2 =	vld [tilespmem:$0x1FD30]  }
0x294: {  	v22 =	vld [tilespmem:$0x1FD20]  }
0x295: {  	v61 =	vsel vm11, $0x3E4CCCCD, v27;
	v16 =	vadd.f32 $1.415801820e-04, v16;
	v5 =	vld [tilespmem:$0x1FCB0]  }
0x296: {  	v25 =	vmax.f32 v25, $0.0e+00;
	v4 =	vmul.f32 v15, v61  }
0x297: {  	s18 =	sadd.s32 $0x2, s18;
	v16 =	vadd.f32 v16, v25  }
0x298: {  	p0 =	slt.u32 s18, $0x7E;
	v8 =	vadd.f32 v10, v8;
	v3 =	vadd.f32 v4, v2;
	v2 =	vld [tilespmem:$0x1FD40]  }
.Ltmp3:
0x299: {  	v52 =	vsel vm4, $0x3E4CCCCD, v27;
	v53 =	vsel vm13, $0x3E4CCCCD, v27;
	v59 =	vsel vm14, $0x3E4CCCCD, v27;
	(pc) =	sbr.rel @p0 .LBB2_8-.Ltmp3, $4  }
0x29a: {  	v25 =	vld [tilespmem:$0x1FC40];
	v5 =	vadd.f32 v11, v5;
	v19 =	vadd.f32 v57, v8;
	v8 =	vmul.f32 v16, v22  }
0x29b: {  	v54 =	vsel vm12, $0x3E4CCCCD, v27;
	v56 =	vsel vm15, $0x3E4CCCCD, v27;
	v17 =	vadd.f32 v9, v13;
	v9 =	vld [tilespmem:$0x1FC90]  }
0x29c: {  	v15 =	vld [tilespmem:$0x1FCF0];
	v13 =	vadd.f32 v58, v5;
	v5 =	vmul.f32 v20, v52;
	v11 =	vadd.f32 v8, v6  }
0x29d: {  	s19 =	sadd.s32 $0x20, s19;
	v10 =	vld [tilespmem:$0x1FCE0];
	v8 =	vadd.f32 v22, v7;
	v4 =	vmul.f32 v18, v54;
	v2 =	vadd.f32 v61, v2  }
0x29e: {  	v6 =	vadd.f32 v28, v24;
	_ =	sdelay $0x1  }
0x29f: {  	v6 =	vadd.f32 v21, v6;
	_ =	sdelay $0x1  }
0x2a0: {  	v6 =	vadd.f32 v29, v6  }
0x2a1: {  	v7 =	vmul.f32 v14, v53;
	v3 =	vadd.f32 v5, v3;
	v57 =	vadd.f32 v12, v17  }
0x2a2: {  	v1 =	vmul.f32 v1, v59;
	v4 =	vadd.f32 v4, v25;
	v6 =	vadd.f32 v11, v6  }
0x2a3: {  	v5 =	vadd.f32 v13, v57;
	v7 =	vadd.f32 v7, v15  }
0x2a4: {  	v0 =	vmul.f32 v0, v56;
	v1 =	vadd.f32 v1, v4;
	v3 =	vadd.f32 v3, v6  }
0x2a5: {  	v2 =	vadd.f32 v52, v2;
	v58 =	vadd.f32 v19, v5  }
0x2a6: {  	v0 =	vadd.f32 v0, v7;
	v1 =	vadd.f32 v1, v3  }
0x2a7: {  	v60 =	vadd.f32 v54, v9;
	v4 =	vadd.f32 v8, v58  }
0x2a8: {  	v61 =	vadd.f32 v53, v10;
	v0 =	vadd.f32 v0, v1  }
0x2a9: {  	v62 =	vadd.f32 v59, v60;
	v2 =	vadd.f32 v2, v4  }
0x2aa: {  	[tilespmem:$0x7080] =	vst v0  }
0x2ab: {  	v63 =	vadd.f32 v56, v61;
	v1 =	vadd.f32 v62, v2;
	[hbm4b:s9+s4] =	stream.linear.scatter [tilespmem:s15], [sflag:$0x1], $0x80, $0x38;
	[tilespmem:$0x7100] =	vst v63  }
0x2ac: {  	_ =	swait.ge [sflag:s12], $0x80  }
0x2ad: {  	s16 =	sadd.s32 $0x1, s16;
	v0 =	vadd.f32 v63, v1;
	[sflag:s12] =	ssyncset.done $0x0  }
0x2ae: {  	p0 =	sne.s32 s16, s11;
	[sflag:s12] =	ssyncadd.s32 $0xFFFFFF80  }
.Ltmp4:
0x2af: {  	[tilespmem:$0x7080] =	vst v0;
	(pc) =	sbr.rel @p0 .LBB2_1-.Ltmp4, $4  }
0x2b0: {  	[hbm4b:s10+s4] =	stream.linear.scatter [tilespmem:s15], [sflag:$0x1], $0x80, $0x38;
	[tilespmem:$0x7100] =	vst v63  }
0x2b1: {  	_ =	swait.ge [sflag:s12], $0x80  }
0x2b2: {  	[sflag:s12] =	ssyncset.done $0x0  }
0x2b3: {  	[sflag:s12] =	ssyncadd.s32 $0xFFFFFF80  }
0x2b4: {  	_ =	sfence.sel $0x180000  }
0x2b5: {  	[bflag:$0x0] =	sbarrier.arrive $0xFFFF  }
0x2b6: {  	p0 =	sne.s32 s0, $0x0;
	_ =	strace $0x90000047  }
0x2b7: {  	s0 =	sadd.s32 @!p0 $0x100000, s3;
	[bflag:$0x2] =	sbarrier.arrive $0xFFFF  }
0x2b8: {  	[sflag:s0] =	ssyncadd.tile.s32 @!p0 $0x1;
	_ =	shalt  }
.Lfunc_end2:
_tile_overlayer_lowered:
.L_overlay_start_2:
0x2b9: {  	(tag) =	ssettag $0x2  }
0x2ba: {  	s0 =	rddreg [dreg:$0x0];
	s2 =	stileid.u32  }
0x2bb: {  	s1 =	rddreg [dreg:$0x1];
	p0 =	sne.s32 s2, $0x0  }
0x2bc: {  	s3 =	rddreg [dreg:$0x2];
	[bflag:$0x3] =	sbarrier.arrive $0xFFFF;
	s2 =	simm.s32 @!p0 $0x1C01  }
0x2bd: {  	[timem:s3], [sflag:s2] =	dma.local @!p0 [hbm:s0], s1  }
0x2be: {  	s0 =	simm.s32 @!p0 $0x1  }
0x2bf: {  	_ =	swait.ge @!p0 [sflag:s0], s1  }
0x2c0: {  	s1 =	ssub.s32 @!p0 $0x0, s1;
	[sflag:s0] =	ssyncset.done @!p0 $0x0  }
0x2c1: {  	[sflag:s0] =	ssyncadd.s32 @!p0 s1  }
0x2c2: {  	[bflag:$0x3] =	sbarrier.arrive $0xFFFF  }
0x2c3: {  	_ =	shalt  }

</sc_bundles>
